<compile_context>
chip_gen: v7x
topology: tpu7x:2x2x1
jax: 0.10.2.dev20260603
libtpu: 0.0.44.dev20260713+nightly
codegen_flags: <defaults>
</compile_context>

<pallas_src>
import functools

import jax
import jax.numpy as jnp
from jax import lax
from jax.experimental import pallas as pl
from jax.experimental.pallas import tpu as pltpu
from jax.experimental.pallas import tpu_sc as plsc

NQ = 1024
NBANK = 100000
D = 16
NCLS = 100
NBINS = 1024
LANES = 16
NC = 2
NS = 16
NTEC = NC * NS
ROWS_PER_TEC = NQ // NTEC

SIMS_N = 100352
CHUNK = 128
NCHUNK = SIMS_N // CHUNK
QT = 1024
BT = 2048
CPB = BT // CHUNK
NBLKJ = SIMS_N // BT
PAD_LOCAL = NBANK - (NBLKJ - 1) * BT
NEG = -3e38
GCH = 16
WGR = 16
IDXBUF = 896


def _logsumexp_rows(x):
    m = jnp.max(x, axis=1, keepdims=True)
    return jnp.log(jnp.sum(jnp.exp(x - m), axis=1, keepdims=True)) + m


def _sims_body(qt, feat_ref, logit_ref, blog_ref, bfeas_ref, sims_ref,
               cmax_ref, rmin_ref, rmax_ref, energy_ref):
    lse = _logsumexp_rows(blog_ref[...])
    bf = bfeas_ref[...]
    bnorm = jnp.sqrt(jnp.sum(bf * bf, axis=1, keepdims=True))
    g = (bf / bnorm + 1e-10) * lse
    f = feat_ref[...]
    norm = jnp.sqrt(jnp.sum(f * f, axis=1, keepdims=True))
    fn = f / norm + 1e-10
    s = lax.dot_general(fn, g, (((1,), (1,)), ((), ())),
                        preferred_element_type=jnp.float32)
    j = pl.program_id(1)

    def emit(s_out, s_for_min):
        s3 = s_out.reshape(qt, CPB, CHUNK)
        sims_ref[...] = s3
        cmax_ref[...] = jnp.max(s3, axis=2).reshape(1, qt, CPB)
        pmin = jnp.min(s_for_min, axis=1, keepdims=True)
        pmax = jnp.max(s_out, axis=1, keepdims=True)
        return pmin, pmax

    @pl.when(j == 0)
    def _():
        pmin, pmax = emit(s, s)
        rmin_ref[...] = pmin
        rmax_ref[...] = pmax
        energy_ref[...] = _logsumexp_rows(logit_ref[...])

    @pl.when(jnp.logical_and(j != 0, j != NBLKJ - 1))
    def _():
        pmin, pmax = emit(s, s)
        rmin_ref[...] = jnp.minimum(rmin_ref[...], pmin)
        rmax_ref[...] = jnp.maximum(rmax_ref[...], pmax)

    @pl.when(j == NBLKJ - 1)
    def _():
        lcol = lax.broadcasted_iota(jnp.int32, (qt, BT), 1)
        pad = lcol >= PAD_LOCAL
        pmin, pmax = emit(jnp.where(pad, NEG, s), jnp.where(pad, 3e38, s))
        rmin_ref[...] = jnp.minimum(rmin_ref[...], pmin)
        rmax_ref[...] = jnp.maximum(rmax_ref[...], pmax)


def _sims_stage(feature, logit, bank_feas, bank_logits):
    nq = feature.shape[0]
    qt = min(QT, nq)
    return pl.pallas_call(
        functools.partial(_sims_body, qt),
        grid=(nq // qt, NBLKJ),
        in_specs=[
            pl.BlockSpec((qt, D), lambda q, j: (q, 0)),
            pl.BlockSpec((qt, NCLS), lambda q, j: (q, 0)),
            pl.BlockSpec((BT, NCLS), lambda q, j: (j, 0)),
            pl.BlockSpec((BT, D), lambda q, j: (j, 0)),
        ],
        out_specs=[
            pl.BlockSpec((qt, CPB, CHUNK), lambda q, j: (q, j, 0)),
            pl.BlockSpec((1, qt, CPB), lambda q, j: (j, q, 0)),
            pl.BlockSpec((qt, 1), lambda q, j: (q, 0)),
            pl.BlockSpec((qt, 1), lambda q, j: (q, 0)),
            pl.BlockSpec((qt, 1), lambda q, j: (q, 0)),
        ],
        out_shape=[
            jax.ShapeDtypeStruct((nq, NCHUNK, CHUNK), jnp.float32),
            jax.ShapeDtypeStruct((NBLKJ, nq, CPB), jnp.float32),
            jax.ShapeDtypeStruct((nq, 1), jnp.float32),
            jax.ShapeDtypeStruct((nq, 1), jnp.float32),
            jax.ShapeDtypeStruct((nq, 1), jnp.float32),
        ],
    )(feature, logit, bank_logits, bank_feas)


def _suffix_select(hcnt, hsum, target):
    lane_f = lax.iota(jnp.int32, LANES).astype(jnp.float32)
    with_sum = hsum is not None

    def cond(carry):
        return jnp.logical_and(jnp.logical_not(carry[3]), carry[0] >= 0)

    def body(carry):
        j, r_c, r_s, done = carry
        c = hcnt[pl.ds(j * LANES, LANES)]
        tot_c = jnp.sum(c)
        cross = r_c + tot_c >= target
        if with_sum:
            tot_s = jnp.sum(hsum[pl.ds(j * LANES, LANES)])
            r_s = jnp.where(cross, r_s, r_s + tot_s)
        return (jnp.where(cross, j, j - 1),
                jnp.where(cross, r_c, r_c + tot_c), r_s, cross)

    init = (jnp.int32(NBINS // LANES - 1), jnp.float32(0.0), jnp.float32(0.0),
            False)
    j, r_c, r_s, _ = lax.while_loop(cond, body, init)

    j = jnp.maximum(j, 0)
    c = hcnt[pl.ds(j * LANES, LANES)]
    rc = lax.rev(jnp.cumsum(lax.rev(c, (0,))), (0,)) + r_c
    m = rc >= target
    lane = jnp.sum(jnp.where(m, 1.0, 0.0)) - 1.0
    sel = lane_f == lane
    c_l = jnp.sum(jnp.where(sel, c, 0.0))
    rc_l = jnp.sum(jnp.where(sel, rc, 0.0))
    b_sel = (j * LANES).astype(jnp.float32) + lane
    cc = rc_l - c_l
    ss = jnp.float32(0.0)
    if with_sum:
        s = hsum[pl.ds(j * LANES, LANES)]
        rs = lax.rev(jnp.cumsum(lax.rev(s, (0,))), (0,)) + r_s
        s_l = jnp.sum(jnp.where(sel, s, 0.0))
        rs_l = jnp.sum(jnp.where(sel, rs, 0.0))
        ss = rs_l - s_l
    return b_sel, cc, ss


def _scalar_at(ref, i, lane_i):
    vbase = (i // LANES) * LANES
    vec = ref[pl.ds(vbase, LANES)]
    sel = lane_i == (i - vbase)
    return jnp.sum(jnp.where(sel, vec, 0.0))


def _sc_topk_body(k_sel, rpt, sims2_hbm, cmax_hbm, lo_hbm, scale_hbm, w1_hbm,
                  esc_hbm, out_hbm,
                  cm_v, idx_v, cand_a, hcnt, hsum, acc_v,
                  lo_v, scale_v, w1_v, esc_v, res_v, sem_a):
    wid = lax.axis_index("s") * NC + lax.axis_index("c")
    base = wid * rpt
    pltpu.sync_copy(lo_hbm.at[pl.ds(base, rpt)], lo_v)
    pltpu.sync_copy(scale_hbm.at[pl.ds(base, rpt)], scale_v)
    pltpu.sync_copy(w1_hbm.at[pl.ds(base, rpt)], w1_v)
    pltpu.sync_copy(esc_hbm.at[pl.ds(base, rpt)], esc_v)
    ones = jnp.full((LANES,), 1.0, jnp.float32)
    zeros = jnp.zeros((LANES,), jnp.float32)
    izeros = jnp.zeros((LANES,), jnp.int32)
    lane_i = lax.iota(jnp.int32, LANES)
    kf = jnp.float32(k_sel)

    @plsc.parallel_loop(0, IDXBUF // LANES, unroll=5)
    def _init_idx(i):
        idx_v[pl.ds(i * LANES, LANES)] = izeros

    def zero_cnt():
        @plsc.parallel_loop(0, NBINS // LANES, unroll=8)
        def _z(i):
            hcnt[pl.ds(i * LANES, LANES)] = zeros

    def row_body(r, carry):
        q = base + r
        pltpu.sync_copy(cmax_hbm.at[:, q], cm_v)
        lo = _scalar_at(lo_v, r, lane_i)
        scale1 = _scalar_at(scale_v, r, lane_i)

        zero_cnt()

        @plsc.parallel_loop(0, NCHUNK // LANES, unroll=16)
        def _pa(i):
            v = cm_v[i, pl.ds(0, LANES)]
            x = jnp.clip((v - lo) * scale1, 0.0, float(NBINS - 1))
            plsc.addupdate_scatter(hcnt, [x.astype(jnp.int32)], ones)

        bA, _, _ = _suffix_select(hcnt, None, kf)
        bAi = bA.astype(jnp.int32)

        def comp(i, off):
            v = cm_v[i, pl.ds(0, LANES)]
            x = jnp.clip((v - lo) * scale1, 0.0, float(NBINS - 1))
            m = x.astype(jnp.int32) >= bAi
            ids = (q * NCHUNK + i * LANES) + lane_i
            plsc.store_compressed(idx_v.at[pl.ds(off, LANES)], ids, mask=m)
            cnt = plsc.all_reduce_population_count(m)
            return off + cnt[0]

        n_surv = lax.fori_loop(0, NCHUNK // LANES, comp, jnp.int32(0))
        nvals = n_surv * CHUNK
        ngr = (n_surv + jnp.int32(GCH - 1)) >> 4

        def wave_fire(wbase, gcount):
            def fire(g, c):
                idxg = idx_v[pl.ds((wbase + g) * LANES, LANES)]
                pltpu.make_async_copy(
                    sims2_hbm.at[idxg],
                    cand_a.at[pl.ds(g * LANES, LANES)], sem_a).start()
                return c

            lax.fori_loop(0, gcount, fire, 0)

            def drain(g, c):
                idxg = idx_v[pl.ds((wbase + g) * LANES, LANES)]
                pltpu.make_async_copy(
                    sims2_hbm.at[idxg],
                    cand_a.at[pl.ds(g * LANES, LANES)], sem_a).wait()
                return c

            lax.fori_loop(0, gcount, drain, 0)

        def proc_wave(wbase, gcount, body):
            wv = wbase * (LANES * CHUNK)

            @plsc.parallel_loop(0, gcount * (GCH * CHUNK // LANES), unroll=8)
            def _p(i):
                row = i >> 3
                col = (i & 7) * LANES
                v = cand_a[row, pl.ds(col, LANES)]
                valm = (wv + i * LANES + lane_i) < nvals
                body(v, valm)

        nwav = (ngr + jnp.int32(WGR - 1)) >> 4

        def waves(body):
            def wv(w, c):
                wbase = w * WGR
                gcount = jnp.minimum(ngr - wbase, WGR)
                wave_fire(wbase, gcount)
                proc_wave(wbase, gcount, body)
                return c

            lax.fori_loop(0, nwav, wv, 0)

        zero_cnt()

        def body_b(v, valm):
            x = jnp.clip((v - lo) * scale1, 0.0, float(NBINS - 1))
            plsc.addupdate_scatter(hcnt, [x.astype(jnp.int32)], ones,
                                   mask=valm)

        waves(body_b)
        b1, cc1, _ = _suffix_select(hcnt, None, kf)
        w1 = _scalar_at(w1_v, r, lane_i)
        blo = lo + b1 * w1
        scale2 = scale1 * jnp.float32(NBINS)
        k1 = kf - cc1
        b1i = b1.astype(jnp.int32)

        zero_cnt()

        @plsc.parallel_loop(0, NBINS // LANES, unroll=8)
        def _zs(i):
            hsum[pl.ds(i * LANES, LANES)] = zeros

        acc_v[pl.ds(0, LANES)] = zeros

        def body_c(v, valm):
            x = jnp.clip((v - lo) * scale1, 0.0, float(NBINS - 1))
            idx1 = x.astype(jnp.int32)
            plsc.addupdate_scatter(
                acc_v, [lane_i],
                jnp.where(jnp.logical_and(valm, idx1 > b1i), v, 0.0))
            msk = jnp.logical_and(valm, idx1 == b1i)
            x2 = jnp.clip((v - blo) * scale2, 0.0, float(NBINS - 1))
            idx2 = x2.astype(jnp.int32)
            plsc.addupdate_scatter(hcnt, [idx2], ones, mask=msk)
            plsc.addupdate_scatter(hsum, [idx2], v, mask=msk)

        @pl.when(nwav == 1)
        def _():
            proc_wave(0, ngr, body_c)

        @pl.when(nwav > 1)
        def _():
            waves(body_c)

        s1 = jnp.sum(acc_v[pl.ds(0, LANES)])
        b2, cc2, s2 = _suffix_select(hcnt, hsum, k1)
        t_hat = blo + b2 * (w1 * jnp.float32(1.0 / NBINS))
        tsum = s1 + s2 + (k1 - cc2) * t_hat
        res = tsum * _scalar_at(esc_v, r, lane_i)
        vbase = (r // LANES) * LANES
        sel = lane_i == (r - vbase)
        plsc.store_scatter(res_v, [jnp.full((LANES,), vbase, jnp.int32) + lane_i],
                           jnp.full((LANES,), 1.0, jnp.float32) * res, mask=sel)
        return carry

    lax.fori_loop(0, rpt, row_body, 0)
    pltpu.sync_copy(res_v, out_hbm.at[pl.ds(base, rpt)])


def _sc_topk(sims2, cmax, lo, scale1, w1, esc, k_sel):
    nq = lo.shape[0]
    rpt = nq // NTEC
    mesh = plsc.VectorSubcoreMesh(core_axis_name="c", subcore_axis_name="s")
    fn = pl.kernel(
        functools.partial(_sc_topk_body, k_sel, rpt),
        mesh=mesh,
        compiler_params=pltpu.CompilerParams(needs_layout_passes=False),
        out_type=jax.ShapeDtypeStruct((nq,), jnp.float32),
        scratch_types=[
            pltpu.VMEM((NBLKJ, CPB), jnp.float32),
            pltpu.VMEM((IDXBUF,), jnp.int32),
            pltpu.VMEM((WGR * GCH, CHUNK), jnp.float32),
            pltpu.VMEM((NBINS,), jnp.float32),
            pltpu.VMEM((NBINS,), jnp.float32),
            pltpu.VMEM((LANES,), jnp.float32),
            pltpu.VMEM((rpt,), jnp.float32),
            pltpu.VMEM((rpt,), jnp.float32),
            pltpu.VMEM((rpt,), jnp.float32),
            pltpu.VMEM((rpt,), jnp.float32),
            pltpu.VMEM((rpt,), jnp.float32),
            pltpu.SemaphoreType.DMA,
        ],
    )
    return fn(sims2, cmax, lo, scale1, w1, esc)


def kernel(feature, logit, bank_feas, bank_logits, k):
    k_sel = logit.shape[-1]
    nsplit = 1
    nqh = NQ // nsplit
    outs = []
    for p in range(nsplit):
        fh = feature[p * nqh:(p + 1) * nqh]
        lh = logit[p * nqh:(p + 1) * nqh]
        sims3, cmax, rmin, rmax, energy = _sims_stage(fh, lh, bank_feas,
                                                      bank_logits)
        sims2 = sims3.reshape(nqh * NCHUNK, CHUNK)
        lo = rmin.reshape(nqh)
        span = jnp.maximum(rmax.reshape(nqh) - lo, 1e-30)
        scale1 = jnp.float32(NBINS) / span
        w1 = span * jnp.float32(1.0 / NBINS)
        esc = -energy.reshape(nqh) / k
        outs.append(_sc_topk(sims2, cmax, lo, scale1, w1, esc, k_sel))
    return jnp.concatenate(outs)

# --- scband reference (transcript-rebuilt; emitter-appended) ---
"""Pipeline reference for scband-nnguide-criterion-10634339025064 (READ-ONLY COPY).

The authoritative reference and input builder live on the scoring server;
editing this copy changes nothing except your own understanding.
"""

import jax, jax.numpy as jnp
import numpy as np


def _normalizer(x):
    # faithful to: lambda x: x / np.linalg.norm(x, axis=-1, keepdims=True) + 1e-10
    return x / jnp.linalg.norm(x, axis=-1, keepdims=True) + 1e-10


def setup_inputs(seed: int = 0) -> dict:
    key = jax.random.key(seed)
    k1, k2, k3, k4 = jax.random.split(key, 4)
    feature = jax.random.normal(k1, (1024, 16), dtype=jnp.float32)
    logit = jax.random.normal(k2, (1024, 100), dtype=jnp.float32)
    bank_feas = jax.random.normal(k3, (100000, 16), dtype=jnp.float32)
    bank_logits = jax.random.normal(k4, (100000, 100), dtype=jnp.float32)
    return {
        "feature": feature,
        "logit": logit,
        "bank_feas": bank_feas,
        "bank_logits": bank_logits,
        "k": 100,
    }


def reference(feature, logit, bank_feas, bank_logits, k):
    # --- setup phase: build bank_guide = normalizer(bank_feas) * logsumexp(bank_logits) ---
    bank_confs = jax.scipy.special.logsumexp(bank_logits, axis=-1)
    bank_guide = _normalizer(bank_feas) * bank_confs[:, None]
    # --- forward phase ---
    feas_norm = _normalizer(feature)
    energy = jax.scipy.special.logsumexp(logit, axis=-1)
    # knn_score with IndexFlatIP: inner-product similarities, top-k, mean (min=False)
    sims = feas_norm @ bank_guide.T  # [Q, Bank]
    static_k = logit.shape[-1]
    topk_vals, _ = jax.lax.top_k(sims, static_k)  # [Q, k]
    conf = jnp.sum(topk_vals, axis=1) / jnp.asarray(k, dtype=topk_vals.dtype)  # [Q]
    score = conf * energy
    return -score

if __name__ == "__main__":
    import jax
    _d = setup_inputs()
    print(jax.jit(kernel)(*tuple(_d.values())))

</pallas_src>

<mosaic_0001>
#map = affine_map<(d0, d1) -> (0, 0)>
#map1 = affine_map<(d0, d1) -> (0, 0, 0)>
#map2 = affine_map<(d0, d1) -> (0)>
module attributes {stable_mosaic.version = 14 : i64} {
  func.func @_sc_topk_body(%arg0: i32, %arg1: i32, %arg2: memref<802816x128xf32, #tpu.memory_space<hbm>>, %arg3: memref<49x1024x16xf32, #tpu.memory_space<hbm>>, %arg4: memref<1024xf32, #tpu.memory_space<hbm>>, %arg5: memref<1024xf32, #tpu.memory_space<hbm>>, %arg6: memref<1024xf32, #tpu.memory_space<hbm>>, %arg7: memref<1024xf32, #tpu.memory_space<hbm>>, %arg8: memref<1024xf32, #tpu.memory_space<hbm>>, %arg9: memref<49x16xf32, #tpu.memory_space<vmem>>, %arg10: memref<896xi32, #tpu.memory_space<vmem>>, %arg11: memref<256x128xf32, #tpu.memory_space<vmem>>, %arg12: memref<1024xf32, #tpu.memory_space<vmem>>, %arg13: memref<1024xf32, #tpu.memory_space<vmem>>, %arg14: memref<16xf32, #tpu.memory_space<vmem>>, %arg15: memref<32xf32, #tpu.memory_space<vmem>>, %arg16: memref<32xf32, #tpu.memory_space<vmem>>, %arg17: memref<32xf32, #tpu.memory_space<vmem>>, %arg18: memref<32xf32, #tpu.memory_space<vmem>>, %arg19: memref<32xf32, #tpu.memory_space<vmem>>, %arg20: memref<!tpu.dma_semaphore, #tpu.memory_space<semaphore_mem>>) attributes {dimension_semantics = [#tpu.dimension_semantics<core_parallel>, #tpu.dimension_semantics<subcore_parallel>], iteration_bounds = array<i64: 2, 16>, scalar_prefetch = 0 : i64, scratch_operands = 12 : i64, tpu.core_type = #tpu.core_type<sc_vector_subcore>, window_params = [{transform_indices = #map}, {transform_indices = #map1}, {transform_indices = #map2}, {transform_indices = #map2}, {transform_indices = #map2}, {transform_indices = #map2}, {transform_indices = #map2}]} {
    %mul3A = arith.constant 2 : i32
    %mul3A_0 = arith.muli %arg1, %mul3A : i32
    %add3A = arith.addi %mul3A_0, %arg0 : i32
    %mul3A_1 = arith.constant 32 : i32
    %mul3A_2 = arith.muli %add3A, %mul3A_1 : i32
    "tpu.region"() ({
      %run_scoped3A = tpu.sem_alloc : memref<!tpu.dma_semaphore, #tpu.memory_space<semaphore_mem>>
      %dma_start3A = tpu.memref_slice %arg4[%mul3A_2] : memref<1024xf32, #tpu.memory_space<hbm>> -> memref<32xf32, #tpu.memory_space<hbm>>
      %dma_start3A_16 = tpu.memref_slice %arg4[%mul3A_2] : memref<1024xf32, #tpu.memory_space<hbm>> -> memref<32xf32, #tpu.memory_space<hbm>>
      tpu.enqueue_dma source(%dma_start3A_16 : memref<32xf32, #tpu.memory_space<hbm>>) target(%arg15 : memref<32xf32, #tpu.memory_space<vmem>>) target_semaphore(%run_scoped3A : memref<!tpu.dma_semaphore, #tpu.memory_space<semaphore_mem>>)
      %dma_wait3A = tpu.memref_slice %arg4[%mul3A_2] : memref<1024xf32, #tpu.memory_space<hbm>> -> memref<32xf32, #tpu.memory_space<hbm>>
      %dma_wait3A_17 = tpu.memref_slice %arg4[%mul3A_2] : memref<1024xf32, #tpu.memory_space<hbm>> -> memref<32xf32, #tpu.memory_space<hbm>>
      tpu.wait_dma2 semaphore(%run_scoped3A : memref<!tpu.dma_semaphore, #tpu.memory_space<semaphore_mem>>) src(%dma_wait3A_17 : memref<32xf32, #tpu.memory_space<hbm>>) dst(%arg15 : memref<32xf32, #tpu.memory_space<vmem>>)
      tpu.yield
    }) : () -> ()
    "tpu.region"() ({
      %run_scoped3A = tpu.sem_alloc : memref<!tpu.dma_semaphore, #tpu.memory_space<semaphore_mem>>
      %dma_start3A = tpu.memref_slice %arg5[%mul3A_2] : memref<1024xf32, #tpu.memory_space<hbm>> -> memref<32xf32, #tpu.memory_space<hbm>>
      %dma_start3A_16 = tpu.memref_slice %arg5[%mul3A_2] : memref<1024xf32, #tpu.memory_space<hbm>> -> memref<32xf32, #tpu.memory_space<hbm>>
      tpu.enqueue_dma source(%dma_start3A_16 : memref<32xf32, #tpu.memory_space<hbm>>) target(%arg16 : memref<32xf32, #tpu.memory_space<vmem>>) target_semaphore(%run_scoped3A : memref<!tpu.dma_semaphore, #tpu.memory_space<semaphore_mem>>)
      %dma_wait3A = tpu.memref_slice %arg5[%mul3A_2] : memref<1024xf32, #tpu.memory_space<hbm>> -> memref<32xf32, #tpu.memory_space<hbm>>
      %dma_wait3A_17 = tpu.memref_slice %arg5[%mul3A_2] : memref<1024xf32, #tpu.memory_space<hbm>> -> memref<32xf32, #tpu.memory_space<hbm>>
      tpu.wait_dma2 semaphore(%run_scoped3A : memref<!tpu.dma_semaphore, #tpu.memory_space<semaphore_mem>>) src(%dma_wait3A_17 : memref<32xf32, #tpu.memory_space<hbm>>) dst(%arg16 : memref<32xf32, #tpu.memory_space<vmem>>)
      tpu.yield
    }) : () -> ()
    "tpu.region"() ({
      %run_scoped3A = tpu.sem_alloc : memref<!tpu.dma_semaphore, #tpu.memory_space<semaphore_mem>>
      %dma_start3A = tpu.memref_slice %arg6[%mul3A_2] : memref<1024xf32, #tpu.memory_space<hbm>> -> memref<32xf32, #tpu.memory_space<hbm>>
      %dma_start3A_16 = tpu.memref_slice %arg6[%mul3A_2] : memref<1024xf32, #tpu.memory_space<hbm>> -> memref<32xf32, #tpu.memory_space<hbm>>
      tpu.enqueue_dma source(%dma_start3A_16 : memref<32xf32, #tpu.memory_space<hbm>>) target(%arg17 : memref<32xf32, #tpu.memory_space<vmem>>) target_semaphore(%run_scoped3A : memref<!tpu.dma_semaphore, #tpu.memory_space<semaphore_mem>>)
      %dma_wait3A = tpu.memref_slice %arg6[%mul3A_2] : memref<1024xf32, #tpu.memory_space<hbm>> -> memref<32xf32, #tpu.memory_space<hbm>>
      %dma_wait3A_17 = tpu.memref_slice %arg6[%mul3A_2] : memref<1024xf32, #tpu.memory_space<hbm>> -> memref<32xf32, #tpu.memory_space<hbm>>
      tpu.wait_dma2 semaphore(%run_scoped3A : memref<!tpu.dma_semaphore, #tpu.memory_space<semaphore_mem>>) src(%dma_wait3A_17 : memref<32xf32, #tpu.memory_space<hbm>>) dst(%arg17 : memref<32xf32, #tpu.memory_space<vmem>>)
      tpu.yield
    }) : () -> ()
    "tpu.region"() ({
      %run_scoped3A = tpu.sem_alloc : memref<!tpu.dma_semaphore, #tpu.memory_space<semaphore_mem>>
      %dma_start3A = tpu.memref_slice %arg7[%mul3A_2] : memref<1024xf32, #tpu.memory_space<hbm>> -> memref<32xf32, #tpu.memory_space<hbm>>
      %dma_start3A_16 = tpu.memref_slice %arg7[%mul3A_2] : memref<1024xf32, #tpu.memory_space<hbm>> -> memref<32xf32, #tpu.memory_space<hbm>>
      tpu.enqueue_dma source(%dma_start3A_16 : memref<32xf32, #tpu.memory_space<hbm>>) target(%arg18 : memref<32xf32, #tpu.memory_space<vmem>>) target_semaphore(%run_scoped3A : memref<!tpu.dma_semaphore, #tpu.memory_space<semaphore_mem>>)
      %dma_wait3A = tpu.memref_slice %arg7[%mul3A_2] : memref<1024xf32, #tpu.memory_space<hbm>> -> memref<32xf32, #tpu.memory_space<hbm>>
      %dma_wait3A_17 = tpu.memref_slice %arg7[%mul3A_2] : memref<1024xf32, #tpu.memory_space<hbm>> -> memref<32xf32, #tpu.memory_space<hbm>>
      tpu.wait_dma2 semaphore(%run_scoped3A : memref<!tpu.dma_semaphore, #tpu.memory_space<semaphore_mem>>) src(%dma_wait3A_17 : memref<32xf32, #tpu.memory_space<hbm>>) dst(%arg18 : memref<32xf32, #tpu.memory_space<vmem>>)
      tpu.yield
    }) : () -> ()
    %broadcast_in_dim3A = arith.constant 1.000000e+00 : f32
    %broadcast_in_dim3A_3 = vector.broadcast %broadcast_in_dim3A : f32 to vector<16xf32>
    %broadcast_in_dim3A_4 = arith.constant 0.000000e+00 : f32
    %broadcast_in_dim3A_5 = vector.broadcast %broadcast_in_dim3A_4 : f32 to vector<16xf32>
    %broadcast_in_dim3A_6 = arith.constant 0 : i32
    %broadcast_in_dim3A_7 = vector.broadcast %broadcast_in_dim3A_6 : i32 to vector<16xi32>
    %iota3A = tpu.iota {dimensions = array<i32: 0>} : vector<16xi32>
    %parallel_loop3A = arith.constant 0 : i32
    %parallel_loop3A_8 = arith.constant 56 : i32
    %parallel_loop3A_9 = arith.constant 1 : i32
    scf.for %parallel_loop3A_16 = %parallel_loop3A to %parallel_loop3A_8 step %parallel_loop3A_9  : i32 {
      %parallel_loop3A_17 = arith.constant 16 : i32
      %parallel_loop3A_18 = arith.muli %parallel_loop3A_16, %parallel_loop3A_17 : i32
      %parallel_loop3A_19 = arith.index_cast %parallel_loop3A_18 : i32 to index
      %parallel_loop3A_20 = tpu.vector_load %arg10[%parallel_loop3A_19] {strides = array<i32>} : memref<896xi32, #tpu.memory_space<vmem>>, vector<16xi32>,
      tpu.vector_store %arg10[%parallel_loop3A_19], %broadcast_in_dim3A_7 {strides = array<i32>} : memref<896xi32, #tpu.memory_space<vmem>>, vector<16xi32>,
    } {sc.loop_unroll_factor = 5 : i64, sc.parallel_access}
    %scan3A = arith.constant 0 : i32
    %scan3A_10 = arith.constant 1.000000e+02 : f32
    %scan3A_11 = arith.constant 0 : i32
    %scan3A_12 = arith.constant 32 : i32
    %scan3A_13 = arith.addi %scan3A_11, %scan3A_12 : i32
    %scan3A_14 = arith.constant 1 : i32
    scf.for %scan3A_16 = %scan3A_11 to %scan3A_13 step %scan3A_14  : i32 {
      %add3A_17 = arith.addi %mul3A_2, %scan3A_16 : i32
      "tpu.region"() ({
        %run_scoped3A = tpu.sem_alloc : memref<!tpu.dma_semaphore, #tpu.memory_space<semaphore_mem>>
        %dma_start3A = arith.constant 0 : i32
        %dma_start3A_480 = arith.constant 0 : i32
        %dma_start3A_481 = tpu.memref_slice %arg3[%dma_start3A, %add3A_17, %dma_start3A_480] : memref<49x1024x16xf32, #tpu.memory_space<hbm>> -> memref<49x1x16xf32, #tpu.memory_space<hbm>>
        %dma_start3A_482 = tpu.memref_squeeze %dma_start3A_481 : memref<49x1x16xf32, #tpu.memory_space<hbm>> -> memref<49x16xf32, #tpu.memory_space<hbm>>
        %dma_start3A_483 = arith.constant 0 : i32
        %dma_start3A_484 = arith.constant 0 : i32
        %dma_start3A_485 = tpu.memref_slice %arg3[%dma_start3A_483, %add3A_17, %dma_start3A_484] : memref<49x1024x16xf32, #tpu.memory_space<hbm>> -> memref<49x1x16xf32, #tpu.memory_space<hbm>>
        %dma_start3A_486 = tpu.memref_squeeze %dma_start3A_485 : memref<49x1x16xf32, #tpu.memory_space<hbm>> -> memref<49x16xf32, #tpu.memory_space<hbm>>
        tpu.enqueue_dma source(%dma_start3A_486 : memref<49x16xf32, #tpu.memory_space<hbm>>) target(%arg9 : memref<49x16xf32, #tpu.memory_space<vmem>>) target_semaphore(%run_scoped3A : memref<!tpu.dma_semaphore, #tpu.memory_space<semaphore_mem>>)
        %dma_wait3A = arith.constant 0 : i32
        %dma_wait3A_487 = arith.constant 0 : i32
        %dma_wait3A_488 = tpu.memref_slice %arg3[%dma_wait3A, %add3A_17, %dma_wait3A_487] : memref<49x1024x16xf32, #tpu.memory_space<hbm>> -> memref<49x1x16xf32, #tpu.memory_space<hbm>>
        %dma_wait3A_489 = tpu.memref_squeeze %dma_wait3A_488 : memref<49x1x16xf32, #tpu.memory_space<hbm>> -> memref<49x16xf32, #tpu.memory_space<hbm>>
        %dma_wait3A_490 = arith.constant 0 : i32
        %dma_wait3A_491 = arith.constant 0 : i32
        %dma_wait3A_492 = tpu.memref_slice %arg3[%dma_wait3A_490, %add3A_17, %dma_wait3A_491] : memref<49x1024x16xf32, #tpu.memory_space<hbm>> -> memref<49x1x16xf32, #tpu.memory_space<hbm>>
        %dma_wait3A_493 = tpu.memref_squeeze %dma_wait3A_492 : memref<49x1x16xf32, #tpu.memory_space<hbm>> -> memref<49x16xf32, #tpu.memory_space<hbm>>
        tpu.wait_dma2 semaphore(%run_scoped3A : memref<!tpu.dma_semaphore, #tpu.memory_space<semaphore_mem>>) src(%dma_wait3A_493 : memref<49x16xf32, #tpu.memory_space<hbm>>) dst(%arg9 : memref<49x16xf32, #tpu.memory_space<vmem>>)
        tpu.yield
      }) : () -> ()
      %jit3A = arith.constant 16 : i32
      %div3A = arith.divsi %scan3A_16, %jit3A : i32
      %sign3A = arith.constant 0 : i32
      %sign3A_18 = arith.cmpi sgt, %scan3A_16, %sign3A : i32
      %sign3A_19 = arith.extui %sign3A_18 : i1 to i32
      %sign3A_20 = arith.constant 0 : i32
      %sign3A_21 = arith.cmpi slt, %scan3A_16, %sign3A_20 : i32
      %sign3A_22 = arith.extui %sign3A_21 : i1 to i32
      %sign3A_23 = arith.subi %sign3A_19, %sign3A_22 : i32
      %sign3A_24 = arith.constant 0 : i32
      %sign3A_25 = arith.cmpi sgt, %jit3A, %sign3A_24 : i32
      %sign3A_26 = arith.extui %sign3A_25 : i1 to i32
      %sign3A_27 = arith.constant 0 : i32
      %sign3A_28 = arith.cmpi slt, %jit3A, %sign3A_27 : i32
      %sign3A_29 = arith.extui %sign3A_28 : i1 to i32
      %sign3A_30 = arith.subi %sign3A_26, %sign3A_29 : i32
      %ne3A = arith.cmpi ne, %sign3A_23, %sign3A_30 : i32
      %rem3A = arith.remsi %scan3A_16, %jit3A : i32
      %ne3A_31 = arith.constant 0 : i32
      %ne3A_32 = arith.cmpi ne, %rem3A, %ne3A_31 : i32
      %and3A = arith.andi %ne3A, %ne3A_32 : i1
      %sub3A = arith.constant 1 : i32
      %sub3A_33 = arith.subi %div3A, %sub3A : i32
      %select_n3A = arith.select %and3A, %sub3A_33, %div3A : i32
      %mul3A_34 = arith.constant 16 : i32
      %mul3A_35 = arith.muli %select_n3A, %mul3A_34 : i32
      %get3A = arith.index_cast %mul3A_35 : i32 to index
      %get3A_36 = tpu.vector_load %arg15[%get3A] {strides = array<i32>} : memref<32xf32, #tpu.memory_space<vmem>>, vector<16xf32>,
      %sub3A_37 = arith.subi %scan3A_16, %mul3A_35 : i32
      %eq3A = vector.broadcast %sub3A_37 : i32 to vector<16xi32>
      %eq3A_38 = arith.cmpi eq, %iota3A, %eq3A : vector<16xi32>
      %jit3A_39 = arith.constant 0.000000e+00 : f32
      %broadcast_in_dim3A_40 = vector.broadcast %jit3A_39 : f32 to vector<16xf32>
      %select_n3A_41 = arith.select %eq3A_38, %get3A_36, %broadcast_in_dim3A_40 : vector<16xi1>, vector<16xf32>
      %reduce_sum3A = arith.constant true
      %reduce_sum3A_42 = vector.broadcast %reduce_sum3A : i1 to vector<16xi1>
      %reduce_sum3A_43 = tpu.scan <sum>, %select_n3A_41 masked %reduce_sum3A_42 : vector<16xf32>, vector<16xi1> -> vector<16xf32>
      %reduce_sum3A_44 = vector.extract %reduce_sum3A_43[15] : f32 from vector<16xf32>
      %jit3A_45 = arith.constant 16 : i32
      %div3A_46 = arith.divsi %scan3A_16, %jit3A_45 : i32
      %sign3A_47 = arith.constant 0 : i32
      %sign3A_48 = arith.cmpi sgt, %scan3A_16, %sign3A_47 : i32
      %sign3A_49 = arith.extui %sign3A_48 : i1 to i32
      %sign3A_50 = arith.constant 0 : i32
      %sign3A_51 = arith.cmpi slt, %scan3A_16, %sign3A_50 : i32
      %sign3A_52 = arith.extui %sign3A_51 : i1 to i32
      %sign3A_53 = arith.subi %sign3A_49, %sign3A_52 : i32
      %sign3A_54 = arith.constant 0 : i32
      %sign3A_55 = arith.cmpi sgt, %jit3A_45, %sign3A_54 : i32
      %sign3A_56 = arith.extui %sign3A_55 : i1 to i32
      %sign3A_57 = arith.constant 0 : i32
      %sign3A_58 = arith.cmpi slt, %jit3A_45, %sign3A_57 : i32
      %sign3A_59 = arith.extui %sign3A_58 : i1 to i32
      %sign3A_60 = arith.subi %sign3A_56, %sign3A_59 : i32
      %ne3A_61 = arith.cmpi ne, %sign3A_53, %sign3A_60 : i32
      %rem3A_62 = arith.remsi %scan3A_16, %jit3A_45 : i32
      %ne3A_63 = arith.constant 0 : i32
      %ne3A_64 = arith.cmpi ne, %rem3A_62, %ne3A_63 : i32
      %and3A_65 = arith.andi %ne3A_61, %ne3A_64 : i1
      %sub3A_66 = arith.constant 1 : i32
      %sub3A_67 = arith.subi %div3A_46, %sub3A_66 : i32
      %select_n3A_68 = arith.select %and3A_65, %sub3A_67, %div3A_46 : i32
      %mul3A_69 = arith.constant 16 : i32
      %mul3A_70 = arith.muli %select_n3A_68, %mul3A_69 : i32
      %get3A_71 = arith.index_cast %mul3A_70 : i32 to index
      %get3A_72 = tpu.vector_load %arg16[%get3A_71] {strides = array<i32>} : memref<32xf32, #tpu.memory_space<vmem>>, vector<16xf32>,
      %sub3A_73 = arith.subi %scan3A_16, %mul3A_70 : i32
      %eq3A_74 = vector.broadcast %sub3A_73 : i32 to vector<16xi32>
      %eq3A_75 = arith.cmpi eq, %iota3A, %eq3A_74 : vector<16xi32>
      %jit3A_76 = arith.constant 0.000000e+00 : f32
      %broadcast_in_dim3A_77 = vector.broadcast %jit3A_76 : f32 to vector<16xf32>
      %select_n3A_78 = arith.select %eq3A_75, %get3A_72, %broadcast_in_dim3A_77 : vector<16xi1>, vector<16xf32>
      %reduce_sum3A_79 = arith.constant true
      %reduce_sum3A_80 = vector.broadcast %reduce_sum3A_79 : i1 to vector<16xi1>
      %reduce_sum3A_81 = tpu.scan <sum>, %select_n3A_78 masked %reduce_sum3A_80 : vector<16xf32>, vector<16xi1> -> vector<16xf32>
      %reduce_sum3A_82 = vector.extract %reduce_sum3A_81[15] : f32 from vector<16xf32>
      %parallel_loop3A_83 = arith.constant 0 : i32
      %parallel_loop3A_84 = arith.constant 64 : i32
      %parallel_loop3A_85 = arith.constant 1 : i32
      scf.for %parallel_loop3A_480 = %parallel_loop3A_83 to %parallel_loop3A_84 step %parallel_loop3A_85  : i32 {
        %parallel_loop3A_481 = arith.constant 16 : i32
        %parallel_loop3A_482 = arith.muli %parallel_loop3A_480, %parallel_loop3A_481 : i32
        %parallel_loop3A_483 = arith.index_cast %parallel_loop3A_482 : i32 to index
        %parallel_loop3A_484 = tpu.vector_load %arg12[%parallel_loop3A_483] {strides = array<i32>} : memref<1024xf32, #tpu.memory_space<vmem>>, vector<16xf32>,
        tpu.vector_store %arg12[%parallel_loop3A_483], %broadcast_in_dim3A_5 {strides = array<i32>} : memref<1024xf32, #tpu.memory_space<vmem>>, vector<16xf32>,
      } {sc.loop_unroll_factor = 8 : i64, sc.parallel_access}
      %parallel_loop3A_86 = arith.constant 0 : i32
      %parallel_loop3A_87 = arith.constant 49 : i32
      %parallel_loop3A_88 = arith.constant 1 : i32
      scf.for %parallel_loop3A_480 = %parallel_loop3A_86 to %parallel_loop3A_87 step %parallel_loop3A_88  : i32 {
        %parallel_loop3A_481 = arith.index_cast %parallel_loop3A_480 : i32 to index
        %parallel_loop3A_482 = arith.constant 0 : index
        %parallel_loop3A_483 = tpu.vector_load %arg9[%parallel_loop3A_481, %parallel_loop3A_482] {strides = array<i32>} : memref<49x16xf32, #tpu.memory_space<vmem>>, vector<16xf32>,
        %parallel_loop3A_484 = vector.broadcast %reduce_sum3A_44 : f32 to vector<16xf32>
        %parallel_loop3A_485 = arith.subf %parallel_loop3A_483, %parallel_loop3A_484 : vector<16xf32>
        %parallel_loop3A_486 = vector.broadcast %reduce_sum3A_82 : f32 to vector<16xf32>
        %parallel_loop3A_487 = arith.mulf %parallel_loop3A_485, %parallel_loop3A_486 : vector<16xf32>
        %parallel_loop3A_488 = arith.constant 0.000000e+00 : f32
        %parallel_loop3A_489 = arith.constant 1.023000e+03 : f32
        %parallel_loop3A_490 = vector.broadcast %parallel_loop3A_488 : f32 to vector<16xf32>
        %parallel_loop3A_491 = arith.maximumf %parallel_loop3A_490, %parallel_loop3A_487 : vector<16xf32>
        %parallel_loop3A_492 = vector.broadcast %parallel_loop3A_489 : f32 to vector<16xf32>
        %parallel_loop3A_493 = arith.minimumf %parallel_loop3A_492, %parallel_loop3A_491 : vector<16xf32>
        %parallel_loop3A_494 = arith.fptosi %parallel_loop3A_493 : vector<16xf32> to vector<16xi32>
        tpu.vector_store_idx %arg12[%parallel_loop3A_494], %broadcast_in_dim3A_3 {add = true} : memref<1024xf32, #tpu.memory_space<vmem>>[vector<16xi32>], vector<16xf32>,
      } {sc.loop_unroll_factor = 16 : i64, sc.parallel_access}
      %iota3A_89 = tpu.iota {dimensions = array<i32: 0>} : vector<16xi32>
      %convert_element_type3A = arith.sitofp %iota3A_89 : vector<16xi32> to vector<16xf32>
      %while3A = arith.constant 0.000000e+00 : f32
      %while3A_90 = arith.constant 63 : i32
      %while3A_91 = arith.constant 0.000000e+00 : f32
      %while3A_92 = arith.constant false
      %while3A_93:3 = scf.while (%while3A_480 = %while3A_90, %while3A_481 = %while3A_91, %while3A_482 = %while3A_92) : (i32, f32, i1) -> (i32, f32, i1) {
        %not3A = arith.constant true
        %not3A_483 = arith.xori %while3A_482, %not3A : i1
        %ge3A_484 = arith.constant 0 : i32
        %ge3A_485 = arith.cmpi sge, %while3A_480, %ge3A_484 : i32
        %and3A_486 = arith.andi %not3A_483, %ge3A_485 : i1
        scf.condition(%and3A_486) %while3A_480, %while3A_481, %while3A_482 : i32, f32, i1
      } do {
      ^bb0(%while3A_480: i32, %while3A_481: f32, %while3A_482: i1):
        %mul3A_483 = arith.constant 16 : i32
        %mul3A_484 = arith.muli %while3A_480, %mul3A_483 : i32
        %get3A_485 = arith.index_cast %mul3A_484 : i32 to index
        %get3A_486 = tpu.vector_load %arg12[%get3A_485] {strides = array<i32>} : memref<1024xf32, #tpu.memory_space<vmem>>, vector<16xf32>,
        %reduce_sum3A_487 = arith.constant true
        %reduce_sum3A_488 = vector.broadcast %reduce_sum3A_487 : i1 to vector<16xi1>
        %reduce_sum3A_489 = tpu.scan <sum>, %get3A_486 masked %reduce_sum3A_488 : vector<16xf32>, vector<16xi1> -> vector<16xf32>
        %reduce_sum3A_490 = vector.extract %reduce_sum3A_489[15] : f32 from vector<16xf32>
        %add3A_491 = arith.addf %while3A_481, %reduce_sum3A_490 : f32
        %ge3A_492 = arith.cmpf oge, %add3A_491, %scan3A_10 : f32
        %sub3A_493 = arith.constant 1 : i32
        %sub3A_494 = arith.subi %while3A_480, %sub3A_493 : i32
        %select_n3A_495 = arith.select %ge3A_492, %while3A_480, %sub3A_494 : i32
        %add3A_496 = arith.addf %while3A_481, %reduce_sum3A_490 : f32
        %select_n3A_497 = arith.select %ge3A_492, %while3A_481, %add3A_496 : f32
        scf.yield %select_n3A_495, %select_n3A_497, %ge3A_492 : i32, f32, i1
      }
      %max3A = arith.constant 0 : i32
      %max3A_94 = arith.maxsi %while3A_93#0, %max3A : i32
      %mul3A_95 = arith.constant 16 : i32
      %mul3A_96 = arith.muli %max3A_94, %mul3A_95 : i32
      %get3A_97 = arith.index_cast %mul3A_96 : i32 to index
      %get3A_98 = tpu.vector_load %arg12[%get3A_97] {strides = array<i32>} : memref<1024xf32, #tpu.memory_space<vmem>>, vector<16xf32>,
      %rev3A = arith.constant 15 : i32
      %rev3A_99 = vector.broadcast %rev3A : i32 to vector<16xi32>
      %rev3A_100 = tpu.iota {dimensions = array<i32: 0>} : vector<16xi32>
      %rev3A_101 = arith.subi %rev3A_99, %rev3A_100 : vector<16xi32>
      %rev3A_102 = tpu.dynamic_gather %get3A_98[%rev3A_101] in [0] : vector<16xf32>, vector<16xi32> -> vector<16xf32>
      %cumsum3A = arith.constant true
      %cumsum3A_103 = vector.broadcast %cumsum3A : i1 to vector<16xi1>
      %cumsum3A_104 = tpu.scan <sum>, %rev3A_102 masked %cumsum3A_103 : vector<16xf32>, vector<16xi1> -> vector<16xf32>
      %rev3A_105 = arith.constant 15 : i32
      %rev3A_106 = vector.broadcast %rev3A_105 : i32 to vector<16xi32>
      %rev3A_107 = tpu.iota {dimensions = array<i32: 0>} : vector<16xi32>
      %rev3A_108 = arith.subi %rev3A_106, %rev3A_107 : vector<16xi32>
      %rev3A_109 = tpu.dynamic_gather %cumsum3A_104[%rev3A_108] in [0] : vector<16xf32>, vector<16xi32> -> vector<16xf32>
      %add3A_110 = vector.broadcast %while3A_93#1 : f32 to vector<16xf32>
      %add3A_111 = arith.addf %rev3A_109, %add3A_110 : vector<16xf32>
      %ge3A = vector.broadcast %scan3A_10 : f32 to vector<16xf32>
      %ge3A_112 = arith.cmpf oge, %add3A_111, %ge3A : vector<16xf32>
      %jit3A_113 = arith.constant 1.000000e+00 : f32
      %jit3A_114 = arith.constant 0.000000e+00 : f32
      %broadcast_in_dim3A_115 = vector.broadcast %jit3A_113 : f32 to vector<16xf32>
      %broadcast_in_dim3A_116 = vector.broadcast %jit3A_114 : f32 to vector<16xf32>
      %select_n3A_117 = arith.select %ge3A_112, %broadcast_in_dim3A_115, %broadcast_in_dim3A_116 : vector<16xi1>, vector<16xf32>
      %reduce_sum3A_118 = arith.constant true
      %reduce_sum3A_119 = vector.broadcast %reduce_sum3A_118 : i1 to vector<16xi1>
      %reduce_sum3A_120 = tpu.scan <sum>, %select_n3A_117 masked %reduce_sum3A_119 : vector<16xf32>, vector<16xi1> -> vector<16xf32>
      %reduce_sum3A_121 = vector.extract %reduce_sum3A_120[15] : f32 from vector<16xf32>
      %sub3A_122 = arith.constant 1.000000e+00 : f32
      %sub3A_123 = arith.subf %reduce_sum3A_121, %sub3A_122 : f32
      %eq3A_124 = vector.broadcast %sub3A_123 : f32 to vector<16xf32>
      %eq3A_125 = arith.cmpf oeq, %convert_element_type3A, %eq3A_124 : vector<16xf32>
      %jit3A_126 = arith.constant 0.000000e+00 : f32
      %broadcast_in_dim3A_127 = vector.broadcast %jit3A_126 : f32 to vector<16xf32>
      %select_n3A_128 = arith.select %eq3A_125, %get3A_98, %broadcast_in_dim3A_127 : vector<16xi1>, vector<16xf32>
      %reduce_sum3A_129 = arith.constant true
      %reduce_sum3A_130 = vector.broadcast %reduce_sum3A_129 : i1 to vector<16xi1>
      %reduce_sum3A_131 = tpu.scan <sum>, %select_n3A_128 masked %reduce_sum3A_130 : vector<16xf32>, vector<16xi1> -> vector<16xf32>
      %reduce_sum3A_132 = vector.extract %reduce_sum3A_131[15] : f32 from vector<16xf32>
      %jit3A_133 = arith.constant 0.000000e+00 : f32
      %broadcast_in_dim3A_134 = vector.broadcast %jit3A_133 : f32 to vector<16xf32>
      %select_n3A_135 = arith.select %eq3A_125, %add3A_111, %broadcast_in_dim3A_134 : vector<16xi1>, vector<16xf32>
      %reduce_sum3A_136 = arith.constant true
      %reduce_sum3A_137 = vector.broadcast %reduce_sum3A_136 : i1 to vector<16xi1>
      %reduce_sum3A_138 = tpu.scan <sum>, %select_n3A_135 masked %reduce_sum3A_137 : vector<16xf32>, vector<16xi1> -> vector<16xf32>
      %reduce_sum3A_139 = vector.extract %reduce_sum3A_138[15] : f32 from vector<16xf32>
      %mul3A_140 = arith.constant 16 : i32
      %mul3A_141 = arith.muli %max3A_94, %mul3A_140 : i32
      %convert_element_type3A_142 = arith.sitofp %mul3A_141 : i32 to f32
      %add3A_143 = arith.addf %convert_element_type3A_142, %sub3A_123 : f32
      %sub3A_144 = arith.subf %reduce_sum3A_139, %reduce_sum3A_132 : f32
      %convert_element_type3A_145 = arith.fptosi %add3A_143 : f32 to i32
      %scan3A_146 = arith.constant 0 : i32
      %scan3A_147 = arith.constant 0 : i32
      %scan3A_148 = arith.constant 49 : i32
      %scan3A_149 = arith.addi %scan3A_147, %scan3A_148 : i32
      %scan3A_150 = arith.constant 1 : i32
      %scan3A_151 = scf.for %scan3A_480 = %scan3A_147 to %scan3A_149 step %scan3A_150 iter_args(%scan3A_481 = %scan3A_146) -> (i32)  : i32 {
        %get3A_482 = arith.index_cast %scan3A_480 : i32 to index
        %get3A_483 = arith.constant 0 : index
        %get3A_484 = tpu.vector_load %arg9[%get3A_482, %get3A_483] {strides = array<i32>} : memref<49x16xf32, #tpu.memory_space<vmem>>, vector<16xf32>,
        %sub3A_485 = vector.broadcast %reduce_sum3A_44 : f32 to vector<16xf32>
        %sub3A_486 = arith.subf %get3A_484, %sub3A_485 : vector<16xf32>
        %mul3A_487 = vector.broadcast %reduce_sum3A_82 : f32 to vector<16xf32>
        %mul3A_488 = arith.mulf %sub3A_486, %mul3A_487 : vector<16xf32>
        %jit3A_489 = arith.constant 0.000000e+00 : f32
        %jit3A_490 = arith.constant 1.023000e+03 : f32
        %max3A_491 = vector.broadcast %jit3A_489 : f32 to vector<16xf32>
        %max3A_492 = arith.maximumf %max3A_491, %mul3A_488 : vector<16xf32>
        %min3A = vector.broadcast %jit3A_490 : f32 to vector<16xf32>
        %min3A_493 = arith.minimumf %min3A, %max3A_492 : vector<16xf32>
        %convert_element_type3A_494 = arith.fptosi %min3A_493 : vector<16xf32> to vector<16xi32>
        %ge3A_495 = vector.broadcast %convert_element_type3A_145 : i32 to vector<16xi32>
        %ge3A_496 = arith.cmpi sge, %convert_element_type3A_494, %ge3A_495 : vector<16xi32>
        %mul3A_497 = arith.constant 784 : i32
        %mul3A_498 = arith.muli %add3A_17, %mul3A_497 : i32
        %mul3A_499 = arith.constant 16 : i32
        %mul3A_500 = arith.muli %scan3A_480, %mul3A_499 : i32
        %add3A_501 = arith.addi %mul3A_498, %mul3A_500 : i32
        %add3A_502 = vector.broadcast %add3A_501 : i32 to vector<16xi32>
        %add3A_503 = arith.addi %add3A_502, %iota3A : vector<16xi32>
        %swap3A_504 = arith.index_cast %scan3A_481 : i32 to index
        %swap3A_505 = tpu.vector_load %arg10[%swap3A_504] masked %ge3A_496 {strides = array<i32>} : memref<896xi32, #tpu.memory_space<vmem>>, vector<16xi32>, vector<16xi1>
        tpu.vector_store %arg10[%swap3A_504], %add3A_503 masked %ge3A_496 {strides = array<i32>} : memref<896xi32, #tpu.memory_space<vmem>>, vector<16xi32>, vector<16xi1>
        %all_reduce_population_count3A = tpu.all_reduce %ge3A_496 {dim = 0 : i64, kind = #tpu.reduction_kind<sum>} : vector<16xi1> -> vector<16xi32>
        %slice3A = vector.extract_strided_slice %all_reduce_population_count3A {offsets = [0], sizes = [1], strides = [1]} : vector<16xi32> to vector<1xi32>
        %squeeze3A = vector.extract %slice3A[0] : i32 from vector<1xi32>
        %add3A_506 = arith.addi %scan3A_481, %squeeze3A : i32
        scf.yield %add3A_506 : i32
      }
      %scan3A_152 = arith.constant 49 : i32
      %mul3A_153 = arith.constant 128 : i32
      %mul3A_154 = arith.muli %scan3A_151, %mul3A_153 : i32
      %add3A_155 = arith.constant 15 : i32
      %add3A_156 = arith.addi %scan3A_151, %add3A_155 : i32
      %shift_right_arithmetic3A = arith.constant 4 : i32
      %shift_right_arithmetic3A_157 = arith.shrsi %add3A_156, %shift_right_arithmetic3A : i32
      %add3A_158 = arith.constant 15 : i32
      %add3A_159 = arith.addi %shift_right_arithmetic3A_157, %add3A_158 : i32
      %shift_right_arithmetic3A_160 = arith.constant 4 : i32
      %shift_right_arithmetic3A_161 = arith.shrsi %add3A_159, %shift_right_arithmetic3A_160 : i32
      %parallel_loop3A_162 = arith.constant 0 : i32
      %parallel_loop3A_163 = arith.constant 64 : i32
      %parallel_loop3A_164 = arith.constant 1 : i32
      scf.for %parallel_loop3A_480 = %parallel_loop3A_162 to %parallel_loop3A_163 step %parallel_loop3A_164  : i32 {
        %parallel_loop3A_481 = arith.constant 16 : i32
        %parallel_loop3A_482 = arith.muli %parallel_loop3A_480, %parallel_loop3A_481 : i32
        %parallel_loop3A_483 = arith.index_cast %parallel_loop3A_482 : i32 to index
        %parallel_loop3A_484 = tpu.vector_load %arg12[%parallel_loop3A_483] {strides = array<i32>} : memref<1024xf32, #tpu.memory_space<vmem>>, vector<16xf32>,
        tpu.vector_store %arg12[%parallel_loop3A_483], %broadcast_in_dim3A_5 {strides = array<i32>} : memref<1024xf32, #tpu.memory_space<vmem>>, vector<16xf32>,
      } {sc.loop_unroll_factor = 8 : i64, sc.parallel_access}
      %while3A_165 = arith.constant 0 : i32
      %while3A_166 = arith.constant 0 : i32
      %while3A_167 = arith.subi %shift_right_arithmetic3A_161, %while3A_166 : i32
      %while3A_168 = arith.addi %while3A_166, %while3A_167 : i32
      %while3A_169 = arith.constant 1 : i32
      %while3A_170 = arith.divsi %while3A_167, %while3A_169 : i32
      %while3A_171 = arith.muli %while3A_170, %while3A_169 : i32
      %while3A_172 = arith.addi %while3A_166, %while3A_171 : i32
      %while3A_173 = arith.constant 1 : i32
      scf.for %while3A_480 = %while3A_166 to %while3A_172 step %while3A_173  : i32 {
        %mul3A_481 = arith.constant 16 : i32
        %mul3A_482 = arith.muli %while3A_480, %mul3A_481 : i32
        %sub3A_483 = arith.subi %shift_right_arithmetic3A_157, %mul3A_482 : i32
        %min3A = arith.constant 16 : i32
        %min3A_484 = arith.minsi %sub3A_483, %min3A : i32
        %while3A_485 = arith.constant 0 : i32
        %while3A_486 = arith.constant 0 : i32
        %while3A_487 = arith.subi %min3A_484, %while3A_486 : i32
        %while3A_488 = arith.addi %while3A_486, %while3A_487 : i32
        %while3A_489 = arith.constant 1 : i32
        %while3A_490 = arith.divsi %while3A_487, %while3A_489 : i32
        %while3A_491 = arith.muli %while3A_490, %while3A_489 : i32
        %while3A_492 = arith.addi %while3A_486, %while3A_491 : i32
        %while3A_493 = arith.constant 1 : i32
        scf.for %while3A_511 = %while3A_486 to %while3A_492 step %while3A_493  : i32 {
          %add3A_512 = arith.addi %mul3A_482, %while3A_511 : i32
          %mul3A_513 = arith.constant 16 : i32
          %mul3A_514 = arith.muli %add3A_512, %mul3A_513 : i32
          %get3A_515 = arith.index_cast %mul3A_514 : i32 to index
          %get3A_516 = tpu.vector_load %arg10[%get3A_515] {strides = array<i32>} : memref<896xi32, #tpu.memory_space<vmem>>, vector<16xi32>,
          %mul3A_517 = arith.constant 16 : i32
          %mul3A_518 = arith.muli %while3A_511, %mul3A_517 : i32
          %dma_start3A = arith.constant 0 : i32
          %dma_start3A_519 = tpu.memref_slice %arg11[%mul3A_518, %dma_start3A] : memref<256x128xf32, #tpu.memory_space<vmem>> -> memref<16x128xf32, #tpu.memory_space<vmem>>
          %dma_start3A_520 = arith.constant 0 : i32
          %dma_start3A_521 = arith.constant 0 : i32
          %dma_start3A_522 = tpu.memref_slice %arg2[%dma_start3A_520, %dma_start3A_521] : memref<802816x128xf32, #tpu.memory_space<hbm>> -> memref<802816x128xf32, #tpu.memory_space<hbm>>
          tpu.enqueue_indirect_dma source(%dma_start3A_522 : memref<802816x128xf32, #tpu.memory_space<hbm>>) target(%dma_start3A_519 : memref<16x128xf32, #tpu.memory_space<vmem>>) offsets(%get3A_516 : vector<16xi32>) semaphore(%arg20 : memref<!tpu.dma_semaphore, #tpu.memory_space<semaphore_mem>>)
        }
        %while3A_494 = arith.constant 1 : i32
        scf.for %while3A_511 = %while3A_492 to %while3A_488 step %while3A_494  : i32 {
          %add3A_512 = arith.addi %mul3A_482, %while3A_511 : i32
          %mul3A_513 = arith.constant 16 : i32
          %mul3A_514 = arith.muli %add3A_512, %mul3A_513 : i32
          %get3A_515 = arith.index_cast %mul3A_514 : i32 to index
          %get3A_516 = tpu.vector_load %arg10[%get3A_515] {strides = array<i32>} : memref<896xi32, #tpu.memory_space<vmem>>, vector<16xi32>,
          %mul3A_517 = arith.constant 16 : i32
          %mul3A_518 = arith.muli %while3A_511, %mul3A_517 : i32
          %dma_start3A = arith.constant 0 : i32
          %dma_start3A_519 = tpu.memref_slice %arg11[%mul3A_518, %dma_start3A] : memref<256x128xf32, #tpu.memory_space<vmem>> -> memref<16x128xf32, #tpu.memory_space<vmem>>
          %dma_start3A_520 = arith.constant 0 : i32
          %dma_start3A_521 = arith.constant 0 : i32
          %dma_start3A_522 = tpu.memref_slice %arg2[%dma_start3A_520, %dma_start3A_521] : memref<802816x128xf32, #tpu.memory_space<hbm>> -> memref<802816x128xf32, #tpu.memory_space<hbm>>
          tpu.enqueue_indirect_dma source(%dma_start3A_522 : memref<802816x128xf32, #tpu.memory_space<hbm>>) target(%dma_start3A_519 : memref<16x128xf32, #tpu.memory_space<vmem>>) offsets(%get3A_516 : vector<16xi32>) semaphore(%arg20 : memref<!tpu.dma_semaphore, #tpu.memory_space<semaphore_mem>>)
        }
        %while3A_495 = arith.constant 0 : i32
        %while3A_496 = arith.constant 0 : i32
        %while3A_497 = arith.subi %min3A_484, %while3A_496 : i32
        %while3A_498 = arith.addi %while3A_496, %while3A_497 : i32
        %while3A_499 = arith.constant 1 : i32
        %while3A_500 = arith.divsi %while3A_497, %while3A_499 : i32
        %while3A_501 = arith.muli %while3A_500, %while3A_499 : i32
        %while3A_502 = arith.addi %while3A_496, %while3A_501 : i32
        %while3A_503 = arith.constant 1 : i32
        scf.for %while3A_511 = %while3A_496 to %while3A_502 step %while3A_503  : i32 {
          %add3A_512 = arith.addi %mul3A_482, %while3A_511 : i32
          %mul3A_513 = arith.constant 16 : i32
          %mul3A_514 = arith.muli %add3A_512, %mul3A_513 : i32
          %get3A_515 = arith.index_cast %mul3A_514 : i32 to index
          %get3A_516 = tpu.vector_load %arg10[%get3A_515] {strides = array<i32>} : memref<896xi32, #tpu.memory_space<vmem>>, vector<16xi32>,
          %mul3A_517 = arith.constant 16 : i32
          %mul3A_518 = arith.muli %while3A_511, %mul3A_517 : i32
          %dma_wait3A = arith.constant 0 : i32
          %dma_wait3A_519 = tpu.memref_slice %arg11[%mul3A_518, %dma_wait3A] : memref<256x128xf32, #tpu.memory_space<vmem>> -> memref<16x128xf32, #tpu.memory_space<vmem>>
          %dma_wait3A_520 = arith.constant 0 : i32
          %dma_wait3A_521 = arith.constant 0 : i32
          %dma_wait3A_522 = tpu.memref_slice %arg2[%dma_wait3A_520, %dma_wait3A_521] : memref<802816x128xf32, #tpu.memory_space<hbm>> -> memref<802816x128xf32, #tpu.memory_space<hbm>>
          tpu.wait_indirect_dma semaphore(%arg20 : memref<!tpu.dma_semaphore, #tpu.memory_space<semaphore_mem>>) src(%dma_wait3A_522 : memref<802816x128xf32, #tpu.memory_space<hbm>>) dst(%dma_wait3A_519 : memref<16x128xf32, #tpu.memory_space<vmem>>)
        }
        %while3A_504 = arith.constant 1 : i32
        scf.for %while3A_511 = %while3A_502 to %while3A_498 step %while3A_504  : i32 {
          %add3A_512 = arith.addi %mul3A_482, %while3A_511 : i32
          %mul3A_513 = arith.constant 16 : i32
          %mul3A_514 = arith.muli %add3A_512, %mul3A_513 : i32
          %get3A_515 = arith.index_cast %mul3A_514 : i32 to index
          %get3A_516 = tpu.vector_load %arg10[%get3A_515] {strides = array<i32>} : memref<896xi32, #tpu.memory_space<vmem>>, vector<16xi32>,
          %mul3A_517 = arith.constant 16 : i32
          %mul3A_518 = arith.muli %while3A_511, %mul3A_517 : i32
          %dma_wait3A = arith.constant 0 : i32
          %dma_wait3A_519 = tpu.memref_slice %arg11[%mul3A_518, %dma_wait3A] : memref<256x128xf32, #tpu.memory_space<vmem>> -> memref<16x128xf32, #tpu.memory_space<vmem>>
          %dma_wait3A_520 = arith.constant 0 : i32
          %dma_wait3A_521 = arith.constant 0 : i32
          %dma_wait3A_522 = tpu.memref_slice %arg2[%dma_wait3A_520, %dma_wait3A_521] : memref<802816x128xf32, #tpu.memory_space<hbm>> -> memref<802816x128xf32, #tpu.memory_space<hbm>>
          tpu.wait_indirect_dma semaphore(%arg20 : memref<!tpu.dma_semaphore, #tpu.memory_space<semaphore_mem>>) src(%dma_wait3A_522 : memref<802816x128xf32, #tpu.memory_space<hbm>>) dst(%dma_wait3A_519 : memref<16x128xf32, #tpu.memory_space<vmem>>)
        }
        %mul3A_505 = arith.constant 2048 : i32
        %mul3A_506 = arith.muli %mul3A_482, %mul3A_505 : i32
        %mul3A_507 = arith.constant 128 : i32
        %mul3A_508 = arith.muli %min3A_484, %mul3A_507 : i32
        %parallel_loop3A_509 = arith.constant 0 : i32
        %parallel_loop3A_510 = arith.constant 1 : i32
        scf.for %parallel_loop3A_511 = %parallel_loop3A_509 to %mul3A_508 step %parallel_loop3A_510  : i32 {
          %parallel_loop3A_512 = arith.constant 3 : i32
          %parallel_loop3A_513 = arith.shrsi %parallel_loop3A_511, %parallel_loop3A_512 : i32
          %parallel_loop3A_514 = arith.constant 7 : i32
          %parallel_loop3A_515 = arith.andi %parallel_loop3A_511, %parallel_loop3A_514 : i32
          %parallel_loop3A_516 = arith.constant 16 : i32
          %parallel_loop3A_517 = arith.muli %parallel_loop3A_515, %parallel_loop3A_516 : i32
          %parallel_loop3A_518 = arith.index_cast %parallel_loop3A_513 : i32 to index
          %parallel_loop3A_519 = arith.index_cast %parallel_loop3A_517 : i32 to index
          %parallel_loop3A_520 = tpu.vector_load %arg11[%parallel_loop3A_518, %parallel_loop3A_519] {strides = array<i32>} : memref<256x128xf32, #tpu.memory_space<vmem>>, vector<16xf32>,
          %parallel_loop3A_521 = arith.constant 16 : i32
          %parallel_loop3A_522 = arith.muli %parallel_loop3A_511, %parallel_loop3A_521 : i32
          %parallel_loop3A_523 = arith.addi %mul3A_506, %parallel_loop3A_522 : i32
          %parallel_loop3A_524 = vector.broadcast %parallel_loop3A_523 : i32 to vector<16xi32>
          %parallel_loop3A_525 = arith.addi %parallel_loop3A_524, %iota3A : vector<16xi32>
          %parallel_loop3A_526 = vector.broadcast %mul3A_154 : i32 to vector<16xi32>
          %parallel_loop3A_527 = arith.cmpi slt, %parallel_loop3A_525, %parallel_loop3A_526 : vector<16xi32>
          %parallel_loop3A_528 = vector.broadcast %reduce_sum3A_44 : f32 to vector<16xf32>
          %parallel_loop3A_529 = arith.subf %parallel_loop3A_520, %parallel_loop3A_528 : vector<16xf32>
          %parallel_loop3A_530 = vector.broadcast %reduce_sum3A_82 : f32 to vector<16xf32>
          %parallel_loop3A_531 = arith.mulf %parallel_loop3A_529, %parallel_loop3A_530 : vector<16xf32>
          %parallel_loop3A_532 = arith.constant 0.000000e+00 : f32
          %parallel_loop3A_533 = arith.constant 1.023000e+03 : f32
          %parallel_loop3A_534 = vector.broadcast %parallel_loop3A_532 : f32 to vector<16xf32>
          %parallel_loop3A_535 = arith.maximumf %parallel_loop3A_534, %parallel_loop3A_531 : vector<16xf32>
          %parallel_loop3A_536 = vector.broadcast %parallel_loop3A_533 : f32 to vector<16xf32>
          %parallel_loop3A_537 = arith.minimumf %parallel_loop3A_536, %parallel_loop3A_535 : vector<16xf32>
          %parallel_loop3A_538 = arith.fptosi %parallel_loop3A_537 : vector<16xf32> to vector<16xi32>
          tpu.vector_store_idx %arg12[%parallel_loop3A_538], %broadcast_in_dim3A_3 masked %parallel_loop3A_527 {add = true} : memref<1024xf32, #tpu.memory_space<vmem>>[vector<16xi32>], vector<16xf32>, vector<16xi1>
        } {sc.loop_unroll_factor = 8 : i64, sc.parallel_access}
      }
      %while3A_174 = arith.constant 1 : i32
      scf.for %while3A_480 = %while3A_172 to %while3A_168 step %while3A_174  : i32 {
        %mul3A_481 = arith.constant 16 : i32
        %mul3A_482 = arith.muli %while3A_480, %mul3A_481 : i32
        %sub3A_483 = arith.subi %shift_right_arithmetic3A_157, %mul3A_482 : i32
        %min3A = arith.constant 16 : i32
        %min3A_484 = arith.minsi %sub3A_483, %min3A : i32
        %while3A_485 = arith.constant 0 : i32
        %while3A_486 = arith.constant 0 : i32
        %while3A_487 = arith.subi %min3A_484, %while3A_486 : i32
        %while3A_488 = arith.addi %while3A_486, %while3A_487 : i32
        %while3A_489 = arith.constant 1 : i32
        %while3A_490 = arith.divsi %while3A_487, %while3A_489 : i32
        %while3A_491 = arith.muli %while3A_490, %while3A_489 : i32
        %while3A_492 = arith.addi %while3A_486, %while3A_491 : i32
        %while3A_493 = arith.constant 1 : i32
        scf.for %while3A_511 = %while3A_486 to %while3A_492 step %while3A_493  : i32 {
          %add3A_512 = arith.addi %mul3A_482, %while3A_511 : i32
          %mul3A_513 = arith.constant 16 : i32
          %mul3A_514 = arith.muli %add3A_512, %mul3A_513 : i32
          %get3A_515 = arith.index_cast %mul3A_514 : i32 to index
          %get3A_516 = tpu.vector_load %arg10[%get3A_515] {strides = array<i32>} : memref<896xi32, #tpu.memory_space<vmem>>, vector<16xi32>,
          %mul3A_517 = arith.constant 16 : i32
          %mul3A_518 = arith.muli %while3A_511, %mul3A_517 : i32
          %dma_start3A = arith.constant 0 : i32
          %dma_start3A_519 = tpu.memref_slice %arg11[%mul3A_518, %dma_start3A] : memref<256x128xf32, #tpu.memory_space<vmem>> -> memref<16x128xf32, #tpu.memory_space<vmem>>
          %dma_start3A_520 = arith.constant 0 : i32
          %dma_start3A_521 = arith.constant 0 : i32
          %dma_start3A_522 = tpu.memref_slice %arg2[%dma_start3A_520, %dma_start3A_521] : memref<802816x128xf32, #tpu.memory_space<hbm>> -> memref<802816x128xf32, #tpu.memory_space<hbm>>
          tpu.enqueue_indirect_dma source(%dma_start3A_522 : memref<802816x128xf32, #tpu.memory_space<hbm>>) target(%dma_start3A_519 : memref<16x128xf32, #tpu.memory_space<vmem>>) offsets(%get3A_516 : vector<16xi32>) semaphore(%arg20 : memref<!tpu.dma_semaphore, #tpu.memory_space<semaphore_mem>>)
        }
        %while3A_494 = arith.constant 1 : i32
        scf.for %while3A_511 = %while3A_492 to %while3A_488 step %while3A_494  : i32 {
          %add3A_512 = arith.addi %mul3A_482, %while3A_511 : i32
          %mul3A_513 = arith.constant 16 : i32
          %mul3A_514 = arith.muli %add3A_512, %mul3A_513 : i32
          %get3A_515 = arith.index_cast %mul3A_514 : i32 to index
          %get3A_516 = tpu.vector_load %arg10[%get3A_515] {strides = array<i32>} : memref<896xi32, #tpu.memory_space<vmem>>, vector<16xi32>,
          %mul3A_517 = arith.constant 16 : i32
          %mul3A_518 = arith.muli %while3A_511, %mul3A_517 : i32
          %dma_start3A = arith.constant 0 : i32
          %dma_start3A_519 = tpu.memref_slice %arg11[%mul3A_518, %dma_start3A] : memref<256x128xf32, #tpu.memory_space<vmem>> -> memref<16x128xf32, #tpu.memory_space<vmem>>
          %dma_start3A_520 = arith.constant 0 : i32
          %dma_start3A_521 = arith.constant 0 : i32
          %dma_start3A_522 = tpu.memref_slice %arg2[%dma_start3A_520, %dma_start3A_521] : memref<802816x128xf32, #tpu.memory_space<hbm>> -> memref<802816x128xf32, #tpu.memory_space<hbm>>
          tpu.enqueue_indirect_dma source(%dma_start3A_522 : memref<802816x128xf32, #tpu.memory_space<hbm>>) target(%dma_start3A_519 : memref<16x128xf32, #tpu.memory_space<vmem>>) offsets(%get3A_516 : vector<16xi32>) semaphore(%arg20 : memref<!tpu.dma_semaphore, #tpu.memory_space<semaphore_mem>>)
        }
        %while3A_495 = arith.constant 0 : i32
        %while3A_496 = arith.constant 0 : i32
        %while3A_497 = arith.subi %min3A_484, %while3A_496 : i32
        %while3A_498 = arith.addi %while3A_496, %while3A_497 : i32
        %while3A_499 = arith.constant 1 : i32
        %while3A_500 = arith.divsi %while3A_497, %while3A_499 : i32
        %while3A_501 = arith.muli %while3A_500, %while3A_499 : i32
        %while3A_502 = arith.addi %while3A_496, %while3A_501 : i32
        %while3A_503 = arith.constant 1 : i32
        scf.for %while3A_511 = %while3A_496 to %while3A_502 step %while3A_503  : i32 {
          %add3A_512 = arith.addi %mul3A_482, %while3A_511 : i32
          %mul3A_513 = arith.constant 16 : i32
          %mul3A_514 = arith.muli %add3A_512, %mul3A_513 : i32
          %get3A_515 = arith.index_cast %mul3A_514 : i32 to index
          %get3A_516 = tpu.vector_load %arg10[%get3A_515] {strides = array<i32>} : memref<896xi32, #tpu.memory_space<vmem>>, vector<16xi32>,
          %mul3A_517 = arith.constant 16 : i32
          %mul3A_518 = arith.muli %while3A_511, %mul3A_517 : i32
          %dma_wait3A = arith.constant 0 : i32
          %dma_wait3A_519 = tpu.memref_slice %arg11[%mul3A_518, %dma_wait3A] : memref<256x128xf32, #tpu.memory_space<vmem>> -> memref<16x128xf32, #tpu.memory_space<vmem>>
          %dma_wait3A_520 = arith.constant 0 : i32
          %dma_wait3A_521 = arith.constant 0 : i32
          %dma_wait3A_522 = tpu.memref_slice %arg2[%dma_wait3A_520, %dma_wait3A_521] : memref<802816x128xf32, #tpu.memory_space<hbm>> -> memref<802816x128xf32, #tpu.memory_space<hbm>>
          tpu.wait_indirect_dma semaphore(%arg20 : memref<!tpu.dma_semaphore, #tpu.memory_space<semaphore_mem>>) src(%dma_wait3A_522 : memref<802816x128xf32, #tpu.memory_space<hbm>>) dst(%dma_wait3A_519 : memref<16x128xf32, #tpu.memory_space<vmem>>)
        }
        %while3A_504 = arith.constant 1 : i32
        scf.for %while3A_511 = %while3A_502 to %while3A_498 step %while3A_504  : i32 {
          %add3A_512 = arith.addi %mul3A_482, %while3A_511 : i32
          %mul3A_513 = arith.constant 16 : i32
          %mul3A_514 = arith.muli %add3A_512, %mul3A_513 : i32
          %get3A_515 = arith.index_cast %mul3A_514 : i32 to index
          %get3A_516 = tpu.vector_load %arg10[%get3A_515] {strides = array<i32>} : memref<896xi32, #tpu.memory_space<vmem>>, vector<16xi32>,
          %mul3A_517 = arith.constant 16 : i32
          %mul3A_518 = arith.muli %while3A_511, %mul3A_517 : i32
          %dma_wait3A = arith.constant 0 : i32
          %dma_wait3A_519 = tpu.memref_slice %arg11[%mul3A_518, %dma_wait3A] : memref<256x128xf32, #tpu.memory_space<vmem>> -> memref<16x128xf32, #tpu.memory_space<vmem>>
          %dma_wait3A_520 = arith.constant 0 : i32
          %dma_wait3A_521 = arith.constant 0 : i32
          %dma_wait3A_522 = tpu.memref_slice %arg2[%dma_wait3A_520, %dma_wait3A_521] : memref<802816x128xf32, #tpu.memory_space<hbm>> -> memref<802816x128xf32, #tpu.memory_space<hbm>>
          tpu.wait_indirect_dma semaphore(%arg20 : memref<!tpu.dma_semaphore, #tpu.memory_space<semaphore_mem>>) src(%dma_wait3A_522 : memref<802816x128xf32, #tpu.memory_space<hbm>>) dst(%dma_wait3A_519 : memref<16x128xf32, #tpu.memory_space<vmem>>)
        }
        %mul3A_505 = arith.constant 2048 : i32
        %mul3A_506 = arith.muli %mul3A_482, %mul3A_505 : i32
        %mul3A_507 = arith.constant 128 : i32
        %mul3A_508 = arith.muli %min3A_484, %mul3A_507 : i32
        %parallel_loop3A_509 = arith.constant 0 : i32
        %parallel_loop3A_510 = arith.constant 1 : i32
        scf.for %parallel_loop3A_511 = %parallel_loop3A_509 to %mul3A_508 step %parallel_loop3A_510  : i32 {
          %parallel_loop3A_512 = arith.constant 3 : i32
          %parallel_loop3A_513 = arith.shrsi %parallel_loop3A_511, %parallel_loop3A_512 : i32
          %parallel_loop3A_514 = arith.constant 7 : i32
          %parallel_loop3A_515 = arith.andi %parallel_loop3A_511, %parallel_loop3A_514 : i32
          %parallel_loop3A_516 = arith.constant 16 : i32
          %parallel_loop3A_517 = arith.muli %parallel_loop3A_515, %parallel_loop3A_516 : i32
          %parallel_loop3A_518 = arith.index_cast %parallel_loop3A_513 : i32 to index
          %parallel_loop3A_519 = arith.index_cast %parallel_loop3A_517 : i32 to index
          %parallel_loop3A_520 = tpu.vector_load %arg11[%parallel_loop3A_518, %parallel_loop3A_519] {strides = array<i32>} : memref<256x128xf32, #tpu.memory_space<vmem>>, vector<16xf32>,
          %parallel_loop3A_521 = arith.constant 16 : i32
          %parallel_loop3A_522 = arith.muli %parallel_loop3A_511, %parallel_loop3A_521 : i32
          %parallel_loop3A_523 = arith.addi %mul3A_506, %parallel_loop3A_522 : i32
          %parallel_loop3A_524 = vector.broadcast %parallel_loop3A_523 : i32 to vector<16xi32>
          %parallel_loop3A_525 = arith.addi %parallel_loop3A_524, %iota3A : vector<16xi32>
          %parallel_loop3A_526 = vector.broadcast %mul3A_154 : i32 to vector<16xi32>
          %parallel_loop3A_527 = arith.cmpi slt, %parallel_loop3A_525, %parallel_loop3A_526 : vector<16xi32>
          %parallel_loop3A_528 = vector.broadcast %reduce_sum3A_44 : f32 to vector<16xf32>
          %parallel_loop3A_529 = arith.subf %parallel_loop3A_520, %parallel_loop3A_528 : vector<16xf32>
          %parallel_loop3A_530 = vector.broadcast %reduce_sum3A_82 : f32 to vector<16xf32>
          %parallel_loop3A_531 = arith.mulf %parallel_loop3A_529, %parallel_loop3A_530 : vector<16xf32>
          %parallel_loop3A_532 = arith.constant 0.000000e+00 : f32
          %parallel_loop3A_533 = arith.constant 1.023000e+03 : f32
          %parallel_loop3A_534 = vector.broadcast %parallel_loop3A_532 : f32 to vector<16xf32>
          %parallel_loop3A_535 = arith.maximumf %parallel_loop3A_534, %parallel_loop3A_531 : vector<16xf32>
          %parallel_loop3A_536 = vector.broadcast %parallel_loop3A_533 : f32 to vector<16xf32>
          %parallel_loop3A_537 = arith.minimumf %parallel_loop3A_536, %parallel_loop3A_535 : vector<16xf32>
          %parallel_loop3A_538 = arith.fptosi %parallel_loop3A_537 : vector<16xf32> to vector<16xi32>
          tpu.vector_store_idx %arg12[%parallel_loop3A_538], %broadcast_in_dim3A_3 masked %parallel_loop3A_527 {add = true} : memref<1024xf32, #tpu.memory_space<vmem>>[vector<16xi32>], vector<16xf32>, vector<16xi1>
        } {sc.loop_unroll_factor = 8 : i64, sc.parallel_access}
      }
      %iota3A_175 = tpu.iota {dimensions = array<i32: 0>} : vector<16xi32>
      %convert_element_type3A_176 = arith.sitofp %iota3A_175 : vector<16xi32> to vector<16xf32>
      %while3A_177 = arith.constant 0.000000e+00 : f32
      %while3A_178 = arith.constant 63 : i32
      %while3A_179 = arith.constant 0.000000e+00 : f32
      %while3A_180 = arith.constant false
      %while3A_181:3 = scf.while (%while3A_480 = %while3A_178, %while3A_481 = %while3A_179, %while3A_482 = %while3A_180) : (i32, f32, i1) -> (i32, f32, i1) {
        %not3A = arith.constant true
        %not3A_483 = arith.xori %while3A_482, %not3A : i1
        %ge3A_484 = arith.constant 0 : i32
        %ge3A_485 = arith.cmpi sge, %while3A_480, %ge3A_484 : i32
        %and3A_486 = arith.andi %not3A_483, %ge3A_485 : i1
        scf.condition(%and3A_486) %while3A_480, %while3A_481, %while3A_482 : i32, f32, i1
      } do {
      ^bb0(%while3A_480: i32, %while3A_481: f32, %while3A_482: i1):
        %mul3A_483 = arith.constant 16 : i32
        %mul3A_484 = arith.muli %while3A_480, %mul3A_483 : i32
        %get3A_485 = arith.index_cast %mul3A_484 : i32 to index
        %get3A_486 = tpu.vector_load %arg12[%get3A_485] {strides = array<i32>} : memref<1024xf32, #tpu.memory_space<vmem>>, vector<16xf32>,
        %reduce_sum3A_487 = arith.constant true
        %reduce_sum3A_488 = vector.broadcast %reduce_sum3A_487 : i1 to vector<16xi1>
        %reduce_sum3A_489 = tpu.scan <sum>, %get3A_486 masked %reduce_sum3A_488 : vector<16xf32>, vector<16xi1> -> vector<16xf32>
        %reduce_sum3A_490 = vector.extract %reduce_sum3A_489[15] : f32 from vector<16xf32>
        %add3A_491 = arith.addf %while3A_481, %reduce_sum3A_490 : f32
        %ge3A_492 = arith.cmpf oge, %add3A_491, %scan3A_10 : f32
        %sub3A_493 = arith.constant 1 : i32
        %sub3A_494 = arith.subi %while3A_480, %sub3A_493 : i32
        %select_n3A_495 = arith.select %ge3A_492, %while3A_480, %sub3A_494 : i32
        %add3A_496 = arith.addf %while3A_481, %reduce_sum3A_490 : f32
        %select_n3A_497 = arith.select %ge3A_492, %while3A_481, %add3A_496 : f32
        scf.yield %select_n3A_495, %select_n3A_497, %ge3A_492 : i32, f32, i1
      }
      %max3A_182 = arith.constant 0 : i32
      %max3A_183 = arith.maxsi %while3A_181#0, %max3A_182 : i32
      %mul3A_184 = arith.constant 16 : i32
      %mul3A_185 = arith.muli %max3A_183, %mul3A_184 : i32
      %get3A_186 = arith.index_cast %mul3A_185 : i32 to index
      %get3A_187 = tpu.vector_load %arg12[%get3A_186] {strides = array<i32>} : memref<1024xf32, #tpu.memory_space<vmem>>, vector<16xf32>,
      %rev3A_188 = arith.constant 15 : i32
      %rev3A_189 = vector.broadcast %rev3A_188 : i32 to vector<16xi32>
      %rev3A_190 = tpu.iota {dimensions = array<i32: 0>} : vector<16xi32>
      %rev3A_191 = arith.subi %rev3A_189, %rev3A_190 : vector<16xi32>
      %rev3A_192 = tpu.dynamic_gather %get3A_187[%rev3A_191] in [0] : vector<16xf32>, vector<16xi32> -> vector<16xf32>
      %cumsum3A_193 = arith.constant true
      %cumsum3A_194 = vector.broadcast %cumsum3A_193 : i1 to vector<16xi1>
      %cumsum3A_195 = tpu.scan <sum>, %rev3A_192 masked %cumsum3A_194 : vector<16xf32>, vector<16xi1> -> vector<16xf32>
      %rev3A_196 = arith.constant 15 : i32
      %rev3A_197 = vector.broadcast %rev3A_196 : i32 to vector<16xi32>
      %rev3A_198 = tpu.iota {dimensions = array<i32: 0>} : vector<16xi32>
      %rev3A_199 = arith.subi %rev3A_197, %rev3A_198 : vector<16xi32>
      %rev3A_200 = tpu.dynamic_gather %cumsum3A_195[%rev3A_199] in [0] : vector<16xf32>, vector<16xi32> -> vector<16xf32>
      %add3A_201 = vector.broadcast %while3A_181#1 : f32 to vector<16xf32>
      %add3A_202 = arith.addf %rev3A_200, %add3A_201 : vector<16xf32>
      %ge3A_203 = vector.broadcast %scan3A_10 : f32 to vector<16xf32>
      %ge3A_204 = arith.cmpf oge, %add3A_202, %ge3A_203 : vector<16xf32>
      %jit3A_205 = arith.constant 1.000000e+00 : f32
      %jit3A_206 = arith.constant 0.000000e+00 : f32
      %broadcast_in_dim3A_207 = vector.broadcast %jit3A_205 : f32 to vector<16xf32>
      %broadcast_in_dim3A_208 = vector.broadcast %jit3A_206 : f32 to vector<16xf32>
      %select_n3A_209 = arith.select %ge3A_204, %broadcast_in_dim3A_207, %broadcast_in_dim3A_208 : vector<16xi1>, vector<16xf32>
      %reduce_sum3A_210 = arith.constant true
      %reduce_sum3A_211 = vector.broadcast %reduce_sum3A_210 : i1 to vector<16xi1>
      %reduce_sum3A_212 = tpu.scan <sum>, %select_n3A_209 masked %reduce_sum3A_211 : vector<16xf32>, vector<16xi1> -> vector<16xf32>
      %reduce_sum3A_213 = vector.extract %reduce_sum3A_212[15] : f32 from vector<16xf32>
      %sub3A_214 = arith.constant 1.000000e+00 : f32
      %sub3A_215 = arith.subf %reduce_sum3A_213, %sub3A_214 : f32
      %eq3A_216 = vector.broadcast %sub3A_215 : f32 to vector<16xf32>
      %eq3A_217 = arith.cmpf oeq, %convert_element_type3A_176, %eq3A_216 : vector<16xf32>
      %jit3A_218 = arith.constant 0.000000e+00 : f32
      %broadcast_in_dim3A_219 = vector.broadcast %jit3A_218 : f32 to vector<16xf32>
      %select_n3A_220 = arith.select %eq3A_217, %get3A_187, %broadcast_in_dim3A_219 : vector<16xi1>, vector<16xf32>
      %reduce_sum3A_221 = arith.constant true
      %reduce_sum3A_222 = vector.broadcast %reduce_sum3A_221 : i1 to vector<16xi1>
      %reduce_sum3A_223 = tpu.scan <sum>, %select_n3A_220 masked %reduce_sum3A_222 : vector<16xf32>, vector<16xi1> -> vector<16xf32>
      %reduce_sum3A_224 = vector.extract %reduce_sum3A_223[15] : f32 from vector<16xf32>
      %jit3A_225 = arith.constant 0.000000e+00 : f32
      %broadcast_in_dim3A_226 = vector.broadcast %jit3A_225 : f32 to vector<16xf32>
      %select_n3A_227 = arith.select %eq3A_217, %add3A_202, %broadcast_in_dim3A_226 : vector<16xi1>, vector<16xf32>
      %reduce_sum3A_228 = arith.constant true
      %reduce_sum3A_229 = vector.broadcast %reduce_sum3A_228 : i1 to vector<16xi1>
      %reduce_sum3A_230 = tpu.scan <sum>, %select_n3A_227 masked %reduce_sum3A_229 : vector<16xf32>, vector<16xi1> -> vector<16xf32>
      %reduce_sum3A_231 = vector.extract %reduce_sum3A_230[15] : f32 from vector<16xf32>
      %mul3A_232 = arith.constant 16 : i32
      %mul3A_233 = arith.muli %max3A_183, %mul3A_232 : i32
      %convert_element_type3A_234 = arith.sitofp %mul3A_233 : i32 to f32
      %add3A_235 = arith.addf %convert_element_type3A_234, %sub3A_215 : f32
      %sub3A_236 = arith.subf %reduce_sum3A_231, %reduce_sum3A_224 : f32
      %jit3A_237 = arith.constant 16 : i32
      %div3A_238 = arith.divsi %scan3A_16, %jit3A_237 : i32
      %sign3A_239 = arith.constant 0 : i32
      %sign3A_240 = arith.cmpi sgt, %scan3A_16, %sign3A_239 : i32
      %sign3A_241 = arith.extui %sign3A_240 : i1 to i32
      %sign3A_242 = arith.constant 0 : i32
      %sign3A_243 = arith.cmpi slt, %scan3A_16, %sign3A_242 : i32
      %sign3A_244 = arith.extui %sign3A_243 : i1 to i32
      %sign3A_245 = arith.subi %sign3A_241, %sign3A_244 : i32
      %sign3A_246 = arith.constant 0 : i32
      %sign3A_247 = arith.cmpi sgt, %jit3A_237, %sign3A_246 : i32
      %sign3A_248 = arith.extui %sign3A_247 : i1 to i32
      %sign3A_249 = arith.constant 0 : i32
      %sign3A_250 = arith.cmpi slt, %jit3A_237, %sign3A_249 : i32
      %sign3A_251 = arith.extui %sign3A_250 : i1 to i32
      %sign3A_252 = arith.subi %sign3A_248, %sign3A_251 : i32
      %ne3A_253 = arith.cmpi ne, %sign3A_245, %sign3A_252 : i32
      %rem3A_254 = arith.remsi %scan3A_16, %jit3A_237 : i32
      %ne3A_255 = arith.constant 0 : i32
      %ne3A_256 = arith.cmpi ne, %rem3A_254, %ne3A_255 : i32
      %and3A_257 = arith.andi %ne3A_253, %ne3A_256 : i1
      %sub3A_258 = arith.constant 1 : i32
      %sub3A_259 = arith.subi %div3A_238, %sub3A_258 : i32
      %select_n3A_260 = arith.select %and3A_257, %sub3A_259, %div3A_238 : i32
      %mul3A_261 = arith.constant 16 : i32
      %mul3A_262 = arith.muli %select_n3A_260, %mul3A_261 : i32
      %get3A_263 = arith.index_cast %mul3A_262 : i32 to index
      %get3A_264 = tpu.vector_load %arg17[%get3A_263] {strides = array<i32>} : memref<32xf32, #tpu.memory_space<vmem>>, vector<16xf32>,
      %sub3A_265 = arith.subi %scan3A_16, %mul3A_262 : i32
      %eq3A_266 = vector.broadcast %sub3A_265 : i32 to vector<16xi32>
      %eq3A_267 = arith.cmpi eq, %iota3A, %eq3A_266 : vector<16xi32>
      %jit3A_268 = arith.constant 0.000000e+00 : f32
      %broadcast_in_dim3A_269 = vector.broadcast %jit3A_268 : f32 to vector<16xf32>
      %select_n3A_270 = arith.select %eq3A_267, %get3A_264, %broadcast_in_dim3A_269 : vector<16xi1>, vector<16xf32>
      %reduce_sum3A_271 = arith.constant true
      %reduce_sum3A_272 = vector.broadcast %reduce_sum3A_271 : i1 to vector<16xi1>
      %reduce_sum3A_273 = tpu.scan <sum>, %select_n3A_270 masked %reduce_sum3A_272 : vector<16xf32>, vector<16xi1> -> vector<16xf32>
      %reduce_sum3A_274 = vector.extract %reduce_sum3A_273[15] : f32 from vector<16xf32>
      %mul3A_275 = arith.mulf %add3A_235, %reduce_sum3A_274 : f32
      %add3A_276 = arith.addf %reduce_sum3A_44, %mul3A_275 : f32
      %mul3A_277 = arith.constant 1.024000e+03 : f32
      %mul3A_278 = arith.mulf %reduce_sum3A_82, %mul3A_277 : f32
      %sub3A_279 = arith.subf %scan3A_10, %sub3A_236 : f32
      %convert_element_type3A_280 = arith.fptosi %add3A_235 : f32 to i32
      %parallel_loop3A_281 = arith.constant 0 : i32
      %parallel_loop3A_282 = arith.constant 64 : i32
      %parallel_loop3A_283 = arith.constant 1 : i32
      scf.for %parallel_loop3A_480 = %parallel_loop3A_281 to %parallel_loop3A_282 step %parallel_loop3A_283  : i32 {
        %parallel_loop3A_481 = arith.constant 16 : i32
        %parallel_loop3A_482 = arith.muli %parallel_loop3A_480, %parallel_loop3A_481 : i32
        %parallel_loop3A_483 = arith.index_cast %parallel_loop3A_482 : i32 to index
        %parallel_loop3A_484 = tpu.vector_load %arg12[%parallel_loop3A_483] {strides = array<i32>} : memref<1024xf32, #tpu.memory_space<vmem>>, vector<16xf32>,
        tpu.vector_store %arg12[%parallel_loop3A_483], %broadcast_in_dim3A_5 {strides = array<i32>} : memref<1024xf32, #tpu.memory_space<vmem>>, vector<16xf32>,
      } {sc.loop_unroll_factor = 8 : i64, sc.parallel_access}
      %parallel_loop3A_284 = arith.constant 0 : i32
      %parallel_loop3A_285 = arith.constant 64 : i32
      %parallel_loop3A_286 = arith.constant 1 : i32
      scf.for %parallel_loop3A_480 = %parallel_loop3A_284 to %parallel_loop3A_285 step %parallel_loop3A_286  : i32 {
        %parallel_loop3A_481 = arith.constant 16 : i32
        %parallel_loop3A_482 = arith.muli %parallel_loop3A_480, %parallel_loop3A_481 : i32
        %parallel_loop3A_483 = arith.index_cast %parallel_loop3A_482 : i32 to index
        %parallel_loop3A_484 = tpu.vector_load %arg13[%parallel_loop3A_483] {strides = array<i32>} : memref<1024xf32, #tpu.memory_space<vmem>>, vector<16xf32>,
        tpu.vector_store %arg13[%parallel_loop3A_483], %broadcast_in_dim3A_5 {strides = array<i32>} : memref<1024xf32, #tpu.memory_space<vmem>>, vector<16xf32>,
      } {sc.loop_unroll_factor = 8 : i64, sc.parallel_access}
      %swap3A = arith.constant 0 : index
      %swap3A_287 = tpu.vector_load %arg14[%swap3A] {strides = array<i32>} : memref<16xf32, #tpu.memory_space<vmem>>, vector<16xf32>,
      tpu.vector_store %arg14[%swap3A], %broadcast_in_dim3A_5 {strides = array<i32>} : memref<16xf32, #tpu.memory_space<vmem>>, vector<16xf32>,
      %eq3A_288 = arith.constant 1 : i32
      %eq3A_289 = arith.cmpi eq, %shift_right_arithmetic3A_161, %eq3A_288 : i32
      %convert_element_type3A_290 = arith.extui %eq3A_289 : i1 to i32
      %cond3A = arith.constant 0 : i32
      %cond3A_291 = arith.cmpi ne, %convert_element_type3A_290, %cond3A : i32
      scf.if %cond3A_291 {
        %mul3A_480 = arith.constant 128 : i32
        %mul3A_481 = arith.muli %shift_right_arithmetic3A_157, %mul3A_480 : i32
        %parallel_loop3A_482 = arith.constant 0 : i32
        %parallel_loop3A_483 = arith.constant 1 : i32
        scf.for %parallel_loop3A_484 = %parallel_loop3A_482 to %mul3A_481 step %parallel_loop3A_483  : i32 {
          %parallel_loop3A_485 = arith.constant 3 : i32
          %parallel_loop3A_486 = arith.shrsi %parallel_loop3A_484, %parallel_loop3A_485 : i32
          %parallel_loop3A_487 = arith.constant 7 : i32
          %parallel_loop3A_488 = arith.andi %parallel_loop3A_484, %parallel_loop3A_487 : i32
          %parallel_loop3A_489 = arith.constant 16 : i32
          %parallel_loop3A_490 = arith.muli %parallel_loop3A_488, %parallel_loop3A_489 : i32
          %parallel_loop3A_491 = arith.index_cast %parallel_loop3A_486 : i32 to index
          %parallel_loop3A_492 = arith.index_cast %parallel_loop3A_490 : i32 to index
          %parallel_loop3A_493 = tpu.vector_load %arg11[%parallel_loop3A_491, %parallel_loop3A_492] {strides = array<i32>} : memref<256x128xf32, #tpu.memory_space<vmem>>, vector<16xf32>,
          %parallel_loop3A_494 = arith.constant 16 : i32
          %parallel_loop3A_495 = arith.muli %parallel_loop3A_484, %parallel_loop3A_494 : i32
          %parallel_loop3A_496 = arith.constant 0 : i32
          %parallel_loop3A_497 = arith.addi %parallel_loop3A_496, %parallel_loop3A_495 : i32
          %parallel_loop3A_498 = vector.broadcast %parallel_loop3A_497 : i32 to vector<16xi32>
          %parallel_loop3A_499 = arith.addi %parallel_loop3A_498, %iota3A : vector<16xi32>
          %parallel_loop3A_500 = vector.broadcast %mul3A_154 : i32 to vector<16xi32>
          %parallel_loop3A_501 = arith.cmpi slt, %parallel_loop3A_499, %parallel_loop3A_500 : vector<16xi32>
          %parallel_loop3A_502 = vector.broadcast %reduce_sum3A_44 : f32 to vector<16xf32>
          %parallel_loop3A_503 = arith.subf %parallel_loop3A_493, %parallel_loop3A_502 : vector<16xf32>
          %parallel_loop3A_504 = vector.broadcast %reduce_sum3A_82 : f32 to vector<16xf32>
          %parallel_loop3A_505 = arith.mulf %parallel_loop3A_503, %parallel_loop3A_504 : vector<16xf32>
          %parallel_loop3A_506 = arith.constant 0.000000e+00 : f32
          %parallel_loop3A_507 = arith.constant 1.023000e+03 : f32
          %parallel_loop3A_508 = vector.broadcast %parallel_loop3A_506 : f32 to vector<16xf32>
          %parallel_loop3A_509 = arith.maximumf %parallel_loop3A_508, %parallel_loop3A_505 : vector<16xf32>
          %parallel_loop3A_510 = vector.broadcast %parallel_loop3A_507 : f32 to vector<16xf32>
          %parallel_loop3A_511 = arith.minimumf %parallel_loop3A_510, %parallel_loop3A_509 : vector<16xf32>
          %parallel_loop3A_512 = arith.fptosi %parallel_loop3A_511 : vector<16xf32> to vector<16xi32>
          %parallel_loop3A_513 = vector.broadcast %convert_element_type3A_280 : i32 to vector<16xi32>
          %parallel_loop3A_514 = arith.cmpi sgt, %parallel_loop3A_512, %parallel_loop3A_513 : vector<16xi32>
          %parallel_loop3A_515 = arith.andi %parallel_loop3A_501, %parallel_loop3A_514 : vector<16xi1>
          %parallel_loop3A_516 = arith.constant 0.000000e+00 : f32
          %parallel_loop3A_517 = vector.broadcast %parallel_loop3A_516 : f32 to vector<16xf32>
          %parallel_loop3A_518 = arith.select %parallel_loop3A_515, %parallel_loop3A_493, %parallel_loop3A_517 : vector<16xi1>, vector<16xf32>
          tpu.vector_store_idx %arg14[%iota3A], %parallel_loop3A_518 {add = true} : memref<16xf32, #tpu.memory_space<vmem>>[vector<16xi32>], vector<16xf32>,
          %parallel_loop3A_519 = vector.broadcast %convert_element_type3A_280 : i32 to vector<16xi32>
          %parallel_loop3A_520 = arith.cmpi eq, %parallel_loop3A_512, %parallel_loop3A_519 : vector<16xi32>
          %parallel_loop3A_521 = arith.andi %parallel_loop3A_501, %parallel_loop3A_520 : vector<16xi1>
          %parallel_loop3A_522 = vector.broadcast %add3A_276 : f32 to vector<16xf32>
          %parallel_loop3A_523 = arith.subf %parallel_loop3A_493, %parallel_loop3A_522 : vector<16xf32>
          %parallel_loop3A_524 = vector.broadcast %mul3A_278 : f32 to vector<16xf32>
          %parallel_loop3A_525 = arith.mulf %parallel_loop3A_523, %parallel_loop3A_524 : vector<16xf32>
          %parallel_loop3A_526 = arith.constant 0.000000e+00 : f32
          %parallel_loop3A_527 = arith.constant 1.023000e+03 : f32
          %parallel_loop3A_528 = vector.broadcast %parallel_loop3A_526 : f32 to vector<16xf32>
          %parallel_loop3A_529 = arith.maximumf %parallel_loop3A_528, %parallel_loop3A_525 : vector<16xf32>
          %parallel_loop3A_530 = vector.broadcast %parallel_loop3A_527 : f32 to vector<16xf32>
          %parallel_loop3A_531 = arith.minimumf %parallel_loop3A_530, %parallel_loop3A_529 : vector<16xf32>
          %parallel_loop3A_532 = arith.fptosi %parallel_loop3A_531 : vector<16xf32> to vector<16xi32>
          tpu.vector_store_idx %arg12[%parallel_loop3A_532], %broadcast_in_dim3A_3 masked %parallel_loop3A_521 {add = true} : memref<1024xf32, #tpu.memory_space<vmem>>[vector<16xi32>], vector<16xf32>, vector<16xi1>
          tpu.vector_store_idx %arg13[%parallel_loop3A_532], %parallel_loop3A_493 masked %parallel_loop3A_521 {add = true} : memref<1024xf32, #tpu.memory_space<vmem>>[vector<16xi32>], vector<16xf32>, vector<16xi1>
        } {sc.loop_unroll_factor = 8 : i64, sc.parallel_access}
      } else {
      }
      %gt3A = arith.constant 1 : i32
      %gt3A_292 = arith.cmpi sgt, %shift_right_arithmetic3A_161, %gt3A : i32
      %convert_element_type3A_293 = arith.extui %gt3A_292 : i1 to i32
      %cond3A_294 = arith.constant 0 : i32
      %cond3A_295 = arith.cmpi ne, %convert_element_type3A_293, %cond3A_294 : i32
      scf.if %cond3A_295 {
        %while3A_480 = arith.constant 0 : i32
        %while3A_481 = arith.constant 0 : i32
        %while3A_482 = arith.subi %shift_right_arithmetic3A_161, %while3A_481 : i32
        %while3A_483 = arith.addi %while3A_481, %while3A_482 : i32
        %while3A_484 = arith.constant 1 : i32
        %while3A_485 = arith.divsi %while3A_482, %while3A_484 : i32
        %while3A_486 = arith.muli %while3A_485, %while3A_484 : i32
        %while3A_487 = arith.addi %while3A_481, %while3A_486 : i32
        %while3A_488 = arith.constant 1 : i32
        scf.for %while3A_490 = %while3A_481 to %while3A_487 step %while3A_488  : i32 {
          %mul3A_491 = arith.constant 16 : i32
          %mul3A_492 = arith.muli %while3A_490, %mul3A_491 : i32
          %sub3A_493 = arith.subi %shift_right_arithmetic3A_157, %mul3A_492 : i32
          %min3A = arith.constant 16 : i32
          %min3A_494 = arith.minsi %sub3A_493, %min3A : i32
          %while3A_495 = arith.constant 0 : i32
          %while3A_496 = arith.constant 0 : i32
          %while3A_497 = arith.subi %min3A_494, %while3A_496 : i32
          %while3A_498 = arith.addi %while3A_496, %while3A_497 : i32
          %while3A_499 = arith.constant 1 : i32
          %while3A_500 = arith.divsi %while3A_497, %while3A_499 : i32
          %while3A_501 = arith.muli %while3A_500, %while3A_499 : i32
          %while3A_502 = arith.addi %while3A_496, %while3A_501 : i32
          %while3A_503 = arith.constant 1 : i32
          scf.for %while3A_521 = %while3A_496 to %while3A_502 step %while3A_503  : i32 {
            %add3A_522 = arith.addi %mul3A_492, %while3A_521 : i32
            %mul3A_523 = arith.constant 16 : i32
            %mul3A_524 = arith.muli %add3A_522, %mul3A_523 : i32
            %get3A_525 = arith.index_cast %mul3A_524 : i32 to index
            %get3A_526 = tpu.vector_load %arg10[%get3A_525] {strides = array<i32>} : memref<896xi32, #tpu.memory_space<vmem>>, vector<16xi32>,
            %mul3A_527 = arith.constant 16 : i32
            %mul3A_528 = arith.muli %while3A_521, %mul3A_527 : i32
            %dma_start3A = arith.constant 0 : i32
            %dma_start3A_529 = tpu.memref_slice %arg11[%mul3A_528, %dma_start3A] : memref<256x128xf32, #tpu.memory_space<vmem>> -> memref<16x128xf32, #tpu.memory_space<vmem>>
            %dma_start3A_530 = arith.constant 0 : i32
            %dma_start3A_531 = arith.constant 0 : i32
            %dma_start3A_532 = tpu.memref_slice %arg2[%dma_start3A_530, %dma_start3A_531] : memref<802816x128xf32, #tpu.memory_space<hbm>> -> memref<802816x128xf32, #tpu.memory_space<hbm>>
            tpu.enqueue_indirect_dma source(%dma_start3A_532 : memref<802816x128xf32, #tpu.memory_space<hbm>>) target(%dma_start3A_529 : memref<16x128xf32, #tpu.memory_space<vmem>>) offsets(%get3A_526 : vector<16xi32>) semaphore(%arg20 : memref<!tpu.dma_semaphore, #tpu.memory_space<semaphore_mem>>)
          }
          %while3A_504 = arith.constant 1 : i32
          scf.for %while3A_521 = %while3A_502 to %while3A_498 step %while3A_504  : i32 {
            %add3A_522 = arith.addi %mul3A_492, %while3A_521 : i32
            %mul3A_523 = arith.constant 16 : i32
            %mul3A_524 = arith.muli %add3A_522, %mul3A_523 : i32
            %get3A_525 = arith.index_cast %mul3A_524 : i32 to index
            %get3A_526 = tpu.vector_load %arg10[%get3A_525] {strides = array<i32>} : memref<896xi32, #tpu.memory_space<vmem>>, vector<16xi32>,
            %mul3A_527 = arith.constant 16 : i32
            %mul3A_528 = arith.muli %while3A_521, %mul3A_527 : i32
            %dma_start3A = arith.constant 0 : i32
            %dma_start3A_529 = tpu.memref_slice %arg11[%mul3A_528, %dma_start3A] : memref<256x128xf32, #tpu.memory_space<vmem>> -> memref<16x128xf32, #tpu.memory_space<vmem>>
            %dma_start3A_530 = arith.constant 0 : i32
            %dma_start3A_531 = arith.constant 0 : i32
            %dma_start3A_532 = tpu.memref_slice %arg2[%dma_start3A_530, %dma_start3A_531] : memref<802816x128xf32, #tpu.memory_space<hbm>> -> memref<802816x128xf32, #tpu.memory_space<hbm>>
            tpu.enqueue_indirect_dma source(%dma_start3A_532 : memref<802816x128xf32, #tpu.memory_space<hbm>>) target(%dma_start3A_529 : memref<16x128xf32, #tpu.memory_space<vmem>>) offsets(%get3A_526 : vector<16xi32>) semaphore(%arg20 : memref<!tpu.dma_semaphore, #tpu.memory_space<semaphore_mem>>)
          }
          %while3A_505 = arith.constant 0 : i32
          %while3A_506 = arith.constant 0 : i32
          %while3A_507 = arith.subi %min3A_494, %while3A_506 : i32
          %while3A_508 = arith.addi %while3A_506, %while3A_507 : i32
          %while3A_509 = arith.constant 1 : i32
          %while3A_510 = arith.divsi %while3A_507, %while3A_509 : i32
          %while3A_511 = arith.muli %while3A_510, %while3A_509 : i32
          %while3A_512 = arith.addi %while3A_506, %while3A_511 : i32
          %while3A_513 = arith.constant 1 : i32
          scf.for %while3A_521 = %while3A_506 to %while3A_512 step %while3A_513  : i32 {
            %add3A_522 = arith.addi %mul3A_492, %while3A_521 : i32
            %mul3A_523 = arith.constant 16 : i32
            %mul3A_524 = arith.muli %add3A_522, %mul3A_523 : i32
            %get3A_525 = arith.index_cast %mul3A_524 : i32 to index
            %get3A_526 = tpu.vector_load %arg10[%get3A_525] {strides = array<i32>} : memref<896xi32, #tpu.memory_space<vmem>>, vector<16xi32>,
            %mul3A_527 = arith.constant 16 : i32
            %mul3A_528 = arith.muli %while3A_521, %mul3A_527 : i32
            %dma_wait3A = arith.constant 0 : i32
            %dma_wait3A_529 = tpu.memref_slice %arg11[%mul3A_528, %dma_wait3A] : memref<256x128xf32, #tpu.memory_space<vmem>> -> memref<16x128xf32, #tpu.memory_space<vmem>>
            %dma_wait3A_530 = arith.constant 0 : i32
            %dma_wait3A_531 = arith.constant 0 : i32
            %dma_wait3A_532 = tpu.memref_slice %arg2[%dma_wait3A_530, %dma_wait3A_531] : memref<802816x128xf32, #tpu.memory_space<hbm>> -> memref<802816x128xf32, #tpu.memory_space<hbm>>
            tpu.wait_indirect_dma semaphore(%arg20 : memref<!tpu.dma_semaphore, #tpu.memory_space<semaphore_mem>>) src(%dma_wait3A_532 : memref<802816x128xf32, #tpu.memory_space<hbm>>) dst(%dma_wait3A_529 : memref<16x128xf32, #tpu.memory_space<vmem>>)
          }
          %while3A_514 = arith.constant 1 : i32
          scf.for %while3A_521 = %while3A_512 to %while3A_508 step %while3A_514  : i32 {
            %add3A_522 = arith.addi %mul3A_492, %while3A_521 : i32
            %mul3A_523 = arith.constant 16 : i32
            %mul3A_524 = arith.muli %add3A_522, %mul3A_523 : i32
            %get3A_525 = arith.index_cast %mul3A_524 : i32 to index
            %get3A_526 = tpu.vector_load %arg10[%get3A_525] {strides = array<i32>} : memref<896xi32, #tpu.memory_space<vmem>>, vector<16xi32>,
            %mul3A_527 = arith.constant 16 : i32
            %mul3A_528 = arith.muli %while3A_521, %mul3A_527 : i32
            %dma_wait3A = arith.constant 0 : i32
            %dma_wait3A_529 = tpu.memref_slice %arg11[%mul3A_528, %dma_wait3A] : memref<256x128xf32, #tpu.memory_space<vmem>> -> memref<16x128xf32, #tpu.memory_space<vmem>>
            %dma_wait3A_530 = arith.constant 0 : i32
            %dma_wait3A_531 = arith.constant 0 : i32
            %dma_wait3A_532 = tpu.memref_slice %arg2[%dma_wait3A_530, %dma_wait3A_531] : memref<802816x128xf32, #tpu.memory_space<hbm>> -> memref<802816x128xf32, #tpu.memory_space<hbm>>
            tpu.wait_indirect_dma semaphore(%arg20 : memref<!tpu.dma_semaphore, #tpu.memory_space<semaphore_mem>>) src(%dma_wait3A_532 : memref<802816x128xf32, #tpu.memory_space<hbm>>) dst(%dma_wait3A_529 : memref<16x128xf32, #tpu.memory_space<vmem>>)
          }
          %mul3A_515 = arith.constant 2048 : i32
          %mul3A_516 = arith.muli %mul3A_492, %mul3A_515 : i32
          %mul3A_517 = arith.constant 128 : i32
          %mul3A_518 = arith.muli %min3A_494, %mul3A_517 : i32
          %parallel_loop3A_519 = arith.constant 0 : i32
          %parallel_loop3A_520 = arith.constant 1 : i32
          scf.for %parallel_loop3A_521 = %parallel_loop3A_519 to %mul3A_518 step %parallel_loop3A_520  : i32 {
            %parallel_loop3A_522 = arith.constant 3 : i32
            %parallel_loop3A_523 = arith.shrsi %parallel_loop3A_521, %parallel_loop3A_522 : i32
            %parallel_loop3A_524 = arith.constant 7 : i32
            %parallel_loop3A_525 = arith.andi %parallel_loop3A_521, %parallel_loop3A_524 : i32
            %parallel_loop3A_526 = arith.constant 16 : i32
            %parallel_loop3A_527 = arith.muli %parallel_loop3A_525, %parallel_loop3A_526 : i32
            %parallel_loop3A_528 = arith.index_cast %parallel_loop3A_523 : i32 to index
            %parallel_loop3A_529 = arith.index_cast %parallel_loop3A_527 : i32 to index
            %parallel_loop3A_530 = tpu.vector_load %arg11[%parallel_loop3A_528, %parallel_loop3A_529] {strides = array<i32>} : memref<256x128xf32, #tpu.memory_space<vmem>>, vector<16xf32>,
            %parallel_loop3A_531 = arith.constant 16 : i32
            %parallel_loop3A_532 = arith.muli %parallel_loop3A_521, %parallel_loop3A_531 : i32
            %parallel_loop3A_533 = arith.addi %mul3A_516, %parallel_loop3A_532 : i32
            %parallel_loop3A_534 = vector.broadcast %parallel_loop3A_533 : i32 to vector<16xi32>
            %parallel_loop3A_535 = arith.addi %parallel_loop3A_534, %iota3A : vector<16xi32>
            %parallel_loop3A_536 = vector.broadcast %mul3A_154 : i32 to vector<16xi32>
            %parallel_loop3A_537 = arith.cmpi slt, %parallel_loop3A_535, %parallel_loop3A_536 : vector<16xi32>
            %parallel_loop3A_538 = vector.broadcast %reduce_sum3A_44 : f32 to vector<16xf32>
            %parallel_loop3A_539 = arith.subf %parallel_loop3A_530, %parallel_loop3A_538 : vector<16xf32>
            %parallel_loop3A_540 = vector.broadcast %reduce_sum3A_82 : f32 to vector<16xf32>
            %parallel_loop3A_541 = arith.mulf %parallel_loop3A_539, %parallel_loop3A_540 : vector<16xf32>
            %parallel_loop3A_542 = arith.constant 0.000000e+00 : f32
            %parallel_loop3A_543 = arith.constant 1.023000e+03 : f32
            %parallel_loop3A_544 = vector.broadcast %parallel_loop3A_542 : f32 to vector<16xf32>
            %parallel_loop3A_545 = arith.maximumf %parallel_loop3A_544, %parallel_loop3A_541 : vector<16xf32>
            %parallel_loop3A_546 = vector.broadcast %parallel_loop3A_543 : f32 to vector<16xf32>
            %parallel_loop3A_547 = arith.minimumf %parallel_loop3A_546, %parallel_loop3A_545 : vector<16xf32>
            %parallel_loop3A_548 = arith.fptosi %parallel_loop3A_547 : vector<16xf32> to vector<16xi32>
            %parallel_loop3A_549 = vector.broadcast %convert_element_type3A_280 : i32 to vector<16xi32>
            %parallel_loop3A_550 = arith.cmpi sgt, %parallel_loop3A_548, %parallel_loop3A_549 : vector<16xi32>
            %parallel_loop3A_551 = arith.andi %parallel_loop3A_537, %parallel_loop3A_550 : vector<16xi1>
            %parallel_loop3A_552 = arith.constant 0.000000e+00 : f32
            %parallel_loop3A_553 = vector.broadcast %parallel_loop3A_552 : f32 to vector<16xf32>
            %parallel_loop3A_554 = arith.select %parallel_loop3A_551, %parallel_loop3A_530, %parallel_loop3A_553 : vector<16xi1>, vector<16xf32>
            tpu.vector_store_idx %arg14[%iota3A], %parallel_loop3A_554 {add = true} : memref<16xf32, #tpu.memory_space<vmem>>[vector<16xi32>], vector<16xf32>,
            %parallel_loop3A_555 = vector.broadcast %convert_element_type3A_280 : i32 to vector<16xi32>
            %parallel_loop3A_556 = arith.cmpi eq, %parallel_loop3A_548, %parallel_loop3A_555 : vector<16xi32>
            %parallel_loop3A_557 = arith.andi %parallel_loop3A_537, %parallel_loop3A_556 : vector<16xi1>
            %parallel_loop3A_558 = vector.broadcast %add3A_276 : f32 to vector<16xf32>
            %parallel_loop3A_559 = arith.subf %parallel_loop3A_530, %parallel_loop3A_558 : vector<16xf32>
            %parallel_loop3A_560 = vector.broadcast %mul3A_278 : f32 to vector<16xf32>
            %parallel_loop3A_561 = arith.mulf %parallel_loop3A_559, %parallel_loop3A_560 : vector<16xf32>
            %parallel_loop3A_562 = arith.constant 0.000000e+00 : f32
            %parallel_loop3A_563 = arith.constant 1.023000e+03 : f32
            %parallel_loop3A_564 = vector.broadcast %parallel_loop3A_562 : f32 to vector<16xf32>
            %parallel_loop3A_565 = arith.maximumf %parallel_loop3A_564, %parallel_loop3A_561 : vector<16xf32>
            %parallel_loop3A_566 = vector.broadcast %parallel_loop3A_563 : f32 to vector<16xf32>
            %parallel_loop3A_567 = arith.minimumf %parallel_loop3A_566, %parallel_loop3A_565 : vector<16xf32>
            %parallel_loop3A_568 = arith.fptosi %parallel_loop3A_567 : vector<16xf32> to vector<16xi32>
            tpu.vector_store_idx %arg12[%parallel_loop3A_568], %broadcast_in_dim3A_3 masked %parallel_loop3A_557 {add = true} : memref<1024xf32, #tpu.memory_space<vmem>>[vector<16xi32>], vector<16xf32>, vector<16xi1>
            tpu.vector_store_idx %arg13[%parallel_loop3A_568], %parallel_loop3A_530 masked %parallel_loop3A_557 {add = true} : memref<1024xf32, #tpu.memory_space<vmem>>[vector<16xi32>], vector<16xf32>, vector<16xi1>
          } {sc.loop_unroll_factor = 8 : i64, sc.parallel_access}
        }
        %while3A_489 = arith.constant 1 : i32
        scf.for %while3A_490 = %while3A_487 to %while3A_483 step %while3A_489  : i32 {
          %mul3A_491 = arith.constant 16 : i32
          %mul3A_492 = arith.muli %while3A_490, %mul3A_491 : i32
          %sub3A_493 = arith.subi %shift_right_arithmetic3A_157, %mul3A_492 : i32
          %min3A = arith.constant 16 : i32
          %min3A_494 = arith.minsi %sub3A_493, %min3A : i32
          %while3A_495 = arith.constant 0 : i32
          %while3A_496 = arith.constant 0 : i32
          %while3A_497 = arith.subi %min3A_494, %while3A_496 : i32
          %while3A_498 = arith.addi %while3A_496, %while3A_497 : i32
          %while3A_499 = arith.constant 1 : i32
          %while3A_500 = arith.divsi %while3A_497, %while3A_499 : i32
          %while3A_501 = arith.muli %while3A_500, %while3A_499 : i32
          %while3A_502 = arith.addi %while3A_496, %while3A_501 : i32
          %while3A_503 = arith.constant 1 : i32
          scf.for %while3A_521 = %while3A_496 to %while3A_502 step %while3A_503  : i32 {
            %add3A_522 = arith.addi %mul3A_492, %while3A_521 : i32
            %mul3A_523 = arith.constant 16 : i32
            %mul3A_524 = arith.muli %add3A_522, %mul3A_523 : i32
            %get3A_525 = arith.index_cast %mul3A_524 : i32 to index
            %get3A_526 = tpu.vector_load %arg10[%get3A_525] {strides = array<i32>} : memref<896xi32, #tpu.memory_space<vmem>>, vector<16xi32>,
            %mul3A_527 = arith.constant 16 : i32
            %mul3A_528 = arith.muli %while3A_521, %mul3A_527 : i32
            %dma_start3A = arith.constant 0 : i32
            %dma_start3A_529 = tpu.memref_slice %arg11[%mul3A_528, %dma_start3A] : memref<256x128xf32, #tpu.memory_space<vmem>> -> memref<16x128xf32, #tpu.memory_space<vmem>>
            %dma_start3A_530 = arith.constant 0 : i32
            %dma_start3A_531 = arith.constant 0 : i32
            %dma_start3A_532 = tpu.memref_slice %arg2[%dma_start3A_530, %dma_start3A_531] : memref<802816x128xf32, #tpu.memory_space<hbm>> -> memref<802816x128xf32, #tpu.memory_space<hbm>>
            tpu.enqueue_indirect_dma source(%dma_start3A_532 : memref<802816x128xf32, #tpu.memory_space<hbm>>) target(%dma_start3A_529 : memref<16x128xf32, #tpu.memory_space<vmem>>) offsets(%get3A_526 : vector<16xi32>) semaphore(%arg20 : memref<!tpu.dma_semaphore, #tpu.memory_space<semaphore_mem>>)
          }
          %while3A_504 = arith.constant 1 : i32
          scf.for %while3A_521 = %while3A_502 to %while3A_498 step %while3A_504  : i32 {
            %add3A_522 = arith.addi %mul3A_492, %while3A_521 : i32
            %mul3A_523 = arith.constant 16 : i32
            %mul3A_524 = arith.muli %add3A_522, %mul3A_523 : i32
            %get3A_525 = arith.index_cast %mul3A_524 : i32 to index
            %get3A_526 = tpu.vector_load %arg10[%get3A_525] {strides = array<i32>} : memref<896xi32, #tpu.memory_space<vmem>>, vector<16xi32>,
            %mul3A_527 = arith.constant 16 : i32
            %mul3A_528 = arith.muli %while3A_521, %mul3A_527 : i32
            %dma_start3A = arith.constant 0 : i32
            %dma_start3A_529 = tpu.memref_slice %arg11[%mul3A_528, %dma_start3A] : memref<256x128xf32, #tpu.memory_space<vmem>> -> memref<16x128xf32, #tpu.memory_space<vmem>>
            %dma_start3A_530 = arith.constant 0 : i32
            %dma_start3A_531 = arith.constant 0 : i32
            %dma_start3A_532 = tpu.memref_slice %arg2[%dma_start3A_530, %dma_start3A_531] : memref<802816x128xf32, #tpu.memory_space<hbm>> -> memref<802816x128xf32, #tpu.memory_space<hbm>>
            tpu.enqueue_indirect_dma source(%dma_start3A_532 : memref<802816x128xf32, #tpu.memory_space<hbm>>) target(%dma_start3A_529 : memref<16x128xf32, #tpu.memory_space<vmem>>) offsets(%get3A_526 : vector<16xi32>) semaphore(%arg20 : memref<!tpu.dma_semaphore, #tpu.memory_space<semaphore_mem>>)
          }
          %while3A_505 = arith.constant 0 : i32
          %while3A_506 = arith.constant 0 : i32
          %while3A_507 = arith.subi %min3A_494, %while3A_506 : i32
          %while3A_508 = arith.addi %while3A_506, %while3A_507 : i32
          %while3A_509 = arith.constant 1 : i32
          %while3A_510 = arith.divsi %while3A_507, %while3A_509 : i32
          %while3A_511 = arith.muli %while3A_510, %while3A_509 : i32
          %while3A_512 = arith.addi %while3A_506, %while3A_511 : i32
          %while3A_513 = arith.constant 1 : i32
          scf.for %while3A_521 = %while3A_506 to %while3A_512 step %while3A_513  : i32 {
            %add3A_522 = arith.addi %mul3A_492, %while3A_521 : i32
            %mul3A_523 = arith.constant 16 : i32
            %mul3A_524 = arith.muli %add3A_522, %mul3A_523 : i32
            %get3A_525 = arith.index_cast %mul3A_524 : i32 to index
            %get3A_526 = tpu.vector_load %arg10[%get3A_525] {strides = array<i32>} : memref<896xi32, #tpu.memory_space<vmem>>, vector<16xi32>,
            %mul3A_527 = arith.constant 16 : i32
            %mul3A_528 = arith.muli %while3A_521, %mul3A_527 : i32
            %dma_wait3A = arith.constant 0 : i32
            %dma_wait3A_529 = tpu.memref_slice %arg11[%mul3A_528, %dma_wait3A] : memref<256x128xf32, #tpu.memory_space<vmem>> -> memref<16x128xf32, #tpu.memory_space<vmem>>
            %dma_wait3A_530 = arith.constant 0 : i32
            %dma_wait3A_531 = arith.constant 0 : i32
            %dma_wait3A_532 = tpu.memref_slice %arg2[%dma_wait3A_530, %dma_wait3A_531] : memref<802816x128xf32, #tpu.memory_space<hbm>> -> memref<802816x128xf32, #tpu.memory_space<hbm>>
            tpu.wait_indirect_dma semaphore(%arg20 : memref<!tpu.dma_semaphore, #tpu.memory_space<semaphore_mem>>) src(%dma_wait3A_532 : memref<802816x128xf32, #tpu.memory_space<hbm>>) dst(%dma_wait3A_529 : memref<16x128xf32, #tpu.memory_space<vmem>>)
          }
          %while3A_514 = arith.constant 1 : i32
          scf.for %while3A_521 = %while3A_512 to %while3A_508 step %while3A_514  : i32 {
            %add3A_522 = arith.addi %mul3A_492, %while3A_521 : i32
            %mul3A_523 = arith.constant 16 : i32
            %mul3A_524 = arith.muli %add3A_522, %mul3A_523 : i32
            %get3A_525 = arith.index_cast %mul3A_524 : i32 to index
            %get3A_526 = tpu.vector_load %arg10[%get3A_525] {strides = array<i32>} : memref<896xi32, #tpu.memory_space<vmem>>, vector<16xi32>,
            %mul3A_527 = arith.constant 16 : i32
            %mul3A_528 = arith.muli %while3A_521, %mul3A_527 : i32
            %dma_wait3A = arith.constant 0 : i32
            %dma_wait3A_529 = tpu.memref_slice %arg11[%mul3A_528, %dma_wait3A] : memref<256x128xf32, #tpu.memory_space<vmem>> -> memref<16x128xf32, #tpu.memory_space<vmem>>
            %dma_wait3A_530 = arith.constant 0 : i32
            %dma_wait3A_531 = arith.constant 0 : i32
            %dma_wait3A_532 = tpu.memref_slice %arg2[%dma_wait3A_530, %dma_wait3A_531] : memref<802816x128xf32, #tpu.memory_space<hbm>> -> memref<802816x128xf32, #tpu.memory_space<hbm>>
            tpu.wait_indirect_dma semaphore(%arg20 : memref<!tpu.dma_semaphore, #tpu.memory_space<semaphore_mem>>) src(%dma_wait3A_532 : memref<802816x128xf32, #tpu.memory_space<hbm>>) dst(%dma_wait3A_529 : memref<16x128xf32, #tpu.memory_space<vmem>>)
          }
          %mul3A_515 = arith.constant 2048 : i32
          %mul3A_516 = arith.muli %mul3A_492, %mul3A_515 : i32
          %mul3A_517 = arith.constant 128 : i32
          %mul3A_518 = arith.muli %min3A_494, %mul3A_517 : i32
          %parallel_loop3A_519 = arith.constant 0 : i32
          %parallel_loop3A_520 = arith.constant 1 : i32
          scf.for %parallel_loop3A_521 = %parallel_loop3A_519 to %mul3A_518 step %parallel_loop3A_520  : i32 {
            %parallel_loop3A_522 = arith.constant 3 : i32
            %parallel_loop3A_523 = arith.shrsi %parallel_loop3A_521, %parallel_loop3A_522 : i32
            %parallel_loop3A_524 = arith.constant 7 : i32
            %parallel_loop3A_525 = arith.andi %parallel_loop3A_521, %parallel_loop3A_524 : i32
            %parallel_loop3A_526 = arith.constant 16 : i32
            %parallel_loop3A_527 = arith.muli %parallel_loop3A_525, %parallel_loop3A_526 : i32
            %parallel_loop3A_528 = arith.index_cast %parallel_loop3A_523 : i32 to index
            %parallel_loop3A_529 = arith.index_cast %parallel_loop3A_527 : i32 to index
            %parallel_loop3A_530 = tpu.vector_load %arg11[%parallel_loop3A_528, %parallel_loop3A_529] {strides = array<i32>} : memref<256x128xf32, #tpu.memory_space<vmem>>, vector<16xf32>,
            %parallel_loop3A_531 = arith.constant 16 : i32
            %parallel_loop3A_532 = arith.muli %parallel_loop3A_521, %parallel_loop3A_531 : i32
            %parallel_loop3A_533 = arith.addi %mul3A_516, %parallel_loop3A_532 : i32
            %parallel_loop3A_534 = vector.broadcast %parallel_loop3A_533 : i32 to vector<16xi32>
            %parallel_loop3A_535 = arith.addi %parallel_loop3A_534, %iota3A : vector<16xi32>
            %parallel_loop3A_536 = vector.broadcast %mul3A_154 : i32 to vector<16xi32>
            %parallel_loop3A_537 = arith.cmpi slt, %parallel_loop3A_535, %parallel_loop3A_536 : vector<16xi32>
            %parallel_loop3A_538 = vector.broadcast %reduce_sum3A_44 : f32 to vector<16xf32>
            %parallel_loop3A_539 = arith.subf %parallel_loop3A_530, %parallel_loop3A_538 : vector<16xf32>
            %parallel_loop3A_540 = vector.broadcast %reduce_sum3A_82 : f32 to vector<16xf32>
            %parallel_loop3A_541 = arith.mulf %parallel_loop3A_539, %parallel_loop3A_540 : vector<16xf32>
            %parallel_loop3A_542 = arith.constant 0.000000e+00 : f32
            %parallel_loop3A_543 = arith.constant 1.023000e+03 : f32
            %parallel_loop3A_544 = vector.broadcast %parallel_loop3A_542 : f32 to vector<16xf32>
            %parallel_loop3A_545 = arith.maximumf %parallel_loop3A_544, %parallel_loop3A_541 : vector<16xf32>
            %parallel_loop3A_546 = vector.broadcast %parallel_loop3A_543 : f32 to vector<16xf32>
            %parallel_loop3A_547 = arith.minimumf %parallel_loop3A_546, %parallel_loop3A_545 : vector<16xf32>
            %parallel_loop3A_548 = arith.fptosi %parallel_loop3A_547 : vector<16xf32> to vector<16xi32>
            %parallel_loop3A_549 = vector.broadcast %convert_element_type3A_280 : i32 to vector<16xi32>
            %parallel_loop3A_550 = arith.cmpi sgt, %parallel_loop3A_548, %parallel_loop3A_549 : vector<16xi32>
            %parallel_loop3A_551 = arith.andi %parallel_loop3A_537, %parallel_loop3A_550 : vector<16xi1>
            %parallel_loop3A_552 = arith.constant 0.000000e+00 : f32
            %parallel_loop3A_553 = vector.broadcast %parallel_loop3A_552 : f32 to vector<16xf32>
            %parallel_loop3A_554 = arith.select %parallel_loop3A_551, %parallel_loop3A_530, %parallel_loop3A_553 : vector<16xi1>, vector<16xf32>
            tpu.vector_store_idx %arg14[%iota3A], %parallel_loop3A_554 {add = true} : memref<16xf32, #tpu.memory_space<vmem>>[vector<16xi32>], vector<16xf32>,
            %parallel_loop3A_555 = vector.broadcast %convert_element_type3A_280 : i32 to vector<16xi32>
            %parallel_loop3A_556 = arith.cmpi eq, %parallel_loop3A_548, %parallel_loop3A_555 : vector<16xi32>
            %parallel_loop3A_557 = arith.andi %parallel_loop3A_537, %parallel_loop3A_556 : vector<16xi1>
            %parallel_loop3A_558 = vector.broadcast %add3A_276 : f32 to vector<16xf32>
            %parallel_loop3A_559 = arith.subf %parallel_loop3A_530, %parallel_loop3A_558 : vector<16xf32>
            %parallel_loop3A_560 = vector.broadcast %mul3A_278 : f32 to vector<16xf32>
            %parallel_loop3A_561 = arith.mulf %parallel_loop3A_559, %parallel_loop3A_560 : vector<16xf32>
            %parallel_loop3A_562 = arith.constant 0.000000e+00 : f32
            %parallel_loop3A_563 = arith.constant 1.023000e+03 : f32
            %parallel_loop3A_564 = vector.broadcast %parallel_loop3A_562 : f32 to vector<16xf32>
            %parallel_loop3A_565 = arith.maximumf %parallel_loop3A_564, %parallel_loop3A_561 : vector<16xf32>
            %parallel_loop3A_566 = vector.broadcast %parallel_loop3A_563 : f32 to vector<16xf32>
            %parallel_loop3A_567 = arith.minimumf %parallel_loop3A_566, %parallel_loop3A_565 : vector<16xf32>
            %parallel_loop3A_568 = arith.fptosi %parallel_loop3A_567 : vector<16xf32> to vector<16xi32>
            tpu.vector_store_idx %arg12[%parallel_loop3A_568], %broadcast_in_dim3A_3 masked %parallel_loop3A_557 {add = true} : memref<1024xf32, #tpu.memory_space<vmem>>[vector<16xi32>], vector<16xf32>, vector<16xi1>
            tpu.vector_store_idx %arg13[%parallel_loop3A_568], %parallel_loop3A_530 masked %parallel_loop3A_557 {add = true} : memref<1024xf32, #tpu.memory_space<vmem>>[vector<16xi32>], vector<16xf32>, vector<16xi1>
          } {sc.loop_unroll_factor = 8 : i64, sc.parallel_access}
        }
      } else {
      }
      %get3A_296 = arith.constant 0 : index
      %get3A_297 = tpu.vector_load %arg14[%get3A_296] {strides = array<i32>} : memref<16xf32, #tpu.memory_space<vmem>>, vector<16xf32>,
      %reduce_sum3A_298 = arith.constant true
      %reduce_sum3A_299 = vector.broadcast %reduce_sum3A_298 : i1 to vector<16xi1>
      %reduce_sum3A_300 = tpu.scan <sum>, %get3A_297 masked %reduce_sum3A_299 : vector<16xf32>, vector<16xi1> -> vector<16xf32>
      %reduce_sum3A_301 = vector.extract %reduce_sum3A_300[15] : f32 from vector<16xf32>
      %iota3A_302 = tpu.iota {dimensions = array<i32: 0>} : vector<16xi32>
      %convert_element_type3A_303 = arith.sitofp %iota3A_302 : vector<16xi32> to vector<16xf32>
      %while3A_304 = arith.constant 63 : i32
      %while3A_305 = arith.constant 0.000000e+00 : f32
      %while3A_306 = arith.constant 0.000000e+00 : f32
      %while3A_307 = arith.constant false
      %while3A_308:4 = scf.while (%while3A_480 = %while3A_304, %while3A_481 = %while3A_305, %while3A_482 = %while3A_306, %while3A_483 = %while3A_307) : (i32, f32, f32, i1) -> (i32, f32, f32, i1) {
        %not3A = arith.constant true
        %not3A_484 = arith.xori %while3A_483, %not3A : i1
        %ge3A_485 = arith.constant 0 : i32
        %ge3A_486 = arith.cmpi sge, %while3A_480, %ge3A_485 : i32
        %and3A_487 = arith.andi %not3A_484, %ge3A_486 : i1
        scf.condition(%and3A_487) %while3A_480, %while3A_481, %while3A_482, %while3A_483 : i32, f32, f32, i1
      } do {
      ^bb0(%while3A_480: i32, %while3A_481: f32, %while3A_482: f32, %while3A_483: i1):
        %mul3A_484 = arith.constant 16 : i32
        %mul3A_485 = arith.muli %while3A_480, %mul3A_484 : i32
        %get3A_486 = arith.index_cast %mul3A_485 : i32 to index
        %get3A_487 = tpu.vector_load %arg12[%get3A_486] {strides = array<i32>} : memref<1024xf32, #tpu.memory_space<vmem>>, vector<16xf32>,
        %reduce_sum3A_488 = arith.constant true
        %reduce_sum3A_489 = vector.broadcast %reduce_sum3A_488 : i1 to vector<16xi1>
        %reduce_sum3A_490 = tpu.scan <sum>, %get3A_487 masked %reduce_sum3A_489 : vector<16xf32>, vector<16xi1> -> vector<16xf32>
        %reduce_sum3A_491 = vector.extract %reduce_sum3A_490[15] : f32 from vector<16xf32>
        %add3A_492 = arith.addf %while3A_481, %reduce_sum3A_491 : f32
        %ge3A_493 = arith.cmpf oge, %add3A_492, %sub3A_279 : f32
        %mul3A_494 = arith.constant 16 : i32
        %mul3A_495 = arith.muli %while3A_480, %mul3A_494 : i32
        %get3A_496 = arith.index_cast %mul3A_495 : i32 to index
        %get3A_497 = tpu.vector_load %arg13[%get3A_496] {strides = array<i32>} : memref<1024xf32, #tpu.memory_space<vmem>>, vector<16xf32>,
        %reduce_sum3A_498 = arith.constant true
        %reduce_sum3A_499 = vector.broadcast %reduce_sum3A_498 : i1 to vector<16xi1>
        %reduce_sum3A_500 = tpu.scan <sum>, %get3A_497 masked %reduce_sum3A_499 : vector<16xf32>, vector<16xi1> -> vector<16xf32>
        %reduce_sum3A_501 = vector.extract %reduce_sum3A_500[15] : f32 from vector<16xf32>
        %add3A_502 = arith.addf %while3A_482, %reduce_sum3A_501 : f32
        %select_n3A_503 = arith.select %ge3A_493, %while3A_482, %add3A_502 : f32
        %sub3A_504 = arith.constant 1 : i32
        %sub3A_505 = arith.subi %while3A_480, %sub3A_504 : i32
        %select_n3A_506 = arith.select %ge3A_493, %while3A_480, %sub3A_505 : i32
        %add3A_507 = arith.addf %while3A_481, %reduce_sum3A_491 : f32
        %select_n3A_508 = arith.select %ge3A_493, %while3A_481, %add3A_507 : f32
        scf.yield %select_n3A_506, %select_n3A_508, %select_n3A_503, %ge3A_493 : i32, f32, f32, i1
      }
      %max3A_309 = arith.constant 0 : i32
      %max3A_310 = arith.maxsi %while3A_308#0, %max3A_309 : i32
      %mul3A_311 = arith.constant 16 : i32
      %mul3A_312 = arith.muli %max3A_310, %mul3A_311 : i32
      %get3A_313 = arith.index_cast %mul3A_312 : i32 to index
      %get3A_314 = tpu.vector_load %arg12[%get3A_313] {strides = array<i32>} : memref<1024xf32, #tpu.memory_space<vmem>>, vector<16xf32>,
      %rev3A_315 = arith.constant 15 : i32
      %rev3A_316 = vector.broadcast %rev3A_315 : i32 to vector<16xi32>
      %rev3A_317 = tpu.iota {dimensions = array<i32: 0>} : vector<16xi32>
      %rev3A_318 = arith.subi %rev3A_316, %rev3A_317 : vector<16xi32>
      %rev3A_319 = tpu.dynamic_gather %get3A_314[%rev3A_318] in [0] : vector<16xf32>, vector<16xi32> -> vector<16xf32>
      %cumsum3A_320 = arith.constant true
      %cumsum3A_321 = vector.broadcast %cumsum3A_320 : i1 to vector<16xi1>
      %cumsum3A_322 = tpu.scan <sum>, %rev3A_319 masked %cumsum3A_321 : vector<16xf32>, vector<16xi1> -> vector<16xf32>
      %rev3A_323 = arith.constant 15 : i32
      %rev3A_324 = vector.broadcast %rev3A_323 : i32 to vector<16xi32>
      %rev3A_325 = tpu.iota {dimensions = array<i32: 0>} : vector<16xi32>
      %rev3A_326 = arith.subi %rev3A_324, %rev3A_325 : vector<16xi32>
      %rev3A_327 = tpu.dynamic_gather %cumsum3A_322[%rev3A_326] in [0] : vector<16xf32>, vector<16xi32> -> vector<16xf32>
      %add3A_328 = vector.broadcast %while3A_308#1 : f32 to vector<16xf32>
      %add3A_329 = arith.addf %rev3A_327, %add3A_328 : vector<16xf32>
      %ge3A_330 = vector.broadcast %sub3A_279 : f32 to vector<16xf32>
      %ge3A_331 = arith.cmpf oge, %add3A_329, %ge3A_330 : vector<16xf32>
      %jit3A_332 = arith.constant 1.000000e+00 : f32
      %jit3A_333 = arith.constant 0.000000e+00 : f32
      %broadcast_in_dim3A_334 = vector.broadcast %jit3A_332 : f32 to vector<16xf32>
      %broadcast_in_dim3A_335 = vector.broadcast %jit3A_333 : f32 to vector<16xf32>
      %select_n3A_336 = arith.select %ge3A_331, %broadcast_in_dim3A_334, %broadcast_in_dim3A_335 : vector<16xi1>, vector<16xf32>
      %reduce_sum3A_337 = arith.constant true
      %reduce_sum3A_338 = vector.broadcast %reduce_sum3A_337 : i1 to vector<16xi1>
      %reduce_sum3A_339 = tpu.scan <sum>, %select_n3A_336 masked %reduce_sum3A_338 : vector<16xf32>, vector<16xi1> -> vector<16xf32>
      %reduce_sum3A_340 = vector.extract %reduce_sum3A_339[15] : f32 from vector<16xf32>
      %sub3A_341 = arith.constant 1.000000e+00 : f32
      %sub3A_342 = arith.subf %reduce_sum3A_340, %sub3A_341 : f32
      %eq3A_343 = vector.broadcast %sub3A_342 : f32 to vector<16xf32>
      %eq3A_344 = arith.cmpf oeq, %convert_element_type3A_303, %eq3A_343 : vector<16xf32>
      %jit3A_345 = arith.constant 0.000000e+00 : f32
      %broadcast_in_dim3A_346 = vector.broadcast %jit3A_345 : f32 to vector<16xf32>
      %select_n3A_347 = arith.select %eq3A_344, %get3A_314, %broadcast_in_dim3A_346 : vector<16xi1>, vector<16xf32>
      %reduce_sum3A_348 = arith.constant true
      %reduce_sum3A_349 = vector.broadcast %reduce_sum3A_348 : i1 to vector<16xi1>
      %reduce_sum3A_350 = tpu.scan <sum>, %select_n3A_347 masked %reduce_sum3A_349 : vector<16xf32>, vector<16xi1> -> vector<16xf32>
      %reduce_sum3A_351 = vector.extract %reduce_sum3A_350[15] : f32 from vector<16xf32>
      %jit3A_352 = arith.constant 0.000000e+00 : f32
      %broadcast_in_dim3A_353 = vector.broadcast %jit3A_352 : f32 to vector<16xf32>
      %select_n3A_354 = arith.select %eq3A_344, %add3A_329, %broadcast_in_dim3A_353 : vector<16xi1>, vector<16xf32>
      %reduce_sum3A_355 = arith.constant true
      %reduce_sum3A_356 = vector.broadcast %reduce_sum3A_355 : i1 to vector<16xi1>
      %reduce_sum3A_357 = tpu.scan <sum>, %select_n3A_354 masked %reduce_sum3A_356 : vector<16xf32>, vector<16xi1> -> vector<16xf32>
      %reduce_sum3A_358 = vector.extract %reduce_sum3A_357[15] : f32 from vector<16xf32>
      %mul3A_359 = arith.constant 16 : i32
      %mul3A_360 = arith.muli %max3A_310, %mul3A_359 : i32
      %convert_element_type3A_361 = arith.sitofp %mul3A_360 : i32 to f32
      %add3A_362 = arith.addf %convert_element_type3A_361, %sub3A_342 : f32
      %sub3A_363 = arith.subf %reduce_sum3A_358, %reduce_sum3A_351 : f32
      %mul3A_364 = arith.constant 16 : i32
      %mul3A_365 = arith.muli %max3A_310, %mul3A_364 : i32
      %get3A_366 = arith.index_cast %mul3A_365 : i32 to index
      %get3A_367 = tpu.vector_load %arg13[%get3A_366] {strides = array<i32>} : memref<1024xf32, #tpu.memory_space<vmem>>, vector<16xf32>,
      %rev3A_368 = arith.constant 15 : i32
      %rev3A_369 = vector.broadcast %rev3A_368 : i32 to vector<16xi32>
      %rev3A_370 = tpu.iota {dimensions = array<i32: 0>} : vector<16xi32>
      %rev3A_371 = arith.subi %rev3A_369, %rev3A_370 : vector<16xi32>
      %rev3A_372 = tpu.dynamic_gather %get3A_367[%rev3A_371] in [0] : vector<16xf32>, vector<16xi32> -> vector<16xf32>
      %cumsum3A_373 = arith.constant true
      %cumsum3A_374 = vector.broadcast %cumsum3A_373 : i1 to vector<16xi1>
      %cumsum3A_375 = tpu.scan <sum>, %rev3A_372 masked %cumsum3A_374 : vector<16xf32>, vector<16xi1> -> vector<16xf32>
      %rev3A_376 = arith.constant 15 : i32
      %rev3A_377 = vector.broadcast %rev3A_376 : i32 to vector<16xi32>
      %rev3A_378 = tpu.iota {dimensions = array<i32: 0>} : vector<16xi32>
      %rev3A_379 = arith.subi %rev3A_377, %rev3A_378 : vector<16xi32>
      %rev3A_380 = tpu.dynamic_gather %cumsum3A_375[%rev3A_379] in [0] : vector<16xf32>, vector<16xi32> -> vector<16xf32>
      %add3A_381 = vector.broadcast %while3A_308#2 : f32 to vector<16xf32>
      %add3A_382 = arith.addf %rev3A_380, %add3A_381 : vector<16xf32>
      %jit3A_383 = arith.constant 0.000000e+00 : f32
      %broadcast_in_dim3A_384 = vector.broadcast %jit3A_383 : f32 to vector<16xf32>
      %select_n3A_385 = arith.select %eq3A_344, %get3A_367, %broadcast_in_dim3A_384 : vector<16xi1>, vector<16xf32>
      %reduce_sum3A_386 = arith.constant true
      %reduce_sum3A_387 = vector.broadcast %reduce_sum3A_386 : i1 to vector<16xi1>
      %reduce_sum3A_388 = tpu.scan <sum>, %select_n3A_385 masked %reduce_sum3A_387 : vector<16xf32>, vector<16xi1> -> vector<16xf32>
      %reduce_sum3A_389 = vector.extract %reduce_sum3A_388[15] : f32 from vector<16xf32>
      %jit3A_390 = arith.constant 0.000000e+00 : f32
      %broadcast_in_dim3A_391 = vector.broadcast %jit3A_390 : f32 to vector<16xf32>
      %select_n3A_392 = arith.select %eq3A_344, %add3A_382, %broadcast_in_dim3A_391 : vector<16xi1>, vector<16xf32>
      %reduce_sum3A_393 = arith.constant true
      %reduce_sum3A_394 = vector.broadcast %reduce_sum3A_393 : i1 to vector<16xi1>
      %reduce_sum3A_395 = tpu.scan <sum>, %select_n3A_392 masked %reduce_sum3A_394 : vector<16xf32>, vector<16xi1> -> vector<16xf32>
      %reduce_sum3A_396 = vector.extract %reduce_sum3A_395[15] : f32 from vector<16xf32>
      %sub3A_397 = arith.subf %reduce_sum3A_396, %reduce_sum3A_389 : f32
      %mul3A_398 = arith.constant 9.765625E-4 : f32
      %mul3A_399 = arith.mulf %reduce_sum3A_274, %mul3A_398 : f32
      %mul3A_400 = arith.mulf %add3A_362, %mul3A_399 : f32
      %add3A_401 = arith.addf %add3A_276, %mul3A_400 : f32
      %add3A_402 = arith.addf %reduce_sum3A_301, %sub3A_397 : f32
      %sub3A_403 = arith.subf %sub3A_279, %sub3A_363 : f32
      %mul3A_404 = arith.mulf %sub3A_403, %add3A_401 : f32
      %add3A_405 = arith.addf %add3A_402, %mul3A_404 : f32
      %jit3A_406 = arith.constant 16 : i32
      %div3A_407 = arith.divsi %scan3A_16, %jit3A_406 : i32
      %sign3A_408 = arith.constant 0 : i32
      %sign3A_409 = arith.cmpi sgt, %scan3A_16, %sign3A_408 : i32
      %sign3A_410 = arith.extui %sign3A_409 : i1 to i32
      %sign3A_411 = arith.constant 0 : i32
      %sign3A_412 = arith.cmpi slt, %scan3A_16, %sign3A_411 : i32
      %sign3A_413 = arith.extui %sign3A_412 : i1 to i32
      %sign3A_414 = arith.subi %sign3A_410, %sign3A_413 : i32
      %sign3A_415 = arith.constant 0 : i32
      %sign3A_416 = arith.cmpi sgt, %jit3A_406, %sign3A_415 : i32
      %sign3A_417 = arith.extui %sign3A_416 : i1 to i32
      %sign3A_418 = arith.constant 0 : i32
      %sign3A_419 = arith.cmpi slt, %jit3A_406, %sign3A_418 : i32
      %sign3A_420 = arith.extui %sign3A_419 : i1 to i32
      %sign3A_421 = arith.subi %sign3A_417, %sign3A_420 : i32
      %ne3A_422 = arith.cmpi ne, %sign3A_414, %sign3A_421 : i32
      %rem3A_423 = arith.remsi %scan3A_16, %jit3A_406 : i32
      %ne3A_424 = arith.constant 0 : i32
      %ne3A_425 = arith.cmpi ne, %rem3A_423, %ne3A_424 : i32
      %and3A_426 = arith.andi %ne3A_422, %ne3A_425 : i1
      %sub3A_427 = arith.constant 1 : i32
      %sub3A_428 = arith.subi %div3A_407, %sub3A_427 : i32
      %select_n3A_429 = arith.select %and3A_426, %sub3A_428, %div3A_407 : i32
      %mul3A_430 = arith.constant 16 : i32
      %mul3A_431 = arith.muli %select_n3A_429, %mul3A_430 : i32
      %get3A_432 = arith.index_cast %mul3A_431 : i32 to index
      %get3A_433 = tpu.vector_load %arg18[%get3A_432] {strides = array<i32>} : memref<32xf32, #tpu.memory_space<vmem>>, vector<16xf32>,
      %sub3A_434 = arith.subi %scan3A_16, %mul3A_431 : i32
      %eq3A_435 = vector.broadcast %sub3A_434 : i32 to vector<16xi32>
      %eq3A_436 = arith.cmpi eq, %iota3A, %eq3A_435 : vector<16xi32>
      %jit3A_437 = arith.constant 0.000000e+00 : f32
      %broadcast_in_dim3A_438 = vector.broadcast %jit3A_437 : f32 to vector<16xf32>
      %select_n3A_439 = arith.select %eq3A_436, %get3A_433, %broadcast_in_dim3A_438 : vector<16xi1>, vector<16xf32>
      %reduce_sum3A_440 = arith.constant true
      %reduce_sum3A_441 = vector.broadcast %reduce_sum3A_440 : i1 to vector<16xi1>
      %reduce_sum3A_442 = tpu.scan <sum>, %select_n3A_439 masked %reduce_sum3A_441 : vector<16xf32>, vector<16xi1> -> vector<16xf32>
      %reduce_sum3A_443 = vector.extract %reduce_sum3A_442[15] : f32 from vector<16xf32>
      %mul3A_444 = arith.mulf %add3A_405, %reduce_sum3A_443 : f32
      %jit3A_445 = arith.constant 16 : i32
      %div3A_446 = arith.divsi %scan3A_16, %jit3A_445 : i32
      %sign3A_447 = arith.constant 0 : i32
      %sign3A_448 = arith.cmpi sgt, %scan3A_16, %sign3A_447 : i32
      %sign3A_449 = arith.extui %sign3A_448 : i1 to i32
      %sign3A_450 = arith.constant 0 : i32
      %sign3A_451 = arith.cmpi slt, %scan3A_16, %sign3A_450 : i32
      %sign3A_452 = arith.extui %sign3A_451 : i1 to i32
      %sign3A_453 = arith.subi %sign3A_449, %sign3A_452 : i32
      %sign3A_454 = arith.constant 0 : i32
      %sign3A_455 = arith.cmpi sgt, %jit3A_445, %sign3A_454 : i32
      %sign3A_456 = arith.extui %sign3A_455 : i1 to i32
      %sign3A_457 = arith.constant 0 : i32
      %sign3A_458 = arith.cmpi slt, %jit3A_445, %sign3A_457 : i32
      %sign3A_459 = arith.extui %sign3A_458 : i1 to i32
      %sign3A_460 = arith.subi %sign3A_456, %sign3A_459 : i32
      %ne3A_461 = arith.cmpi ne, %sign3A_453, %sign3A_460 : i32
      %rem3A_462 = arith.remsi %scan3A_16, %jit3A_445 : i32
      %ne3A_463 = arith.constant 0 : i32
      %ne3A_464 = arith.cmpi ne, %rem3A_462, %ne3A_463 : i32
      %and3A_465 = arith.andi %ne3A_461, %ne3A_464 : i1
      %sub3A_466 = arith.constant 1 : i32
      %sub3A_467 = arith.subi %div3A_446, %sub3A_466 : i32
      %select_n3A_468 = arith.select %and3A_465, %sub3A_467, %div3A_446 : i32
      %mul3A_469 = arith.constant 16 : i32
      %mul3A_470 = arith.muli %select_n3A_468, %mul3A_469 : i32
      %sub3A_471 = arith.subi %scan3A_16, %mul3A_470 : i32
      %eq3A_472 = vector.broadcast %sub3A_471 : i32 to vector<16xi32>
      %eq3A_473 = arith.cmpi eq, %iota3A, %eq3A_472 : vector<16xi32>
      %broadcast_in_dim3A_474 = vector.broadcast %mul3A_470 : i32 to vector<16xi32>
      %add3A_475 = arith.addi %broadcast_in_dim3A_474, %iota3A : vector<16xi32>
      %broadcast_in_dim3A_476 = arith.constant 1.000000e+00 : f32
      %broadcast_in_dim3A_477 = vector.broadcast %broadcast_in_dim3A_476 : f32 to vector<16xf32>
      %mul3A_478 = vector.broadcast %mul3A_444 : f32 to vector<16xf32>
      %mul3A_479 = arith.mulf %broadcast_in_dim3A_477, %mul3A_478 : vector<16xf32>
      tpu.vector_store_idx %arg19[%add3A_475], %mul3A_479 masked %eq3A_473 : memref<32xf32, #tpu.memory_space<vmem>>[vector<16xi32>], vector<16xf32>, vector<16xi1>
    }
    %scan3A_15 = arith.constant 32 : i32
    "tpu.region"() ({
      %run_scoped3A = tpu.sem_alloc : memref<!tpu.dma_semaphore, #tpu.memory_space<semaphore_mem>>
      %dma_start3A = tpu.memref_slice %arg8[%mul3A_2] : memref<1024xf32, #tpu.memory_space<hbm>> -> memref<32xf32, #tpu.memory_space<hbm>>
      %dma_start3A_16 = tpu.memref_slice %arg8[%mul3A_2] : memref<1024xf32, #tpu.memory_space<hbm>> -> memref<32xf32, #tpu.memory_space<hbm>>
      tpu.enqueue_dma source(%arg19 : memref<32xf32, #tpu.memory_space<vmem>>) target(%dma_start3A_16 : memref<32xf32, #tpu.memory_space<hbm>>) target_semaphore(%run_scoped3A : memref<!tpu.dma_semaphore, #tpu.memory_space<semaphore_mem>>)
      %dma_wait3A = tpu.memref_slice %arg8[%mul3A_2] : memref<1024xf32, #tpu.memory_space<hbm>> -> memref<32xf32, #tpu.memory_space<hbm>>
      %dma_wait3A_17 = tpu.memref_slice %arg8[%mul3A_2] : memref<1024xf32, #tpu.memory_space<hbm>> -> memref<32xf32, #tpu.memory_space<hbm>>
      tpu.wait_dma2 semaphore(%run_scoped3A : memref<!tpu.dma_semaphore, #tpu.memory_space<semaphore_mem>>) src(%arg19 : memref<32xf32, #tpu.memory_space<vmem>>) dst(%dma_wait3A_17 : memref<32xf32, #tpu.memory_space<hbm>>)
      tpu.yield
    }) : () -> ()
    return
  }
}

module attributes {stable_mosaic.version = 14 : i64} {
  func.func @_sims_body(%arg0: i32, %arg1: i32, %arg2: memref<1024x16xf32, #tpu.memory_space<vmem>>, %arg3: memref<1024x100xf32, #tpu.memory_space<vmem>>, %arg4: memref<2048x100xf32, #tpu.memory_space<vmem>>, %arg5: memref<2048x16xf32, #tpu.memory_space<vmem>>, %arg6: memref<1024x16x128xf32, #tpu.memory_space<vmem>>, %arg7: memref<1x1024x16xf32, #tpu.memory_space<vmem>>, %arg8: memref<1024x1xf32, #tpu.memory_space<vmem>>, %arg9: memref<1024x1xf32, #tpu.memory_space<vmem>>, %arg10: memref<1024x1xf32, #tpu.memory_space<vmem>>) attributes {dimension_semantics = [#tpu.dimension_semantics<arbitrary>, #tpu.dimension_semantics<arbitrary>], iteration_bounds = array<i64: 1, 49>, scalar_prefetch = 0 : i64, scratch_operands = 0 : i64, tpu.core_type = #tpu.core_type<tc>, window_params = [{transform_indices = @transform_0, window_bounds = array<i64: 1024, 16>}, {transform_indices = @transform_1, window_bounds = array<i64: 1024, 100>}, {transform_indices = @transform_2, window_bounds = array<i64: 2048, 100>}, {transform_indices = @transform_3, window_bounds = array<i64: 2048, 16>}, {transform_indices = @transform_4, window_bounds = array<i64: 1024, 16, 128>}, {transform_indices = @transform_5, window_bounds = array<i64: 1, 1024, 16>}, {transform_indices = @transform_6, window_bounds = array<i64: 1024, 1>}, {transform_indices = @transform_7, window_bounds = array<i64: 1024, 1>}, {transform_indices = @transform_8, window_bounds = array<i64: 1024, 1>}]} {
    %get3A = arith.constant 0 : index
    %get3A_0 = arith.constant 0 : index
    %get3A_1 = vector.load %arg4[%get3A, %get3A_0] : memref<2048x100xf32, #tpu.memory_space<vmem>>, vector<2048x100xf32>
    %reduce_max3A = arith.constant dense<0xFF800000> : vector<2048xf32>
    %reduce_max3A_2 = vector.multi_reduction <maximumf>, %get3A_1, %reduce_max3A [1] : vector<2048x100xf32> to vector<2048xf32>
    %broadcast_in_dim3A = vector.shape_cast %reduce_max3A_2 : vector<2048xf32> to vector<2048x1xf32>
    %sub3A = vector.broadcast %broadcast_in_dim3A : vector<2048x1xf32> to vector<2048x100xf32>
    %sub3A_3 = arith.subf %get3A_1, %sub3A : vector<2048x100xf32>
    %exp3A = math.exp %sub3A_3 : vector<2048x100xf32>
    %reduce_sum3A = arith.constant dense<0.000000e+00> : vector<2048xf32>
    %reduce_sum3A_4 = vector.multi_reduction <add>, %exp3A, %reduce_sum3A [1] : vector<2048x100xf32> to vector<2048xf32>
    %broadcast_in_dim3A_5 = vector.shape_cast %reduce_sum3A_4 : vector<2048xf32> to vector<2048x1xf32>
    %log3A = math.log %broadcast_in_dim3A_5 : vector<2048x1xf32>
    %add3A = arith.addf %log3A, %broadcast_in_dim3A : vector<2048x1xf32>
    %get3A_6 = arith.constant 0 : index
    %get3A_7 = arith.constant 0 : index
    %get3A_8 = vector.load %arg5[%get3A_6, %get3A_7] : memref<2048x16xf32, #tpu.memory_space<vmem>>, vector<2048x16xf32>
    %mul3A = arith.mulf %get3A_8, %get3A_8 : vector<2048x16xf32>
    %reduce_sum3A_9 = arith.constant dense<0.000000e+00> : vector<2048xf32>
    %reduce_sum3A_10 = vector.multi_reduction <add>, %mul3A, %reduce_sum3A_9 [1] : vector<2048x16xf32> to vector<2048xf32>
    %broadcast_in_dim3A_11 = vector.shape_cast %reduce_sum3A_10 : vector<2048xf32> to vector<2048x1xf32>
    %sqrt3A = math.sqrt %broadcast_in_dim3A_11 : vector<2048x1xf32>
    %div3A = vector.broadcast %sqrt3A : vector<2048x1xf32> to vector<2048x16xf32>
    %div3A_12 = arith.divf %get3A_8, %div3A : vector<2048x16xf32>
    %add3A_13 = arith.constant 1.000000e-10 : f32
    %add3A_14 = vector.broadcast %add3A_13 : f32 to vector<2048x16xf32>
    %add3A_15 = arith.addf %div3A_12, %add3A_14 : vector<2048x16xf32>
    %mul3A_16 = vector.broadcast %add3A : vector<2048x1xf32> to vector<2048x16xf32>
    %mul3A_17 = arith.mulf %add3A_15, %mul3A_16 : vector<2048x16xf32>
    %get3A_18 = arith.constant 0 : index
    %get3A_19 = arith.constant 0 : index
    %get3A_20 = vector.load %arg2[%get3A_18, %get3A_19] : memref<1024x16xf32, #tpu.memory_space<vmem>>, vector<1024x16xf32>
    %mul3A_21 = arith.mulf %get3A_20, %get3A_20 : vector<1024x16xf32>
    %reduce_sum3A_22 = arith.constant dense<0.000000e+00> : vector<1024xf32>
    %reduce_sum3A_23 = vector.multi_reduction <add>, %mul3A_21, %reduce_sum3A_22 [1] : vector<1024x16xf32> to vector<1024xf32>
    %broadcast_in_dim3A_24 = vector.shape_cast %reduce_sum3A_23 : vector<1024xf32> to vector<1024x1xf32>
    %sqrt3A_25 = math.sqrt %broadcast_in_dim3A_24 : vector<1024x1xf32>
    %div3A_26 = vector.broadcast %sqrt3A_25 : vector<1024x1xf32> to vector<1024x16xf32>
    %div3A_27 = arith.divf %get3A_20, %div3A_26 : vector<1024x16xf32>
    %add3A_28 = arith.constant 1.000000e-10 : f32
    %add3A_29 = vector.broadcast %add3A_28 : f32 to vector<1024x16xf32>
    %add3A_30 = arith.addf %div3A_27, %add3A_29 : vector<1024x16xf32>
    %dot_general3A = arith.constant dense<0.000000e+00> : vector<1024x2048xf32>
    %dot_general3A_31 = tpu.matmul %add3A_30, %mul3A_17, %dot_general3A {dimension_numbers = #tpu.dot_dimension_numbers<[1], [1], [0], [0], [0, 0, 1, 0], [], []>, transpose_lhs_hint = false} : vector<1024x16xf32>, vector<2048x16xf32>, vector<1024x2048xf32> -> vector<1024x2048xf32>
    %eq3A = arith.constant 0 : i32
    %eq3A_32 = arith.cmpi eq, %arg1, %eq3A : i32
    %convert_element_type3A = arith.extui %eq3A_32 : i1 to i32
    %cond3A = arith.constant 0 : i32
    %cond3A_33 = arith.cmpi ne, %convert_element_type3A, %cond3A : i32
    scf.if %cond3A_33 {
      %reshape3A = vector.shape_cast %dot_general3A_31 : vector<1024x2048xf32> to vector<1024x16x128xf32>
      %swap3A = arith.constant 0 : index
      %swap3A_45 = arith.constant 0 : index
      %swap3A_46 = arith.constant 0 : index
      %swap3A_47 = vector.load %arg6[%swap3A, %swap3A_45, %swap3A_46] : memref<1024x16x128xf32, #tpu.memory_space<vmem>>, vector<1024x16x128xf32>
      tpu.vector_store %arg6[%swap3A, %swap3A_45, %swap3A_46], %reshape3A {strides = array<i32>} : memref<1024x16x128xf32, #tpu.memory_space<vmem>>, vector<1024x16x128xf32>,
      %reduce_max3A_48 = arith.constant dense<0xFF800000> : vector<1024x16xf32>
      %reduce_max3A_49 = vector.multi_reduction <maximumf>, %reshape3A, %reduce_max3A_48 [2] : vector<1024x16x128xf32> to vector<1024x16xf32>
      %reshape3A_50 = vector.shape_cast %reduce_max3A_49 : vector<1024x16xf32> to vector<1x1024x16xf32>
      %swap3A_51 = arith.constant 0 : index
      %swap3A_52 = arith.constant 0 : index
      %swap3A_53 = arith.constant 0 : index
      %swap3A_54 = vector.load %arg7[%swap3A_51, %swap3A_52, %swap3A_53] : memref<1x1024x16xf32, #tpu.memory_space<vmem>>, vector<1x1024x16xf32>
      tpu.vector_store %arg7[%swap3A_51, %swap3A_52, %swap3A_53], %reshape3A_50 {strides = array<i32>} : memref<1x1024x16xf32, #tpu.memory_space<vmem>>, vector<1x1024x16xf32>,
      %reduce_min3A = arith.constant dense<0x7F800000> : vector<1024xf32>
      %reduce_min3A_55 = vector.multi_reduction <minimumf>, %dot_general3A_31, %reduce_min3A [1] : vector<1024x2048xf32> to vector<1024xf32>
      %broadcast_in_dim3A_56 = vector.shape_cast %reduce_min3A_55 : vector<1024xf32> to vector<1024x1xf32>
      %reduce_max3A_57 = arith.constant dense<0xFF800000> : vector<1024xf32>
      %reduce_max3A_58 = vector.multi_reduction <maximumf>, %dot_general3A_31, %reduce_max3A_57 [1] : vector<1024x2048xf32> to vector<1024xf32>
      %broadcast_in_dim3A_59 = vector.shape_cast %reduce_max3A_58 : vector<1024xf32> to vector<1024x1xf32>
      %swap3A_60 = arith.constant 0 : index
      %swap3A_61 = arith.constant 0 : index
      %swap3A_62 = vector.load %arg8[%swap3A_60, %swap3A_61] : memref<1024x1xf32, #tpu.memory_space<vmem>>, vector<1024x1xf32>
      tpu.vector_store %arg8[%swap3A_60, %swap3A_61], %broadcast_in_dim3A_56 {strides = array<i32>} : memref<1024x1xf32, #tpu.memory_space<vmem>>, vector<1024x1xf32>,
      %swap3A_63 = arith.constant 0 : index
      %swap3A_64 = arith.constant 0 : index
      %swap3A_65 = vector.load %arg9[%swap3A_63, %swap3A_64] : memref<1024x1xf32, #tpu.memory_space<vmem>>, vector<1024x1xf32>
      tpu.vector_store %arg9[%swap3A_63, %swap3A_64], %broadcast_in_dim3A_59 {strides = array<i32>} : memref<1024x1xf32, #tpu.memory_space<vmem>>, vector<1024x1xf32>,
      %get3A_66 = arith.constant 0 : index
      %get3A_67 = arith.constant 0 : index
      %get3A_68 = vector.load %arg3[%get3A_66, %get3A_67] : memref<1024x100xf32, #tpu.memory_space<vmem>>, vector<1024x100xf32>
      %reduce_max3A_69 = arith.constant dense<0xFF800000> : vector<1024xf32>
      %reduce_max3A_70 = vector.multi_reduction <maximumf>, %get3A_68, %reduce_max3A_69 [1] : vector<1024x100xf32> to vector<1024xf32>
      %broadcast_in_dim3A_71 = vector.shape_cast %reduce_max3A_70 : vector<1024xf32> to vector<1024x1xf32>
      %sub3A_72 = vector.broadcast %broadcast_in_dim3A_71 : vector<1024x1xf32> to vector<1024x100xf32>
      %sub3A_73 = arith.subf %get3A_68, %sub3A_72 : vector<1024x100xf32>
      %exp3A_74 = math.exp %sub3A_73 : vector<1024x100xf32>
      %reduce_sum3A_75 = arith.constant dense<0.000000e+00> : vector<1024xf32>
      %reduce_sum3A_76 = vector.multi_reduction <add>, %exp3A_74, %reduce_sum3A_75 [1] : vector<1024x100xf32> to vector<1024xf32>
      %broadcast_in_dim3A_77 = vector.shape_cast %reduce_sum3A_76 : vector<1024xf32> to vector<1024x1xf32>
      %log3A_78 = math.log %broadcast_in_dim3A_77 : vector<1024x1xf32>
      %add3A_79 = arith.addf %log3A_78, %broadcast_in_dim3A_71 : vector<1024x1xf32>
      %swap3A_80 = arith.constant 0 : index
      %swap3A_81 = arith.constant 0 : index
      %swap3A_82 = vector.load %arg10[%swap3A_80, %swap3A_81] : memref<1024x1xf32, #tpu.memory_space<vmem>>, vector<1024x1xf32>
      tpu.vector_store %arg10[%swap3A_80, %swap3A_81], %add3A_79 {strides = array<i32>} : memref<1024x1xf32, #tpu.memory_space<vmem>>, vector<1024x1xf32>,
    } else {
    }
    %ne3A = arith.constant 0 : i32
    %ne3A_34 = arith.cmpi ne, %arg1, %ne3A : i32
    %ne3A_35 = arith.constant 48 : i32
    %ne3A_36 = arith.cmpi ne, %arg1, %ne3A_35 : i32
    %and3A = arith.andi %ne3A_34, %ne3A_36 : i1
    %convert_element_type3A_37 = arith.extui %and3A : i1 to i32
    %cond3A_38 = arith.constant 0 : i32
    %cond3A_39 = arith.cmpi ne, %convert_element_type3A_37, %cond3A_38 : i32
    scf.if %cond3A_39 {
      %reshape3A = vector.shape_cast %dot_general3A_31 : vector<1024x2048xf32> to vector<1024x16x128xf32>
      %swap3A = arith.constant 0 : index
      %swap3A_45 = arith.constant 0 : index
      %swap3A_46 = arith.constant 0 : index
      %swap3A_47 = vector.load %arg6[%swap3A, %swap3A_45, %swap3A_46] : memref<1024x16x128xf32, #tpu.memory_space<vmem>>, vector<1024x16x128xf32>
      tpu.vector_store %arg6[%swap3A, %swap3A_45, %swap3A_46], %reshape3A {strides = array<i32>} : memref<1024x16x128xf32, #tpu.memory_space<vmem>>, vector<1024x16x128xf32>,
      %reduce_max3A_48 = arith.constant dense<0xFF800000> : vector<1024x16xf32>
      %reduce_max3A_49 = vector.multi_reduction <maximumf>, %reshape3A, %reduce_max3A_48 [2] : vector<1024x16x128xf32> to vector<1024x16xf32>
      %reshape3A_50 = vector.shape_cast %reduce_max3A_49 : vector<1024x16xf32> to vector<1x1024x16xf32>
      %swap3A_51 = arith.constant 0 : index
      %swap3A_52 = arith.constant 0 : index
      %swap3A_53 = arith.constant 0 : index
      %swap3A_54 = vector.load %arg7[%swap3A_51, %swap3A_52, %swap3A_53] : memref<1x1024x16xf32, #tpu.memory_space<vmem>>, vector<1x1024x16xf32>
      tpu.vector_store %arg7[%swap3A_51, %swap3A_52, %swap3A_53], %reshape3A_50 {strides = array<i32>} : memref<1x1024x16xf32, #tpu.memory_space<vmem>>, vector<1x1024x16xf32>,
      %reduce_min3A = arith.constant dense<0x7F800000> : vector<1024xf32>
      %reduce_min3A_55 = vector.multi_reduction <minimumf>, %dot_general3A_31, %reduce_min3A [1] : vector<1024x2048xf32> to vector<1024xf32>
      %broadcast_in_dim3A_56 = vector.shape_cast %reduce_min3A_55 : vector<1024xf32> to vector<1024x1xf32>
      %reduce_max3A_57 = arith.constant dense<0xFF800000> : vector<1024xf32>
      %reduce_max3A_58 = vector.multi_reduction <maximumf>, %dot_general3A_31, %reduce_max3A_57 [1] : vector<1024x2048xf32> to vector<1024xf32>
      %broadcast_in_dim3A_59 = vector.shape_cast %reduce_max3A_58 : vector<1024xf32> to vector<1024x1xf32>
      %get3A_60 = arith.constant 0 : index
      %get3A_61 = arith.constant 0 : index
      %get3A_62 = vector.load %arg8[%get3A_60, %get3A_61] : memref<1024x1xf32, #tpu.memory_space<vmem>>, vector<1024x1xf32>
      %min3A = arith.minimumf %get3A_62, %broadcast_in_dim3A_56 : vector<1024x1xf32>
      %swap3A_63 = arith.constant 0 : index
      %swap3A_64 = arith.constant 0 : index
      %swap3A_65 = vector.load %arg8[%swap3A_63, %swap3A_64] : memref<1024x1xf32, #tpu.memory_space<vmem>>, vector<1024x1xf32>
      tpu.vector_store %arg8[%swap3A_63, %swap3A_64], %min3A {strides = array<i32>} : memref<1024x1xf32, #tpu.memory_space<vmem>>, vector<1024x1xf32>,
      %get3A_66 = arith.constant 0 : index
      %get3A_67 = arith.constant 0 : index
      %get3A_68 = vector.load %arg9[%get3A_66, %get3A_67] : memref<1024x1xf32, #tpu.memory_space<vmem>>, vector<1024x1xf32>
      %max3A = arith.maximumf %get3A_68, %broadcast_in_dim3A_59 : vector<1024x1xf32>
      %swap3A_69 = arith.constant 0 : index
      %swap3A_70 = arith.constant 0 : index
      %swap3A_71 = vector.load %arg9[%swap3A_69, %swap3A_70] : memref<1024x1xf32, #tpu.memory_space<vmem>>, vector<1024x1xf32>
      tpu.vector_store %arg9[%swap3A_69, %swap3A_70], %max3A {strides = array<i32>} : memref<1024x1xf32, #tpu.memory_space<vmem>>, vector<1024x1xf32>,
    } else {
    }
    %eq3A_40 = arith.constant 48 : i32
    %eq3A_41 = arith.cmpi eq, %arg1, %eq3A_40 : i32
    %convert_element_type3A_42 = arith.extui %eq3A_41 : i1 to i32
    %cond3A_43 = arith.constant 0 : i32
    %cond3A_44 = arith.cmpi ne, %convert_element_type3A_42, %cond3A_43 : i32
    scf.if %cond3A_44 {
      %iota3A = tpu.iota {dimensions = array<i32: 1>} : vector<1024x2048xi32>
      %ge3A = arith.constant 1696 : i32
      %ge3A_45 = vector.broadcast %ge3A : i32 to vector<1024x2048xi32>
      %ge3A_46 = arith.cmpi sge, %iota3A, %ge3A_45 : vector<1024x2048xi32>
      %jit3A = arith.constant -3.000000e+38 : f32
      %broadcast_in_dim3A_47 = vector.broadcast %jit3A : f32 to vector<1024x2048xf32>
      %select_n3A = arith.select %ge3A_46, %broadcast_in_dim3A_47, %dot_general3A_31 : vector<1024x2048xi1>, vector<1024x2048xf32>
      %jit3A_48 = arith.constant 3.000000e+38 : f32
      %broadcast_in_dim3A_49 = vector.broadcast %jit3A_48 : f32 to vector<1024x2048xf32>
      %select_n3A_50 = arith.select %ge3A_46, %broadcast_in_dim3A_49, %dot_general3A_31 : vector<1024x2048xi1>, vector<1024x2048xf32>
      %reshape3A = vector.shape_cast %select_n3A : vector<1024x2048xf32> to vector<1024x16x128xf32>
      %swap3A = arith.constant 0 : index
      %swap3A_51 = arith.constant 0 : index
      %swap3A_52 = arith.constant 0 : index
      %swap3A_53 = vector.load %arg6[%swap3A, %swap3A_51, %swap3A_52] : memref<1024x16x128xf32, #tpu.memory_space<vmem>>, vector<1024x16x128xf32>
      tpu.vector_store %arg6[%swap3A, %swap3A_51, %swap3A_52], %reshape3A {strides = array<i32>} : memref<1024x16x128xf32, #tpu.memory_space<vmem>>, vector<1024x16x128xf32>,
      %reduce_max3A_54 = arith.constant dense<0xFF800000> : vector<1024x16xf32>
      %reduce_max3A_55 = vector.multi_reduction <maximumf>, %reshape3A, %reduce_max3A_54 [2] : vector<1024x16x128xf32> to vector<1024x16xf32>
      %reshape3A_56 = vector.shape_cast %reduce_max3A_55 : vector<1024x16xf32> to vector<1x1024x16xf32>
      %swap3A_57 = arith.constant 0 : index
      %swap3A_58 = arith.constant 0 : index
      %swap3A_59 = arith.constant 0 : index
      %swap3A_60 = vector.load %arg7[%swap3A_57, %swap3A_58, %swap3A_59] : memref<1x1024x16xf32, #tpu.memory_space<vmem>>, vector<1x1024x16xf32>
      tpu.vector_store %arg7[%swap3A_57, %swap3A_58, %swap3A_59], %reshape3A_56 {strides = array<i32>} : memref<1x1024x16xf32, #tpu.memory_space<vmem>>, vector<1x1024x16xf32>,
      %reduce_min3A = arith.constant dense<0x7F800000> : vector<1024xf32>
      %reduce_min3A_61 = vector.multi_reduction <minimumf>, %select_n3A_50, %reduce_min3A [1] : vector<1024x2048xf32> to vector<1024xf32>
      %broadcast_in_dim3A_62 = vector.shape_cast %reduce_min3A_61 : vector<1024xf32> to vector<1024x1xf32>
      %reduce_max3A_63 = arith.constant dense<0xFF800000> : vector<1024xf32>
      %reduce_max3A_64 = vector.multi_reduction <maximumf>, %select_n3A, %reduce_max3A_63 [1] : vector<1024x2048xf32> to vector<1024xf32>
      %broadcast_in_dim3A_65 = vector.shape_cast %reduce_max3A_64 : vector<1024xf32> to vector<1024x1xf32>
      %get3A_66 = arith.constant 0 : index
      %get3A_67 = arith.constant 0 : index
      %get3A_68 = vector.load %arg8[%get3A_66, %get3A_67] : memref<1024x1xf32, #tpu.memory_space<vmem>>, vector<1024x1xf32>
      %min3A = arith.minimumf %get3A_68, %broadcast_in_dim3A_62 : vector<1024x1xf32>
      %swap3A_69 = arith.constant 0 : index
      %swap3A_70 = arith.constant 0 : index
      %swap3A_71 = vector.load %arg8[%swap3A_69, %swap3A_70] : memref<1024x1xf32, #tpu.memory_space<vmem>>, vector<1024x1xf32>
      tpu.vector_store %arg8[%swap3A_69, %swap3A_70], %min3A {strides = array<i32>} : memref<1024x1xf32, #tpu.memory_space<vmem>>, vector<1024x1xf32>,
      %get3A_72 = arith.constant 0 : index
      %get3A_73 = arith.constant 0 : index
      %get3A_74 = vector.load %arg9[%get3A_72, %get3A_73] : memref<1024x1xf32, #tpu.memory_space<vmem>>, vector<1024x1xf32>
      %max3A = arith.maximumf %get3A_74, %broadcast_in_dim3A_65 : vector<1024x1xf32>
      %swap3A_75 = arith.constant 0 : index
      %swap3A_76 = arith.constant 0 : index
      %swap3A_77 = vector.load %arg9[%swap3A_75, %swap3A_76] : memref<1024x1xf32, #tpu.memory_space<vmem>>, vector<1024x1xf32>
      tpu.vector_store %arg9[%swap3A_75, %swap3A_76], %max3A {strides = array<i32>} : memref<1024x1xf32, #tpu.memory_space<vmem>>, vector<1024x1xf32>,
    } else {
    }
    return
  }
  func.func @transform_0(%arg0: i32, %arg1: i32) -> (i32, i32) {
    %c0_i32 = arith.constant 0 : i32
    %c0_i32_0 = arith.constant 0 : i32
    return %arg0, %c0_i32 : i32, i32
  }
  func.func @transform_1(%arg0: i32, %arg1: i32) -> (i32, i32) {
    %c0_i32 = arith.constant 0 : i32
    %c0_i32_0 = arith.constant 0 : i32
    return %arg0, %c0_i32 : i32, i32
  }
  func.func @transform_2(%arg0: i32, %arg1: i32) -> (i32, i32) {
    %c0_i32 = arith.constant 0 : i32
    %c0_i32_0 = arith.constant 0 : i32
    return %arg1, %c0_i32 : i32, i32
  }
  func.func @transform_3(%arg0: i32, %arg1: i32) -> (i32, i32) {
    %c0_i32 = arith.constant 0 : i32
    %c0_i32_0 = arith.constant 0 : i32
    return %arg1, %c0_i32 : i32, i32
  }
  func.func @transform_4(%arg0: i32, %arg1: i32) -> (i32, i32, i32) {
    %c0_i32 = arith.constant 0 : i32
    %c0_i32_0 = arith.constant 0 : i32
    return %arg0, %arg1, %c0_i32 : i32, i32, i32
  }
  func.func @transform_5(%arg0: i32, %arg1: i32) -> (i32, i32, i32) {
    %c0_i32 = arith.constant 0 : i32
    %c0_i32_0 = arith.constant 0 : i32
    return %arg1, %arg0, %c0_i32 : i32, i32, i32
  }
  func.func @transform_6(%arg0: i32, %arg1: i32) -> (i32, i32) {
    %c0_i32 = arith.constant 0 : i32
    %c0_i32_0 = arith.constant 0 : i32
    return %arg0, %c0_i32 : i32, i32
  }
  func.func @transform_7(%arg0: i32, %arg1: i32) -> (i32, i32) {
    %c0_i32 = arith.constant 0 : i32
    %c0_i32_0 = arith.constant 0 : i32
    return %arg0, %c0_i32 : i32, i32
  }
  func.func @transform_8(%arg0: i32, %arg1: i32) -> (i32, i32) {
    %c0_i32 = arith.constant 0 : i32
    %c0_i32_0 = arith.constant 0 : i32
    return %arg0, %c0_i32 : i32, i32
  }
}

</mosaic_0001>

<sc_bundles>
// kernel: kernel.4.cloned.1.call-start
scs
__scs_entry_jumppad:
0x0: {  	(pc) =	sbr.rel $0x88, $3  }
0x1: {  	(tag) =	ssettag $0x0;
	lr =	simm.s32 $0x1  }
0x2: {  	[smem:$0x3F9C] =	sst lr;
	_ =	strace $0xD0000000  }
0x3: {  	_ = 	snop  }
0x4: {  	_ = 	snop  }
0x5: {  	_ = 	snop  }
0x6: {  	_ = 	snop  }
0x7: {  	_ = 	snop  }
__scs_overlays_trampoline_lowered:
0x8: {  	[smem:$0x3FAB] =	sst s0  }
0x9: {  	[smem:$0x3FAC] =	sst s1  }
0xa: {  	[smem:$0x3FAD] =	sst s2  }
0xb: {  	[smem:$0x3FAE] =	sst s3  }
0xc: {  	[smem:$0x3FAF] =	sst s4  }
0xd: {  	[smem:$0x3FB0] =	sst s5  }
0xe: {  	[smem:$0x3FB1] =	sst s6  }
0xf: {  	[smem:$0x3FB2] =	sst s7  }
0x10: {  	[smem:$0x3FB3] =	sst s8  }
0x11: {  	[smem:$0x3FB4] =	sst s9;
	s0 =	simm.s32 @!p0 $0x0  }
0x12: {  	s1 =	sld [smem:$0x3F9A];
	s0 =	simm.s32 @p0 $0x1  }
0x13: {  	[smem:$0x3FB5] =	sst s0;
	s0 =	simm.s32 @!p1 $0x0  }
0x14: {  	s2 =	sld [smem:$0x3F99];
	s0 =	simm.s32 @p1 $0x1  }
0x15: {  	[smem:$0x3FB6] =	sst s0;
	s0 =	simm.s32 @!p2 $0x0  }
0x16: {  	s3 =	sld [smem:$0x3FDB];
	s0 =	simm.s32 @p2 $0x1  }
0x17: {  	s4 =	simm.s32 $0x1BF5;
	[smem:$0x3FB8] =	sst s0  }
0x18: {  	s0 =	sld [smem:$0x3F9B];
	_ =	swait.ge [sflag:s4], $0x0  }
0x19: {  	s7 =	sld [smem:$0x3F9C]  }
0x1a: {  	s8 =	sadd.s32 $0xFFFFE003, lr  }
0x1b: {  	s9 =	sadd.s32 $0xFFFFFEF7, lr;
	s5 =	simm.s32 $0xFFFFFFFF;
	p2 =	slt.u32 s8, $0xFFFFF086  }
0x1c: {  	p1 =	slt.u32 s9, $0xF7A;
	s5 =	simm.s32 @!p2 $0x0  }
0x1d: {  	s5 =	simm.s32 @p1 $0x1;
	p0 =	seq.s32 s7, s2  }
0x1e: {  	s7 =	smul.u32 @!p0 $0xF7A, s2;
	p2 =	seq.s32 @!p0 s5, $0x0  }
0x1f: {  	s9 =	smul.u32 $0xF7A, s1;
	s8 =	simm.s32 @!p0 $0x1BF5;
	p2 =	por !p2, p0  }
0x20: {  	[sflag:s8] =	ssyncset.s32 @!p0 $0xFFFFF086;
	s6 =	sadd.s32 @!p0 s3, s7;
	s7 =	simm.s32 @!p0 $0x108  }
0x21: {  	s3 =	sadd.s32 s3, s9;
	s6 =	sadd.s32 @!p0 $0x88, s6;
	s7 =	simm.s32 @p2 $0x1082  }
0x22: {  	[simem:s7], [sflag:s8] =	dma.local @!p0 [hbm:s6], $0xF7A  }
0x23: {  	s9 =	sor.u32 $0xD0000000, s2;
	s6 =	simm.s32 $0x108;
	_ =	swait.ge @!p0 [sflag:s8], $0x0  }
0x24: {  	s3 =	sadd.s32 $0x88, s3;
	s6 =	simm.s32 @!p1 $0x1082;
	[sflag:s4] =	ssyncset.s32 $0xFFFFF086  }
0x25: {  	[simem:s6], [sflag:s4] =	dma.local [hbm:s3], $0xF7A  }
0x26: {  	[smem:$0x3F9C] =	sst s1;
	(tag) =	ssettag s2;
	_ =	strace s9  }
0x27: {  	s1 =	sld [smem:$0x3FAC]  }
0x28: {  	s2 =	sld [smem:$0x3FAD]  }
0x29: {  	s4 =	sld [smem:$0x3FAF]  }
0x2a: {  	p0 =	seq.s32 s5, $0x0;
	s5 =	sld [smem:$0x3FB0]  }
0x2b: {  	s6 =	sld [smem:$0x3FB1]  }
0x2c: {  	s7 =	sld [smem:$0x3FB2]  }
0x2d: {  	s3 =	simm.s32 $0x108;
	s8 =	sld [smem:$0x3FB3]  }
0x2e: {  	s3 =	simm.s32 @!p0 $0x1082;
	s9 =	sld [smem:$0x3FB4]  }
0x2f: {  	lr =	sadd.s32 s0, s3;
	s0 =	sld [smem:$0x3FAB]  }
0x30: {  	s3 =	sld [smem:$0x3FAE]  }
0x31: {  	[smem:$0x3FB7] =	sst s10  }
0x32: {  	s10 =	sld [smem:$0x3FB5];
	_ =	sdelay $0x3  }
0x33: {  	p0 =	seq.s32 s10, $0x1;
	s10 =	sld [smem:$0x3FB7];
	_ =	sdelay $0x3  }
0x34: {  	[smem:$0x3FB7] =	sst s10  }
0x35: {  	s10 =	sld [smem:$0x3FB6];
	_ =	sdelay $0x3  }
0x36: {  	p1 =	seq.s32 s10, $0x1;
	s10 =	sld [smem:$0x3FB7];
	_ =	sdelay $0x3  }
0x37: {  	[smem:$0x3FB7] =	sst s10  }
0x38: {  	s10 =	sld [smem:$0x3FB8]  }
0x39: {  	_ = 	snop;
	(pc) =	sbr.ind lr, $3  }
0x3a: {  	_ = 	snop  }
0x3b: {  	_ = 	snop  }
0x3c: {  	p2 =	seq.s32 s10, $0x1;
	s10 =	sld [smem:$0x3FB7]  }
0x3d: {  	_ =	shalt  }
0x3e: {  	_ =	shalt  }
0x3f: {  	_ =	shalt  }
0x40: {  	_ =	shalt  }
0x41: {  	_ =	shalt  }
0x42: {  	_ =	shalt  }
0x43: {  	_ =	shalt  }
0x44: {  	_ =	shalt  }
0x45: {  	_ =	shalt  }
0x46: {  	_ =	shalt  }
0x47: {  	_ =	shalt  }
0x48: {  	_ =	shalt  }
0x49: {  	_ =	shalt  }
0x4a: {  	_ =	shalt  }
0x4b: {  	_ =	shalt  }
0x4c: {  	_ =	shalt  }
0x4d: {  	_ =	shalt  }
0x4e: {  	_ =	shalt  }
0x4f: {  	_ =	shalt  }
0x50: {  	_ =	shalt  }
0x51: {  	_ =	shalt  }
0x52: {  	_ =	shalt  }
0x53: {  	_ =	shalt  }
0x54: {  	_ =	shalt  }
0x55: {  	_ =	shalt  }
0x56: {  	_ =	shalt  }
0x57: {  	_ =	shalt  }
0x58: {  	_ =	shalt  }
0x59: {  	_ =	shalt  }
0x5a: {  	_ =	shalt  }
0x5b: {  	_ =	shalt  }
0x5c: {  	_ =	shalt  }
0x5d: {  	_ =	shalt  }
0x5e: {  	_ =	shalt  }
0x5f: {  	_ =	shalt  }
0x60: {  	_ =	shalt  }
0x61: {  	_ =	shalt  }
0x62: {  	_ =	shalt  }
0x63: {  	_ =	shalt  }
0x64: {  	_ =	shalt  }
0x65: {  	_ =	shalt  }
0x66: {  	_ =	shalt  }
0x67: {  	_ =	shalt  }
0x68: {  	_ =	shalt  }
0x69: {  	_ =	shalt  }
0x6a: {  	_ =	shalt  }
0x6b: {  	_ =	shalt  }
0x6c: {  	_ =	shalt  }
0x6d: {  	_ =	shalt  }
0x6e: {  	_ =	shalt  }
0x6f: {  	_ =	shalt  }
0x70: {  	_ =	shalt  }
0x71: {  	_ =	shalt  }
0x72: {  	_ =	shalt  }
0x73: {  	_ =	shalt  }
0x74: {  	_ =	shalt  }
0x75: {  	_ =	shalt  }
0x76: {  	_ =	shalt  }
0x77: {  	_ =	shalt  }
0x78: {  	_ =	shalt  }
0x79: {  	_ =	shalt  }
0x7a: {  	_ =	shalt  }
0x7b: {  	_ =	shalt  }
0x7c: {  	_ =	shalt  }
0x7d: {  	_ =	shalt  }
0x7e: {  	_ =	shalt  }
0x7f: {  	_ =	shalt  }
0x80: {  	_ =	shalt  }
0x81: {  	_ =	shalt  }
0x82: {  	_ =	shalt  }
0x83: {  	_ =	shalt  }
0x84: {  	_ =	shalt  }
0x85: {  	_ =	shalt  }
0x86: {  	_ =	shalt  }
0x87: {  	_ =	shalt  }
.Lfunc_end0:
.L_simem_size_0:
called_computation_lowered:
.L_overlay_start_0:
0x88: {  	s2 =	sld [smem:$0x3FD9]  }
0x89: {  	s3 =	sld [smem:$0x3FFE];
	_ =	sdelay $0x1  }
0x8a: {  	s1 =	srdreg.scid  }
0x8b: {  	s0 =	sand.u32 $0x1, s1  }
0x8c: {  	s17 =	sshll.u32 s0, $0xA;
	s2 =	sadd.s32 s3, s2  }
0x8d: {  	s2 =	sadd.s32 s2, s17  }
0x8e: {  	[smem:$0x3FC3] =	sst s2  }
0x8f: {  	_ = 	snop  }
0x90: {  	s2 =	sld [smem:$0x3FD0];
	(tm) =	ssettm $0x1  }
0x91: {  	s18 =	sld [smem:$0x3FFB];
	_ =	sdelay $0x3  }
0x92: {  	_ =	strace s18  }
0x93: {  	s3 =	sld [smem:$0x3FFC];
	_ =	sdelay $0x3  }
0x94: {  	_ =	strace s3  }
0x95: {  	s3 =	sld [smem:$0x3FFD];
	_ =	sdelay $0x3  }
0x96: {  	_ =	strace s3  }
0x97: {  	_ =	strace $0x8FFFFFFF  }
0x98: {  	s19 =	sld [smem:$0x3FDB];
	_ =	sdelay $0x1  }
0x99: {  	s4 =	simm.s32 $_scs_section_size  }
0x9a: {  	s5 =	simm.s32 $_size__tile_overlayer_lowered;
	s6 =	simm.s32 $_tile_overlayer_lowered  }
0x9b: {  	s22 =	simm.s32 $0x1BFF;
	s21 =	sshll.u32 s6, $0x1;
	s3 =	sadd.s32 s4, s19  }
0x9c: {  	s7 =	simm.s32 $0x0;
	s20 =	sshll.u32 s5, $0x1;
	s5 =	sadd.s32 s21, s3  }
0x9d: {  	[timem:s7], [sflag:s22] =	dma.local [hbm:s5], s20  }
0x9e: {  	_ =	swait.ge [sflag:s22], s20  }
0x9f: {  	s4 =	ssub.s32 $0x0, s20;
	[sflag:s22] =	ssyncset.done $0x0  }
0xa0: {  	[sflag:s22] =	ssyncadd.s32 s4;
	_ =	sdelay $0x1  }
0xa1: {  	s23 =	simm.s32 $0x1B8B  }
0xa2: {  	_ =	swait.ge [sflag:s23], $0x1  }
0xa3: {  	[sflag:s23] =	ssyncset.done $0x0  }
0xa4: {  	s25 =	simm.s32 $0x1B8E;
	s24 =	sld [smem:$0x3FFE];
	[sflag:s23] =	ssyncadd.s32 $0xFFFFFFFF  }
0xa5: {  	s26 =	simm.s32 $execute0_lowered;
	[smem:$0x3FD2] =	sst s25  }
0xa6: {  	s5 =	sshll.u32 s26, $0x1;
	_ =	strace $0x80000046;
	[dreg:$0x1] =	wrdreg $0xFFFFFFFF  }
0xa7: {  	s28 =	simm.s32 $_size_execute0_lowered;
	s3 =	sadd.s32 s3, s5;
	[dreg:$0x0] =	wrdreg $0x0  }
0xa8: {  	s5 =	sshll.u32 s28, $0x1;
	[dreg:$0x2] =	wrdreg s3  }
0xa9: {  	[dreg:$0x3] =	wrdreg s5  }
0xaa: {  	[dreg:$0x4] =	wrdreg $0xC0  }
0xab: {  	_ =	task [dreg:s7], $0x5FFFF  }
0xac: {  	[dreg:$0x1] =	wrdreg $0xFFFFFFFF  }
0xad: {  	[dreg:$0x0] =	wrdreg $0x60  }
0xae: {  	[dreg:$0x2] =	wrdreg s24  }
0xaf: {  	[dreg:$0x3] =	wrdreg s2  }
0xb0: {  	[dreg:$0x4] =	wrdreg $0x9  }
0xb1: {  	_ =	task.clear_ibuf [dreg:s7], $0x5FFFF;
	_ =	strace $0x90000046  }
0xb2: {  	s29 =	simm.s32 $0x9;
	_ =	strace $0x80000048  }
0xb3: {  	_ =	swait.ge [sflag:s29], $0x1  }
0xb4: {  	[sflag:s29] =	ssyncadd.s32 $0xFFFFFFFF  }
0xb5: {  	_ =	strace $0x90000048  }
0xb6: {  	_ =	sfence  }
0xb7: {  	s30 =	sld [smem:$0x0];
	_ =	sdelay $0x2  }
0xb8: {  	s31 =	sshll.u32 s1, $0xD;
	s1 =	sshrl.u32 s1, $0x2  }
0xb9: {  	s3 =	sand.u32 $0x4000, s31;
	s1 =	sadd.s32 s1, s30  }
0xba: {  	s0 =	sor.u32 s3, s0;
	s1 =	sshll.u32 s1, $0x11  }
0xbb: {  	s0 =	sor.u32 s1, s0  }
0xbc: {  	s0 =	sadd.s32 $0x8F2B, s0  }
0xbd: {  	[sflag:s0] =	ssyncadd.remote.s32 $0x1  }
0xbe: {  	_ =	sfence.sel $0xFFFF  }
0xbf: {  	[dreg:$0x0] =	wrdreg $0xFFFFFFFF;
	(pc) =	sbr.abs _section_cstart, $3  }
0xc0: {  	[dreg:$0x1] =	wrdreg $0xFFFFFFFF  }
0xc1: {  	_ =	task.clear_ibuf [dreg:s7], $0x2FFFF;
	_ =	strace $0x9FFFFFFF  }
0xc2: {  	(tm) =	ssettm $0x7FFFFFFF  }
0xc3: {  	_ =	shalt  }
tec
execute0_lowered:
.L_overlay_start_1:
0x0: {  	(tag) =	ssettag $0x1  }
0x1: {  	v0 =	vimm.f32 $1.500000000e+01;
	vm0 =	vcmask $0x300  }
0x2: {  	s0 =	rddreg [dreg:$0x0];
	v0 =	vsel vm0, $0x0, v0;
	vm0 =	vcmask $0x704  }
0x3: {  	s2 =	rddreg [dreg:$0x1];
	s1 =	simm.s32 $0x0;
	s3 =	srdreg.scid;
	v0 =	vsel vm0, $0x3F800000, v0;
	vm0 =	vcmask $0xB08  }
0x4: {  	s10 =	stileid.u32;
	s14 =	simm.s32 $0x2;
	s20 =	simm.s32 $0x9F80;
	v0 =	vsel vm0, $0x40000000, v0;
	vm0 =	vcmask $0xF0C  }
0x5: {  	[smem:$0x7FF] =	sst s1;
	s6 =	sand.u32 $0x1, s3;
	s3 =	sadd.s32 $0x30DA00, s0;
	v0 =	vsel vm0, $0x40400000, v0;
	vm0 =	vcmask $0x1310  }
0x6: {  	s4 =	sshll.u32 s10, $0x6;
	s23 =	sadd.s32 $0xF4DA00, s0;
	s24 =	smul.u32 $0xC400, s10;
	v0 =	vsel vm0, $0x40800000, v0;
	vm0 =	vcmask $0x1714  }
0x7: {  	s5 =	sshll.u32 s6, $0x5;
	s7 =	ssub.s32 $0x2, s6;
	s6 =	smul.u32 $0x6200, s6;
	v0 =	vsel vm0, $0x40A00000, v0;
	vm0 =	vcmask $0x1B18  }
0x8: {  	_ =	strace $0x80000047;
	[dreg:$0x3] =	wrdreg s23;
	s4 =	sor.u32 s5, s4;
	v0 =	vsel vm0, $0x40C00000, v0;
	vm0 =	vcmask $0x1F1C  }
0x9: {  	s9 =	sshrl.u32 s7, $0x1;
	s8 =	sshrl.u32 s4, $0x3;
	s31 =	sadd.s32 s6, s24;
	v0 =	vsel vm0, $0x40E00000, v0;
	vm0 =	vcmask $0x2320  }
0xa: {  	s7 =	ssub.s32 s7, s9;
	s29 =	sadd.s32 s2, s8;
	[dreg:$0xa] =	wrdreg s31;
	v1 =	vsel vm0, $0x41000000, v0;
	vm0 =	vcmask $0x2724  }
0xb: {  	vm1 =	vcmask $0x3B38;
	s0 =	sadd.s32 s8, s0;
	s30 =	smax.u32 s7, $0x1;
	[dreg:$0x8] =	wrdreg s29;
	v2 =	vsel vm0, $0x41100000, v1;
	vm0 =	vcmask $0x2B28  }
.Ltmp0:
0xc: {  	s25 =	sadd.s32 $0x600, s0;
	[dreg:$0x9] =	wrdreg s30;
	v3 =	vsel vm0, $0x41200000, v2;
	vm0 =	vcmask $0x2F2C;
	v2 =	vlaneseq.u32;
	(pc) =	sbr.rel .LBB2_1-.Ltmp0, $4  }
0xd: {  	s21 =	simm.s32 $0x1;
	s26 =	sadd.s32 $0xA00, s0;
	[dreg:$0x4] =	wrdreg s25;
	v0 =	vimm.s32 $0x0;
	v3 =	vsel vm0, $0x41300000, v3;
	vm0 =	vcmask $0x3330  }
0xe: {  	s22 =	simm.s32 $0xA780;
	s28 =	sadd.s32 $0x800, s0;
	[dreg:$0x5] =	wrdreg s26;
	v4 =	vmul.u32 $0xFFFFFFFF, v2;
	v5 =	vsel vm0, $0x41400000, v3;
	vm0 =	vcmask $0x3734  }
0xf: {  	s23 =	simm.s32 $0xA380;
	s0 =	sadd.s32 $0xC00, s0;
	[dreg:$0x6] =	wrdreg s28;
	v1 =	vimm.f32 $0.0e+00;
	v3 =	vimm.f32 $1.000000000e+00;
	v5 =	vsel vm0, $0x41500000, v5  }
0x10: {  	s5 =	smov.u32 s4;
	s2 =	simm.s32 $0x0;
	[dreg:$0x7] =	wrdreg s0;
	v4 =	vadd.s32 $0xF, v4;
	vm0 =	vmmov $0xffff;
	v5 =	vsel vm1, $0x41600000, v5  }
.LBB2_63:
0x11: {  	s0 =	rddreg [dreg:$0x8];
	s2 =	simm.s32 $0xAA00  }
0x12: {  	[hbm4b:s0+s1] =	stream.linear.scatter [tilespmem:s2], [sflag:$0x2], $0x20, $0x38;
	[tilespmem:$0xAA80] =	vst v63  }
0x13: {  	_ =	swait.ge [sflag:s14], $0x20  }
0x14: {  	s30 =	rddreg [dreg:$0xb]  }
0x15: {  	s31 =	rddreg [dreg:$0x9];
	s2 =	sadd.s32 $0x1, s30  }
0x16: {  	p0 =	sne.s32 s2, s31  }
.Ltmp1:
0x17: {  	_ = 	snop;
	(pc) =	sbr.rel @!p0 .LBB2_64-.Ltmp1, $3  }
0x18: {  	_ =	sdelay $0x1  }
0x19: {  	[sflag:s14] =	ssyncset.done $0x0  }
0x1a: {  	[sflag:s14] =	ssyncadd.s32 $0xFFFFFFE0  }
.LBB2_1:
0x1b: {  	[dreg:$0xb] =	wrdreg s2  }
0x1c: {  	s0 =	rddreg [dreg:$0x4];
	s24 =	simm.s32 $0xA800  }
0x1d: {  	[tilespmem:s24], [sflag:$0x2] =	stream.linear.gather [hbm4b:s0+s1], $0x20, $0x38;
	[tilespmem:$0xAA80] =	vst v63  }
0x1e: {  	_ =	swait.ge [sflag:s14], $0x20  }
0x1f: {  	[sflag:s14] =	ssyncset.done $0x0  }
0x20: {  	s26 =	simm.s32 $0xA880;
	s25 =	rddreg [dreg:$0x5];
	[sflag:s14] =	ssyncadd.s32 $0xFFFFFFE0  }
0x21: {  	[tilespmem:s26], [sflag:$0x2] =	stream.linear.gather [hbm4b:s25+s1], $0x20, $0x38;
	[tilespmem:$0xAA80] =	vst v63  }
0x22: {  	_ =	swait.ge [sflag:s14], $0x20  }
0x23: {  	[sflag:s14] =	ssyncset.done $0x0  }
0x24: {  	s29 =	simm.s32 $0xA900;
	s28 =	rddreg [dreg:$0x6];
	[sflag:s14] =	ssyncadd.s32 $0xFFFFFFE0  }
0x25: {  	[tilespmem:s29], [sflag:$0x2] =	stream.linear.gather [hbm4b:s28+s1], $0x20, $0x38;
	[tilespmem:$0xAA80] =	vst v63  }
0x26: {  	_ =	swait.ge [sflag:s14], $0x20  }
0x27: {  	[sflag:s14] =	ssyncset.done $0x0  }
0x28: {  	s31 =	simm.s32 $0xA980;
	s30 =	rddreg [dreg:$0x7];
	[sflag:s14] =	ssyncadd.s32 $0xFFFFFFE0  }
0x29: {  	[tilespmem:s31], [sflag:$0x2] =	stream.linear.gather [hbm4b:s30+s1], $0x20, $0x38;
	[tilespmem:$0xAA80] =	vst v63  }
0x2a: {  	_ =	swait.ge [sflag:s14], $0x20  }
0x2b: {  	[sflag:s14] =	ssyncset.done $0x0  }
0x2c: {  	s0 =	simm.s32 $0x1C20;
	[sflag:s14] =	ssyncadd.s32 $0xFFFFFFE0  }
0x2d: {  	[tilespmem:s0+$0xFFFFFFE0] =	vst v0  }
0x2e: {  	[tilespmem:s0+$0x20] =	vst v0  }
0x2f: {  	[tilespmem:s0+$0x10] =	vst v0  }
0x30: {  	s2 =	simm.s32 $0x0;
	[tilespmem:s0+$0x0] =	vst v0  }
.LBB2_2:
0x31: {  	s2 =	sadd.s32 $0x5, s2  }
0x32: {  	[tilespmem:s0+$0xFFFFFFF0] =	vst v0;
	s0 =	sadd.s32 $0x50, s0;
	p0 =	slt.u32 s2, $0x32  }
.Ltmp2:
0x33: {  	[tilespmem:s0+$0xFFFFFFE0] =	vst v0;
	(pc) =	sbr.rel @p0 .LBB2_2-.Ltmp2, $4  }
0x34: {  	_ = 	snop  }
0x35: {  	[tilespmem:s0+$0x20] =	vst v0  }
0x36: {  	[tilespmem:s0+$0x10] =	vst v0  }
0x37: {  	[tilespmem:s0+$0x0] =	vst v0  }
0x38: {  	[tilespmem:s0+$0xFFFFFFF0] =	vst v0  }
0x39: {  	s26 =	simm.s32 $0x0;
	[tilespmem:$0x1F70] =	vst v0;
	s28 =	rddreg [dreg:$0xa]  }
.LBB2_4:
0x3a: {  	s0 =	sor.u32 s5, s26;
	s2 =	sshll.u32 s26, $0x4  }
0x3b: {  	s4 =	rddreg [dreg:$0x3];
	s0 =	sshll.u32 s0, $0x4;
	s2 =	sand.u32 $0x70, s2  }
0x3c: {  	s0 =	sand.u32 $0x3F80, s0;
	s2 =	sadd.s32 s4, s2  }
0x3d: {  	s30 =	simm.s32 $0x80;
	s31 =	simm.s32 $0x20000;
	s0 =	sadd.s32 s0, s2  }
0x3e: {  	[tilespmem:s1], [sflag:$0x2] =	stream.strided.gather [hbm4b:s0+s30], $0x1880, s31, s30, $0x38;
	[tilespmem:$0xAA80] =	vst v63  }
0x3f: {  	_ =	swait.ge [sflag:s14], $0x1880  }
0x40: {  	[sflag:s14] =	ssyncset.done $0x0  }
0x41: {  	s29 =	sand.u32 $0x10, s26;
	[sflag:s14] =	ssyncadd.s32 $0xFFFFE780  }
0x42: {  	s0 =	simm.s32 $0x9FC0;
	v7 =	vld [tilespmem:s29+$0xA800]  }
0x43: {  	v6 =	vld [tilespmem:s29+$0xA880];
	[tilespmem:s0+$0xFFFFFFC0] =	vst v1  }
0x44: {  	[tilespmem:s0+$0x30] =	vst v1  }
0x45: {  	[tilespmem:s0+$0x20] =	vst v1  }
0x46: {  	[tilespmem:s0+$0x10] =	vst v1  }
0x47: {  	[tilespmem:s0+$0x0] =	vst v1  }
0x48: {  	[tilespmem:s0+$0xFFFFFFF0] =	vst v1  }
0x49: {  	s2 =	simm.s32 $0x0;
	[tilespmem:s0+$0xFFFFFFE0] =	vst v1  }
.LBB2_5:
0x4a: {  	s2 =	sadd.s32 $0x8, s2;
	[tilespmem:s0+$0xFFFFFFD0] =	vst v1;
	s0 =	sadd.s32 $0x80, s0  }
0x4b: {  	[tilespmem:s0+$0xFFFFFFC0] =	vst v1;
	p0 =	slt.u32 s2, $0x38  }
0x4c: {  	[tilespmem:s0+$0x30] =	vst v1  }
.Ltmp3:
0x4d: {  	[tilespmem:s0+$0x20] =	vst v1;
	(pc) =	sbr.rel @p0 .LBB2_5-.Ltmp3, $4  }
0x4e: {  	[tilespmem:s0+$0x10] =	vst v1  }
0x4f: {  	[tilespmem:s0+$0x0] =	vst v1  }
0x50: {  	[tilespmem:s0+$0xFFFFFFF0] =	vst v1  }
0x51: {  	[tilespmem:s0+$0xFFFFFFE0] =	vst v1  }
0x52: {  	s30 =	sand.u32 $0xF, s26  }
0x53: {  	v8 =	vmov s30  }
0x54: {  	vm1 =	veq.s32 v8, v2  }
0x55: {  	v7 =	vnsel vm1, $0x0, v7  }
0x56: {  	(xrf2) =	vadd.scan.msk.f32 $0xffff, v7  }
0x57: {  	v6 =	vnsel vm1, $0x0, v6  }
0x58: {  	(xrf2) =	vadd.scan.msk.f32 $0xffff, v6;
	_ =	sdelay $0x1  }
0x59: {  	v7 =	vimm.s32 $0x0  }
0x5a: {  	[tilespmem:s0+$0xFFFFFFD0] =	vst v1;
	v7 =	vsel vm1, $0xFFFFFFFF, v7  }
0x5b: {  	s31 =	simm.s32 $0x400;
	[tilespmem:$0x1FFF0] =	vst v7  }
0x5c: {  	v10 =	vld [tilespmem:s31+$0x180]  }
0x5d: {  	v11 =	vld [tilespmem:s31+$0xFFFFFC00]  }
0x5e: {  	v12 =	vld [tilespmem:s31+$0x280]  }
0x5f: {  	v13 =	vld [tilespmem:s31+$0xFFFFFE00];
	v8, _, _ =	vpop (xrf2)  }
0x60: {  	v14 =	vld [tilespmem:s31+$0xFFFFFC80];
	v6 =	vbroadcast v8, $0xF  }
0x61: {  	v15 =	vld [tilespmem:s31+$0xFFFFFD00];
	v9, _, _ =	vpop (xrf2)  }
0x62: {  	v7 =	vbroadcast v9, $0xF;
	v11 =	vsub.f32 v11, v6  }
0x63: {  	v10 =	vsub.f32 v10, v6  }
0x64: {  	v18 =	vld [tilespmem:s31+$0x0];
	v11 =	vmul.f32 v11, v7  }
0x65: {  	v16 =	vld [tilespmem:s31+$0xFFFFFD80];
	v12 =	vsub.f32 v12, v6;
	v21 =	vsub.f32 v13, v6;
	v17 =	vmul.f32 v10, v7  }
0x66: {  	v15 =	vsub.f32 v15, v6;
	v14 =	vsub.f32 v14, v6;
	v11 =	vmax.f32 v11, $0.0e+00  }
0x67: {  	v10 =	vmul.f32 v12, v7;
	v13 =	vmax.f32 v17, $0.0e+00;
	v11 =	vmin.f32 v11, $1.023000000e+03  }
0x68: {  	v12 =	vld [tilespmem:s31+$0xFFFFFF00];
	v22 =	vmin.f32 v13, $1.023000000e+03;
	v13 =	vmul.f32 v15, v7;
	v11 =	vtrunc.f32 v11  }
0x69: {  	v20 =	vld [tilespmem:s31+$0x80];
	v15 =	vcvt.f32.s32 v11;
	v11 =	vmul.f32 v14, v7;
	v14 =	vsub.f32 v18, v6  }
0x6a: {  	v23 =	vld [tilespmem:s31+$0xFFFFFF80];
	v16 =	vsub.f32 v16, v6;
	v13 =	vmax.f32 v13, $0.0e+00  }
0x6b: {  	v21 =	vmul.f32 v21, v7;
	v18 =	vmin.f32 v13, $1.023000000e+03;
	v13 =	vmul.f32 v14, v7;
	v14 =	vld [tilespmem:s31+$0x380]  }
0x6c: {  	v16 =	vmul.f32 v16, v7;
	v17 =	vld [tilespmem:s31+$0xFFFFFE80];
	v11 =	vmax.f32 v11, $0.0e+00  }
0x6d: {  	v26 =	vld [tilespmem:s31+$0x300];
	v21 =	vmax.f32 v21, $0.0e+00;
	v12 =	vsub.f32 v12, v6;
	v11 =	vmin.f32 v11, $1.023000000e+03  }
0x6e: {  	v25 =	vld [tilespmem:s31+$0x100];
	v21 =	vmin.f32 v21, $1.023000000e+03;
	v22 =	vtrunc.f32 v22;
	v11 =	vtrunc.f32 v11  }
0x6f: {  	v24 =	vmul.f32 v12, v7;
	v12 =	vsub.f32 v20, v6;
	v20 =	vcvt.f32.s32 v11  }
0x70: {  	v19 =	vtrunc.f32 v18;
	v11 =	vmax.f32 v16, $0.0e+00;
	v27 =	vsub.f32 v14, v6;
	v14 =	vld [tilespmem:s31+$0x200]  }
0x71: {  	v18 =	vsub.f32 v17, v6;
	v17 =	vsub.f32 v23, v6;
	v11 =	vmin.f32 v11, $1.023000000e+03  }
0x72: {  	v16 =	vmul.f32 v12, v7;
	[tilespmem:v15+s20+$0x0] =	vst.idx.add.f32.msk $0xffff, v3;
	v15 =	vsub.f32 v26, v6;
	v12 =	vtrunc.f32 v11  }
0x73: {  	v11 =	vcvt.f32.s32 v22;
	v22 =	vmax.f32 v24, $0.0e+00;
	v24 =	vsub.f32 v25, v6  }
0x74: {  	s0 =	simm.s32 $0x0;
	s2 =	simm.s32 $0xC00;
	v12 =	vcvt.f32.s32 v12;
	v23 =	vmin.f32 v22, $1.023000000e+03;
	v22 =	vmul.f32 v27, v7  }
.LBB2_7:
0x75: {  	s0 =	sadd.s32 $0x10, s0;
	[tilespmem:v20+s20+$0x0] =	vst.idx.add.f32.msk $0xffff, v3;
	v20 =	vtrunc.f32 v23;
	v23 =	vmul.f32 v24, v7;
	v14 =	vsub.f32 v14, v6  }
0x76: {  	v19 =	vcvt.f32.s32 v19;
	v24 =	vld [tilespmem:s2+$0xFFFFFE00];
	p0 =	slt.u32 s0, $0x20;
	v20 =	vcvt.f32.s32 v20;
	v22 =	vmax.f32 v22, $0.0e+00  }
0x77: {  	v27 =	vmul.f32 v15, v7;
	v25 =	vld [tilespmem:s2+$0xFFFFFC80];
	v23 =	vmax.f32 v23, $0.0e+00;
	v26 =	vmul.f32 v14, v7  }
0x78: {  	v21 =	vtrunc.f32 v21;
	v22 =	vmin.f32 v22, $1.023000000e+03;
	v14 =	vld [tilespmem:s2+$0x200];
	v23 =	vmin.f32 v23, $1.023000000e+03  }
0x79: {  	v21 =	vcvt.f32.s32 v21;
	v27 =	vmax.f32 v27, $0.0e+00;
	v15 =	vld [tilespmem:s2+$0x300];
	v23 =	vtrunc.f32 v23  }
0x7a: {  	v26 =	vmax.f32 v26, $0.0e+00;
	v27 =	vmin.f32 v27, $1.023000000e+03;
	v28 =	vld [tilespmem:s2+$0x280];
	v23 =	vcvt.f32.s32 v23  }
0x7b: {  	v18 =	vmul.f32 v18, v7;
	v26 =	vmin.f32 v26, $1.023000000e+03;
	v27 =	vtrunc.f32 v27;
	v29 =	vld [tilespmem:s2+$0x380]  }
0x7c: {  	v16 =	vmax.f32 v16, $0.0e+00;
	v10 =	vmax.f32 v10, $0.0e+00;
	v26 =	vtrunc.f32 v26;
	v30 =	vld [tilespmem:s2+$0x180]  }
0x7d: {  	v16 =	vmin.f32 v16, $1.023000000e+03;
	v18 =	vmax.f32 v18, $0.0e+00;
	v27 =	vcvt.f32.s32 v27;
	v31 =	vld [tilespmem:s2+$0xFFFFFC00]  }
0x7e: {  	v33 =	vmin.f32 v10, $1.023000000e+03;
	v18 =	vmin.f32 v18, $1.023000000e+03;
	v10 =	vtrunc.f32 v22;
	v32 =	vld [tilespmem:s2+$0xFFFFFD00]  }
0x7f: {  	v34 =	vcvt.f32.s32 v10;
	v26 =	vcvt.f32.s32 v26;
	v22 =	vld [tilespmem:s2+$0x100];
	v28 =	vsub.f32 v28, v6  }
0x80: {  	v17 =	vmul.f32 v17, v7;
	v13 =	vmax.f32 v13, $0.0e+00;
	v16 =	vtrunc.f32 v16;
	v35 =	vld [tilespmem:s2+$0xFFFFFD80]  }
0x81: {  	v36 =	vld [tilespmem:s2+$0xFFFFFE80];
	v30 =	vsub.f32 v30, v6;
	v10 =	vmul.f32 v28, v7;
	v28 =	vcvt.f32.s32 v16  }
0x82: {  	v17 =	vmax.f32 v17, $0.0e+00;
	v33 =	vtrunc.f32 v33;
	v16 =	vsub.f32 v31, v6;
	v31 =	vld [tilespmem:s2+$0xFFFFFF00]  }
0x83: {  	v13 =	vmin.f32 v13, $1.023000000e+03;
	v17 =	vmin.f32 v17, $1.023000000e+03;
	v37 =	vld [tilespmem:s2+$0xFFFFFF80];
	v30 =	vmul.f32 v30, v7  }
0x84: {  	v33 =	vcvt.f32.s32 v33;
	v24 =	vsub.f32 v24, v6;
	v16 =	vmul.f32 v16, v7;
	v38 =	vld [tilespmem:s2+$0x80]  }
0x85: {  	v18 =	vtrunc.f32 v18;
	v17 =	vtrunc.f32 v17;
	v39 =	vld [tilespmem:s2+$0x0];
	v30 =	vmax.f32 v30, $0.0e+00  }
0x86: {  	v35 =	vsub.f32 v35, v6;
	v16 =	vmax.f32 v16, $0.0e+00;
	v30 =	vmin.f32 v30, $1.023000000e+03;
	[tilespmem:v26+s20+$0x0] =	vst.idx.add.f32.msk $0xffff, v3  }
0x87: {  	v26 =	vsub.f32 v32, v6;
	v32 =	vcvt.f32.s32 v18;
	v16 =	vmin.f32 v16, $1.023000000e+03;
	[tilespmem:v23+s20+$0x0] =	vst.idx.add.f32.msk $0xffff, v3  }
0x88: {  	v17 =	vcvt.f32.s32 v17;
	v18 =	vsub.f32 v25, v6;
	v16 =	vtrunc.f32 v16;
	[tilespmem:v19+s20+$0x0] =	vst.idx.add.f32.msk $0xffff, v3  }
0x89: {  	v23 =	vsub.f32 v31, v6;
	v25 =	vcvt.f32.s32 v16;
	v16 =	vmul.f32 v26, v7;
	[tilespmem:v20+s20+$0x0] =	vst.idx.add.f32.msk $0xffff, v3  }
0x8a: {  	v18 =	vmul.f32 v18, v7;
	v19 =	vsub.f32 v39, v6;
	[tilespmem:v12+s20+$0x0] =	vst.idx.add.f32.msk $0xffff, v3;
	v12 =	vtrunc.f32 v13  }
0x8b: {  	v13 =	vmax.f32 v16, $0.0e+00;
	v16 =	vmul.f32 v35, v7;
	v12 =	vcvt.f32.s32 v12;
	[tilespmem:v33+s20+$0x0] =	vst.idx.add.f32.msk $0xffff, v3  }
0x8c: {  	v18 =	vmax.f32 v18, $0.0e+00;
	v20 =	vmin.f32 v13, $1.023000000e+03;
	v13 =	vmul.f32 v19, v7;
	[tilespmem:v11+s20+$0x0] =	vst.idx.add.f32.msk $0xffff, v3  }
0x8d: {  	v23 =	vmul.f32 v23, v7;
	v11 =	vmin.f32 v18, $1.023000000e+03;
	v19 =	vtrunc.f32 v20;
	[tilespmem:v27+s20+$0x0] =	vst.idx.add.f32.msk $0xffff, v3  }
0x8e: {  	v26 =	vsub.f32 v38, v6;
	v18 =	vsub.f32 v36, v6;
	v11 =	vtrunc.f32 v11;
	[tilespmem:v32+s20+$0x0] =	vst.idx.add.f32.msk $0xffff, v3  }
0x8f: {  	v27 =	vtrunc.f32 v30;
	v20 =	vcvt.f32.s32 v11;
	v11 =	vmax.f32 v16, $0.0e+00;
	[tilespmem:v17+s20+$0x0] =	vst.idx.add.f32.msk $0xffff, v3  }
.Ltmp4:
0x90: {  	v24 =	vmul.f32 v24, v7;
	v16 =	vmul.f32 v26, v7;
	v11 =	vmin.f32 v11, $1.023000000e+03;
	[tilespmem:v34+s20+$0x0] =	vst.idx.add.f32.msk $0xffff, v3;
	(pc) =	sbr.rel @p0 .LBB2_7-.Ltmp4, $4  }
0x91: {  	v17 =	vsub.f32 v37, v6;
	v26 =	vtrunc.f32 v11;
	v11 =	vcvt.f32.s32 v27;
	[tilespmem:v12+s20+$0x0] =	vst.idx.add.f32.msk $0xffff, v3  }
0x92: {  	v23 =	vmax.f32 v23, $0.0e+00;
	v12 =	vcvt.f32.s32 v26;
	v26 =	vsub.f32 v29, v6;
	[tilespmem:v21+s20+$0x0] =	vst.idx.add.f32.msk $0xffff, v3  }
0x93: {  	v23 =	vmin.f32 v23, $1.023000000e+03;
	v21 =	vmax.f32 v24, $0.0e+00;
	v24 =	vsub.f32 v22, v6;
	[tilespmem:v28+s20+$0x0] =	vst.idx.add.f32.msk $0xffff, v3  }
0x94: {  	v15 =	vsub.f32 v15, v6;
	s2 =	sadd.s32 $0x800, s2;
	v21 =	vmin.f32 v21, $1.023000000e+03;
	v22 =	vmul.f32 v26, v7;
	[tilespmem:v25+s20+$0x0] =	vst.idx.add.f32.msk $0xffff, v3  }
0x95: {  	v24 =	vmul.f32 v24, v7  }
0x96: {  	v14 =	vsub.f32 v14, v6;
	v23 =	vtrunc.f32 v23;
	v19 =	vcvt.f32.s32 v19  }
0x97: {  	v10 =	vmax.f32 v10, $0.0e+00;
	v18 =	vmul.f32 v18, v7;
	v17 =	vmul.f32 v17, v7  }
0x98: {  	v13 =	vmax.f32 v13, $0.0e+00;
	v16 =	vmax.f32 v16, $0.0e+00;
	v23 =	vcvt.f32.s32 v23  }
0x99: {  	v22 =	vmax.f32 v22, $0.0e+00;
	v15 =	vmul.f32 v15, v7;
	v10 =	vmin.f32 v10, $1.023000000e+03  }
0x9a: {  	v13 =	vmin.f32 v13, $1.023000000e+03;
	v16 =	vmin.f32 v16, $1.023000000e+03;
	v14 =	vmul.f32 v14, v7  }
0x9b: {  	v24 =	vmax.f32 v24, $0.0e+00;
	v22 =	vmin.f32 v22, $1.023000000e+03;
	v10 =	vtrunc.f32 v10  }
0x9c: {  	v18 =	vmax.f32 v18, $0.0e+00;
	v17 =	vmax.f32 v17, $0.0e+00;
	v61 =	vtrunc.f32 v13  }
0x9d: {  	v63 =	vtrunc.f32 v16;
	v24 =	vmin.f32 v24, $1.023000000e+03;
	v10 =	vcvt.f32.s32 v10  }
0x9e: {  	[tilespmem:v12+s20+$0x0] =	vst.idx.add.f32.msk $0xffff, v3;
	v15 =	vmax.f32 v15, $0.0e+00;
	v60 =	vtrunc.f32 v22;
	v12 =	vcvt.f32.s32 v61  }
0x9f: {  	[tilespmem:v11+s20+$0x0] =	vst.idx.add.f32.msk $0xffff, v3;
	v18 =	vmin.f32 v18, $1.023000000e+03;
	v11 =	vcvt.f32.s32 v63;
	v24 =	vtrunc.f32 v24  }
0xa0: {  	[tilespmem:v20+s20+$0x0] =	vst.idx.add.f32.msk $0xffff, v3;
	v58 =	vmin.f32 v17, $1.023000000e+03;
	v59 =	vtrunc.f32 v18;
	v18 =	vcvt.f32.s32 v60  }
0xa1: {  	v14 =	vmax.f32 v14, $0.0e+00;
	v15 =	vmin.f32 v15, $1.023000000e+03;
	v24 =	vcvt.f32.s32 v24;
	[tilespmem:v19+s20+$0x0] =	vst.idx.add.f32.msk $0xffff, v3  }
0xa2: {  	v14 =	vmin.f32 v14, $1.023000000e+03;
	v15 =	vtrunc.f32 v15;
	v17 =	vcvt.f32.s32 v59;
	[tilespmem:v23+s20+$0x0] =	vst.idx.add.f32.msk $0xffff, v3  }
0xa3: {  	v14 =	vtrunc.f32 v14;
	v57 =	vcvt.f32.s32 v15;
	[tilespmem:v10+s20+$0x0] =	vst.idx.add.f32.msk $0xffff, v3  }
0xa4: {  	v15 =	vtrunc.f32 v58;
	v14 =	vcvt.f32.s32 v14;
	[tilespmem:v12+s20+$0x0] =	vst.idx.add.f32.msk $0xffff, v3  }
0xa5: {  	v62 =	vtrunc.f32 v21;
	v15 =	vcvt.f32.s32 v15;
	[tilespmem:v11+s20+$0x0] =	vst.idx.add.f32.msk $0xffff, v3  }
0xa6: {  	v10 =	vcvt.f32.s32 v62;
	[tilespmem:v18+s20+$0x0] =	vst.idx.add.f32.msk $0xffff, v3  }
0xa7: {  	[tilespmem:v24+s20+$0x0] =	vst.idx.add.f32.msk $0xffff, v3  }
0xa8: {  	[tilespmem:v17+s20+$0x0] =	vst.idx.add.f32.msk $0xffff, v3  }
0xa9: {  	[tilespmem:v57+s20+$0x0] =	vst.idx.add.f32.msk $0xffff, v3  }
0xaa: {  	[tilespmem:v14+s20+$0x0] =	vst.idx.add.f32.msk $0xffff, v3  }
0xab: {  	[tilespmem:v15+s20+$0x0] =	vst.idx.add.f32.msk $0xffff, v3  }
0xac: {  	[tilespmem:v10+s20+$0x0] =	vst.idx.add.f32.msk $0xffff, v3  }
0xad: {  	v10 =	vld [tilespmem:$0x1800];
	_ =	sdelay $0x4  }
0xae: {  	v10 =	vsub.f32 v10, v6;
	_ =	sdelay $0x1  }
0xaf: {  	v10 =	vmul.f32 v10, v7;
	_ =	sdelay $0x1  }
0xb0: {  	v10 =	vmax.f32 v10, $0.0e+00  }
0xb1: {  	v10 =	vmin.f32 v10, $1.023000000e+03  }
0xb2: {  	v10 =	vtrunc.f32 v10  }
0xb3: {  	v10 =	vcvt.f32.s32 v10;
	_ =	sdelay $0x5  }
0xb4: {  	s2 =	simm.s32 $0x3F;
	s0 =	simm.f32 $0.0e+00;
	[tilespmem:v10+s20+$0x0] =	vst.idx.add.f32.msk $0xffff, v3  }
.LBB2_9:
0xb5: {  	s6 =	sshll.u32 s2, $0x6  }
0xb6: {  	s6 =	sshra.s32 s6, $0x2  }
0xb7: {  	v10 =	vld [tilespmem:s6+$0x9F80];
	_ =	sdelay $0x4  }
0xb8: {  	(xrf2) =	vadd.scan.msk.f32 $0xffff, v10;
	_ =	sdelay $0x9  }
0xb9: {  	v10, _, _ =	vpop (xrf2)  }
0xba: {  	(v2sf) =	vpush v10, $0xF;
	_ =	sdelay $0xe  }
0xbb: {  	s6 =	smov.u32 s0;
	s31 =	spop (v2sf)  }
0xbc: {  	s0 =	sadd.f32 s31, s6;
	_ =	sdelay $0x1  }
0xbd: {  	p0 =	sge.f32 s0, $1.000000000e+02;
	_ =	sdelay $0x1  }
0xbe: {  	s7 =	simm.s32 $0x1;
	p1 =	por !p0, !p0  }
0xbf: {  	s7 =	simm.s32 @!p1 $0x0  }
0xc0: {  	s2 =	ssub.s32 s2, s7  }
0xc1: {  	p1 =	slt.s32 s2, $0x0  }
0xc2: {  	p2 =	sge.f32 @!p1 s0, $1.000000000e+02;
	_ =	sdelay $0x1  }
0xc3: {  	p1 =	por p1, p2  }
.Ltmp5:
0xc4: {  	_ = 	snop;
	(pc) =	sbr.rel @!p1 .LBB2_9-.Ltmp5, $2  }
0xc5: {  	_ =	sdelay $0x2  }
0xc6: {  	s0 =	smov.u32 @p0 s6  }
0xc7: {  	p0 =	sgt.s32 s2, $0x0  }
0xc8: {  	s2 =	simm.s32 @!p0 $0x0  }
0xc9: {  	s2 =	sshll.u32 s2, $0x4  }
0xca: {  	v10 =	vld [tilespmem:s2+$0x9F80];
	_ =	sdelay $0x4  }
0xcb: {  	v10 =	vperm.xlane v10, v4;
	_ =	sdelay $0x1  }
0xcc: {  	(xrf2) =	vadd.scan.msk.f32 $0xffff, v10;
	_ =	sdelay $0x9  }
0xcd: {  	v10, _, _ =	vpop (xrf2)  }
0xce: {  	v10 =	vperm.xlane v10, v4;
	_ =	sdelay $0x1  }
0xcf: {  	v10 =	vadd.f32 s0, v10;
	_ =	sdelay $0x1  }
0xd0: {  	vm1 =	vge.f32 v10, $1.000000000e+02  }
0xd1: {  	v10 =	vsel vm1, $0x3F800000, v1  }
0xd2: {  	(xrf2) =	vadd.scan.msk.f32 $0xffff, v10;
	_ =	sdelay $0x9  }
0xd3: {  	v10, _, _ =	vpop (xrf2)  }
0xd4: {  	(v2sf) =	vpush v10, $0xF;
	_ =	sdelay $0xe  }
0xd5: {  	s31 =	spop (v2sf)  }
0xd6: {  	s2 =	scvt.s32.f32 s2;
	s0 =	sadd.f32 $-1.000000000e+00, s31  }
0xd7: {  	p1 =	por $0x0, $0x0  }
.Ltmp6:
0xd8: {  	s0 =	sadd.f32 s2, s0;
	(pc) =	sbr.rel @p1 .LBB2_11-.Ltmp6, $3  }
0xd9: {  	_ = 	snop  }
0xda: {  	s0 =	scvt.f32.s32 s0;
	_ =	sdelay $0x1  }
0xdb: {  	s8 =	simm.s32 $0x0;
	p0 =	por $0x0, $0x0;
	v10 =	vmov s0;
	s0 =	simm.s32 $0x0  }
0xdc: {  	v11 =	vld [tilespmem:s8+$0x0];
	_ =	sdelay $0x4  }
0xdd: {  	v11 =	vsub.f32 v11, v6;
	_ =	sdelay $0x1  }
0xde: {  	v11 =	vmul.f32 v11, v7;
	_ =	sdelay $0x1  }
0xdf: {  	v11 =	vmax.f32 v11, $0.0e+00  }
0xe0: {  	v11 =	vmin.f32 v11, $1.023000000e+03  }
0xe1: {  	v11 =	vtrunc.f32 v11  }
0xe2: {  	p1 =	por $0x0, $0x0;
	v11 =	vcvt.f32.s32 v11  }
.Ltmp7:
0xe3: {  	_ = 	snop;
	(pc) =	sbr.rel @p1 .LBB2_13-.Ltmp7, $4  }
0xe4: {  	vm1 =	vle.s32 v10, v11  }
0xe5: {  	v11 =	vmpcnt.ones.xlane vm1  }
0xe6: {  	v12 =	vor.u32 s28, v2;
	s8 =	simm.s32 $0x80;
	s7 =	simm.s32 $0x400  }
0xe7: {  	p0 =	por $0x1, $0x1;
	s2 =	smov.u32 s28;
	s6 =	simm.s32 $0x0;
	[tilespmem:s0+$0x1C00] =	vst.msk vm1, v12;
	(v2sf) =	vpush v11, $0x0  }
.LBB2_14:
0xe8: {  	p1 =	seq.s32 s7, $0x6000;
	v11 =	vld [tilespmem:s8+$0x0];
	_ =	sdelay $0x4  }
0xe9: {  	v11 =	vsub.f32 v11, v6;
	_ =	sdelay $0x1  }
0xea: {  	v11 =	vmul.f32 v11, v7;
	_ =	sdelay $0x1  }
0xeb: {  	v11 =	vmax.f32 v11, $0.0e+00  }
0xec: {  	v11 =	vmin.f32 v11, $1.023000000e+03  }
0xed: {  	v11 =	vtrunc.f32 v11  }
0xee: {  	v11 =	vcvt.f32.s32 v11  }
.Ltmp8:
0xef: {  	(pc) =	sbr.rel @!p1 .LBB2_14-.Ltmp8, $4  }
0xf0: {  	s2 =	sadd.s32 $0x10, s2;
	vm1 =	vle.s32 v10, v11;
	s8 =	spop (v2sf)  }
0xf1: {  	v11 =	vor.u32 s2, v2;
	v12 =	vmpcnt.ones.xlane vm1;
	s6 =	sadd.s32 s6, s8  }
0xf2: {  	[tilespmem:s6+$0x1C00] =	vst.msk vm1, v11  }
0xf3: {  	s8 =	sshra.s32 s7, $0x2;
	s7 =	sadd.s32 $0x200, s7;
	(v2sf) =	vpush v12, $0x0  }
.LBB2_15:
0xf4: {  	v11 =	vld [tilespmem:s8+$0x0];
	_ =	sdelay $0x4  }
0xf5: {  	v11 =	vsub.f32 v11, v6;
	_ =	sdelay $0x1  }
0xf6: {  	v11 =	vmul.f32 v11, v7;
	_ =	sdelay $0x1  }
0xf7: {  	v11 =	vmax.f32 v11, $0.0e+00  }
0xf8: {  	v11 =	vmin.f32 v11, $1.023000000e+03  }
0xf9: {  	v11 =	vtrunc.f32 v11  }
0xfa: {  	v11 =	vcvt.f32.s32 v11;
	_ =	sdelay $0x1  }
0xfb: {  	vm1 =	vle.s32 v10, v11  }
0xfc: {  	v10 =	vmpcnt.ones.xlane vm1;
	_ =	sdelay $0x1  }
0xfd: {  	(v2sf) =	vpush v10, $0x0;
	_ =	sdelay $0x5  }
0xfe: {  	s2 =	sadd.s32 @p0 $0x10, s2;
	s8 =	smov.u32 s28;
	s7 =	spop @p0 (v2sf)  }
0xff: {  	s8 =	smov.u32 @p0 s2;
	s2 =	sadd.s32 @p0 s6, s7  }
0x100: {  	s0 =	smov.u32 @p0 s2;
	v10 =	vor.u32 s8, v2  }
0x101: {  	s2 =	simm.s32 $0x9FC0;
	[tilespmem:s0+$0x1C00] =	vst.msk vm1, v10  }
0x102: {  	[tilespmem:s2+$0xFFFFFFC0] =	vst v1  }
0x103: {  	[tilespmem:s2+$0x30] =	vst v1  }
0x104: {  	[tilespmem:s2+$0x20] =	vst v1  }
0x105: {  	[tilespmem:s2+$0x10] =	vst v1  }
0x106: {  	[tilespmem:s2+$0x0] =	vst v1  }
0x107: {  	[tilespmem:s2+$0xFFFFFFF0] =	vst v1;
	s31 =	spop (v2sf)  }
0x108: {  	s6 =	simm.s32 $0x0;
	[tilespmem:s2+$0xFFFFFFE0] =	vst v1;
	s0 =	sadd.s32 s0, s31  }
.LBB2_16:
0x109: {  	s6 =	sadd.s32 $0x8, s6;
	[tilespmem:s2+$0xFFFFFFD0] =	vst v1;
	s2 =	sadd.s32 $0x80, s2  }
0x10a: {  	[tilespmem:s2+$0xFFFFFFC0] =	vst v1;
	p0 =	slt.u32 s6, $0x38  }
0x10b: {  	[tilespmem:s2+$0x30] =	vst v1  }
.Ltmp9:
0x10c: {  	[tilespmem:s2+$0x20] =	vst v1;
	(pc) =	sbr.rel @p0 .LBB2_16-.Ltmp9, $4  }
0x10d: {  	[tilespmem:s2+$0x10] =	vst v1  }
0x10e: {  	[tilespmem:s2+$0x0] =	vst v1  }
0x10f: {  	[tilespmem:s2+$0xFFFFFFF0] =	vst v1  }
0x110: {  	[tilespmem:s2+$0xFFFFFFE0] =	vst v1  }
0x111: {  	(v2sf) =	vpush v8, $0xF  }
0x112: {  	(v2sf) =	vpush v9, $0xF;
	_ =	sdelay $0x5  }
0x113: {  	s31 =	sadd.s32 $0xF, s0  }
0x114: {  	s7 =	sshra.s32 s31, $0x4  }
0x115: {  	[tilespmem:s2+$0xFFFFFFD0] =	vst v1;
	s2 =	sadd.s32 $0xF, s7  }
0x116: {  	s15 =	sshra.s32 s2, $0x4  }
0x117: {  	p0 =	sgt.s32 s15, $0x0  }
.Ltmp10:
0x118: {  	_ = 	snop;
	(pc) =	sbr.rel @!p0 .LBB2_18-.Ltmp10, $3  }
0x119: {  	_ =	sdelay $0x1  }
0x11a: {  	s13 =	spop (v2sf)  }
0x11b: {  	s6 =	sshll.u32 s0, $0x7;
	s16 =	spop (v2sf)  }
.Ltmp11:
0x11c: {  	(pc) =	sbr.rel .LBB2_30-.Ltmp11, $3  }
0x11d: {  	_ =	sdelay $0x1  }
0x11e: {  	s0 =	simm.s32 $0x0  }
0x11f: {  	v8 =	vmov s6;
	s2 =	simm.s32 $0x1C00;
	s8 =	simm.s32 $0x70;
	s17 =	smov.u32 s7  }
.LBB2_42:
0x120: {  	v18 =	vcvt.f32.s32 v18;
	vm1 =	vlt.s32 v9, v8  }
0x121: {  	v9 =	vor.u32 s18, v2;
	v15 =	vcvt.f32.s32 v15;
	vm2 =	vlt.s32 v10, v8  }
0x122: {  	v10 =	vtrunc.f32 v11;
	v11 =	vcvt.f32.s32 v16;
	vm3 =	vlt.s32 v12, v8  }
0x123: {  	v60 =	vor.u32 s25, v2;
	v13 =	vcvt.f32.s32 v13;
	vm4 =	vlt.s32 v9, v8  }
0x124: {  	v61 =	vor.u32 s31, v2;
	v9 =	vcvt.f32.s32 v17;
	vm5 =	vlt.s32 v60, v8  }
0x125: {  	v62 =	vcvt.f32.s32 v14;
	v63 =	vor.u32 s12, v2;
	vm6 =	vlt.s32 v61, v8  }
0x126: {  	v10 =	vcvt.f32.s32 v10;
	vm7 =	vlt.s32 v63, v8;
	[tilespmem:v18+s20+$0x0] =	vst.idx.add.f32.msk vm1, v3  }
0x127: {  	[tilespmem:v15+s20+$0x0] =	vst.idx.add.f32.msk vm2, v3  }
0x128: {  	[tilespmem:v11+s20+$0x0] =	vst.idx.add.f32.msk vm3, v3  }
0x129: {  	[tilespmem:v13+s20+$0x0] =	vst.idx.add.f32.msk vm4, v3  }
0x12a: {  	[tilespmem:v9+s20+$0x0] =	vst.idx.add.f32.msk vm5, v3  }
0x12b: {  	[tilespmem:v62+s20+$0x0] =	vst.idx.add.f32.msk vm6, v3  }
0x12c: {  	[tilespmem:v10+s20+$0x0] =	vst.idx.add.f32.msk vm7, v3  }
.LBB2_43:
0x12d: {  	s0 =	sadd.s32 $0x1, s0  }
0x12e: {  	p0 =	seq.s32 s0, s15  }
.Ltmp12:
0x12f: {  	_ = 	snop;
	(pc) =	sbr.rel @p0 .LBB2_18-.Ltmp12, $2  }
0x130: {  	_ =	sdelay $0x2  }
0x131: {  	s17 =	sadd.s32 $0xFFFFFFF0, s17;
	s2 =	sadd.s32 $0x100, s2;
	s8 =	sadd.s32 $0x8000, s8  }
.LBB2_30:
0x132: {  	s9 =	sshll.u32 s0, $0x4  }
0x133: {  	p0 =	sgt.s32 s17, $0x1;
	s10 =	smov.u32 s17;
	s9 =	ssub.s32 s7, s9  }
0x134: {  	s10 =	simm.s32 @!p0 $0x1;
	p0 =	slt.s32 s9, $0x1  }
.Ltmp13:
0x135: {  	_ = 	snop;
	(pc) =	sbr.rel @p0 .LBB2_39-.Ltmp13, $2  }
0x136: {  	_ =	sdelay $0x2  }
0x137: {  	s11 =	simm.s32 $0x1F80;
	s10 =	smin.u32 s10, $0x10  }
0x138: {  	p1 =	sne.s32 s10, $0x1  }
.Ltmp14:
0x139: {  	_ = 	snop;
	(pc) =	sbr.rel @!p1 .LBB2_32-.Ltmp14, $2  }
0x13a: {  	_ =	sdelay $0x2  }
0x13b: {  	v9 =	vld [tilespmem:s2+$0x0];
	s12 =	sadd.s32 $0xFFFFFFFF, s10;
	p0 =	por $0x0, $0x0  }
0x13c: {  	_ =	sdelay $0x3  }
0x13d: {  	p1 =	sne.s32 s12, $0x1  }
.Ltmp15:
0x13e: {  	_ = 	snop;
	(pc) =	sbr.rel @!p1 .LBB2_34-.Ltmp15, $4  }
0x13f: {  	_ = 	snop  }
0x140: {  	s18 =	sadd.s32 $0x10, s2  }
0x141: {  	[tilespmem:s11], [sflag:$0x1] =	stream.indirect_vreg.gather [hbm4b:s3+s1], $0x80, v9, vm0, $0xb8;
	[tilespmem:$0xAA80] =	vst v63  }
0x142: {  	s25 =	sadd.s32 $0xFFFFFFFF, s12;
	p0 =	por $0x1, $0x1;
	s12 =	simm.s32 $0x1F80;
	v9 =	vld [tilespmem:s18+$0x0]  }
.LBB2_35:
0x143: {  	p1 =	sne.s32 s25, $0x1;
	_ =	sdelay $0x3  }
.Ltmp16:
0x144: {  	(pc) =	sbr.rel @p1 .LBB2_35-.Ltmp16, $4  }
0x145: {  	_ = 	snop  }
0x146: {  	s18 =	sadd.s32 $0x10, s18;
	s12 =	sadd.s32 $0x800, s12  }
0x147: {  	[tilespmem:s12], [sflag:$0x1] =	stream.indirect_vreg.gather [hbm4b:s3+s1], $0x80, v9, vm0, $0xb8;
	[tilespmem:$0xAA80] =	vst v63  }
0x148: {  	s25 =	sadd.s32 $0xFFFFFFFF, s25;
	v9 =	vld [tilespmem:s18+$0x0]  }
.LBB2_36:
0x149: {  	_ =	sdelay $0x3  }
0x14a: {  	s12 =	sadd.s32 @p0 $0x800, s12  }
0x14b: {  	s11 =	smov.u32 @p0 s12;
	p0 =	sne.s32 s10, $0x1  }
.Ltmp17:
0x14c: {  	_ = 	snop;
	(pc) =	sbr.rel @!p0 .LBB2_38-.Ltmp17, $4  }
0x14d: {  	_ = 	snop  }
0x14e: {  	[tilespmem:s11], [sflag:$0x1] =	stream.indirect_vreg.gather [hbm4b:s3+s1], $0x80, v9, vm0, $0xb8;
	[tilespmem:$0xAA80] =	vst v63  }
0x14f: {  	_ =	swait.ge [sflag:s21], $0x800  }
0x150: {  	s10 =	sadd.s32 $0xFFFFFFFF, s10;
	[sflag:s21] =	ssyncset.done $0x0  }
.LBB2_37:
0x151: {  	p0 =	sne.s32 s10, $0x1;
	s10 =	sadd.s32 $0xFFFFFFFF, s10;
	[sflag:s21] =	ssyncadd.s32 $0xFFFFF800  }
.Ltmp18:
0x152: {  	(pc) =	sbr.rel @p0 .LBB2_37-.Ltmp18, $3  }
0x153: {  	_ =	sdelay $0x1  }
0x154: {  	_ =	swait.ge [sflag:s21], $0x800  }
0x155: {  	[sflag:s21] =	ssyncset.done $0x0  }
.LBB2_38:
0x156: {  	[sflag:s21] =	ssyncadd.s32 $0xFFFFF800  }
.LBB2_39:
0x157: {  	p0 =	slt.s32 s9, $0x10  }
0x158: {  	s9 =	simm.s32 @!p0 $0x10  }
0x159: {  	s9 =	sshll.u32 s9, $0x7  }
0x15a: {  	p0 =	slt.s32 s9, $0x1  }
.Ltmp19:
0x15b: {  	_ = 	snop;
	(pc) =	sbr.rel @p0 .LBB2_43-.Ltmp19, $1  }
0x15c: {  	_ =	sdelay $0x3  }
0x15d: {  	s10 =	simm.s32 $0x1FC0  }
0x15e: {  	v9 =	vld [tilespmem:s10+$0x30]  }
0x15f: {  	v10 =	vld [tilespmem:s10+$0xFFFFFFD0]  }
0x160: {  	v11 =	vld [tilespmem:s10+$0xFFFFFFE0]  }
0x161: {  	v12 =	vld [tilespmem:s10+$0xFFFFFFF0]  }
0x162: {  	v13 =	vld [tilespmem:s10+$0x0]  }
0x163: {  	v14 =	vld [tilespmem:s10+$0x10]  }
0x164: {  	v15 =	vld [tilespmem:s10+$0x20]  }
0x165: {  	v16 =	vld [tilespmem:s10+$0xFFFFFFC0];
	_ =	sdelay $0x1  }
0x166: {  	v17 =	vor.u32 s8, v2;
	v9 =	vsub.f32 v9, v6;
	v10 =	vsub.f32 v10, v6  }
0x167: {  	vm1 =	vlt.s32 v17, v8;
	v11 =	vsub.f32 v11, v6;
	v12 =	vsub.f32 v12, v6  }
0x168: {  	v13 =	vsub.f32 v13, v6;
	v14 =	vsub.f32 v14, v6;
	v9 =	vmul.f32 v9, v7  }
0x169: {  	v15 =	vsub.f32 v15, v6;
	v16 =	vsub.f32 v16, v6;
	v11 =	vmul.f32 v11, v7  }
0x16a: {  	v10 =	vmul.f32 v10, v7;
	v12 =	vmul.f32 v12, v7;
	v9 =	vmax.f32 v9, $0.0e+00  }
0x16b: {  	v15 =	vmul.f32 v15, v7;
	v11 =	vmax.f32 v11, $0.0e+00;
	v9 =	vmin.f32 v9, $1.023000000e+03  }
0x16c: {  	v12 =	vmax.f32 v12, $0.0e+00;
	v19 =	vmin.f32 v11, $1.023000000e+03;
	v9 =	vtrunc.f32 v9  }
0x16d: {  	v17 =	vcvt.f32.s32 v9;
	v9 =	vmax.f32 v10, $0.0e+00;
	v10 =	vmul.f32 v13, v7  }
0x16e: {  	v12 =	vmin.f32 v12, $1.023000000e+03;
	v13 =	vmul.f32 v14, v7;
	v14 =	vmul.f32 v16, v7  }
0x16f: {  	p0 =	sgt.s32 s9, $0x8;
	v16 =	vmin.f32 v9, $1.023000000e+03;
	v9 =	vmax.f32 v15, $0.0e+00;
	v10 =	vmax.f32 v10, $0.0e+00  }
.Ltmp20:
0x170: {  	s11 =	sadd.s32 $0xFFFFFF90, s8;
	v13 =	vmax.f32 v13, $0.0e+00;
	v14 =	vmax.f32 v14, $0.0e+00;
	v11 =	vmin.f32 v9, $1.023000000e+03;
	(pc) =	sbr.rel @!p0 .LBB2_42-.Ltmp20, $4  }
0x171: {  	v9 =	vor.u32 s11, v2;
	v15 =	vtrunc.f32 v16;
	v16 =	vtrunc.f32 v19  }
0x172: {  	s12 =	sadd.s32 $0xFFFFFFA0, s8;
	s24 =	sadd.s32 $0xFFFFFFB0, s8;
	s18 =	sadd.s32 $0xFFFFFFC0, s8;
	v14 =	vmin.f32 v14, $1.023000000e+03;
	v20 =	vmin.f32 v10, $1.023000000e+03;
	v21 =	vmin.f32 v13, $1.023000000e+03  }
0x173: {  	s25 =	sadd.s32 $0xFFFFFFD0, s8;
	s31 =	sadd.s32 $0xFFFFFFE0, s8;
	s30 =	smov.u32 s8;
	v10 =	vor.u32 s12, v2;
	v13 =	vtrunc.f32 v12;
	v18 =	vtrunc.f32 v14  }
0x174: {  	s10 =	simm.s32 $0x8;
	s11 =	simm.s32 $0x2040;
	s12 =	sadd.s32 $0xFFFFFFF0, s8;
	v12 =	vor.u32 s24, v2;
	v14 =	vtrunc.f32 v21;
	[tilespmem:v17+s20+$0x0] =	vst.idx.add.f32.msk vm1, v3;
	v17 =	vtrunc.f32 v20  }
.LBB2_41:
0x175: {  	v19 =	vld [tilespmem:s11+$0x30];
	s10 =	sadd.s32 $0x8, s10;
	v18 =	vcvt.f32.s32 v18;
	v20 =	vor.u32 s18, v2;
	v11 =	vtrunc.f32 v11  }
0x176: {  	v15 =	vcvt.f32.s32 v15;
	v16 =	vcvt.f32.s32 v16;
	v22 =	vor.u32 s25, v2;
	v21 =	vld [tilespmem:s11+$0xFFFFFFD0];
	p0 =	slt.s32 s10, s9  }
0x177: {  	v13 =	vcvt.f32.s32 v13;
	v17 =	vcvt.f32.s32 v17;
	v24 =	vor.u32 s31, v2;
	v23 =	vld [tilespmem:s11+$0xFFFFFFE0]  }
0x178: {  	v14 =	vcvt.f32.s32 v14;
	v26 =	vor.u32 s12, v2;
	v11 =	vcvt.f32.s32 v11;
	v25 =	vld [tilespmem:s11+$0xFFFFFFF0]  }
0x179: {  	vm7 =	vlt.s32 v9, v8;
	vm6 =	vlt.s32 v10, v8;
	vm5 =	vlt.s32 v12, v8;
	v27 =	vld [tilespmem:s11+$0x0]  }
0x17a: {  	vm1 =	vlt.s32 v20, v8;
	vm4 =	vlt.s32 v22, v8;
	v9 =	vld [tilespmem:s11+$0x10];
	v10 =	vsub.f32 v19, v6  }
0x17b: {  	vm3 =	vlt.s32 v24, v8;
	vm2 =	vlt.s32 v26, v8;
	v12 =	vsub.f32 v21, v6;
	v19 =	vld [tilespmem:s11+$0x20]  }
0x17c: {  	v20 =	vld [tilespmem:s11+$0xFFFFFFC0];
	v21 =	vsub.f32 v23, v6;
	v10 =	vmul.f32 v10, v7  }
0x17d: {  	v12 =	vmul.f32 v12, v7;
	v22 =	vsub.f32 v25, v6  }
0x17e: {  	v21 =	vmul.f32 v21, v7;
	v23 =	vsub.f32 v27, v6;
	v10 =	vmax.f32 v10, $0.0e+00  }
0x17f: {  	s30 =	sadd.s32 $0x80, s30;
	v22 =	vmul.f32 v22, v7;
	v9 =	vsub.f32 v9, v6;
	v10 =	vmin.f32 v10, $1.023000000e+03;
	[tilespmem:v18+s20+$0x0] =	vst.idx.add.f32.msk vm7, v3  }
0x180: {  	s19 =	sadd.s32 $0xFFFFFF90, s30;
	s24 =	sadd.s32 $0xFFFFFFA0, s30;
	s4 =	sadd.s32 $0xFFFFFFB0, s30;
	v18 =	vsub.f32 v19, v6;
	v19 =	vor.u32 s30, v2;
	v10 =	vtrunc.f32 v10;
	[tilespmem:v15+s20+$0x0] =	vst.idx.add.f32.msk vm6, v3  }
0x181: {  	s18 =	sadd.s32 $0xFFFFFFC0, s30;
	s25 =	sadd.s32 $0xFFFFFFD0, s30;
	s31 =	sadd.s32 $0xFFFFFFE0, s30;
	v15 =	vsub.f32 v20, v6;
	vm6 =	vlt.s32 v19, v8;
	v10 =	vcvt.f32.s32 v10;
	[tilespmem:v16+s20+$0x0] =	vst.idx.add.f32.msk vm5, v3  }
0x182: {  	s12 =	sadd.s32 $0xFFFFFFF0, s30;
	v12 =	vmax.f32 v12, $0.0e+00;
	v16 =	vmul.f32 v23, v7;
	v9 =	vmul.f32 v9, v7;
	[tilespmem:v13+s20+$0x0] =	vst.idx.add.f32.msk vm1, v3  }
0x183: {  	v18 =	vmul.f32 v18, v7;
	v13 =	vmul.f32 v15, v7;
	v15 =	vmax.f32 v21, $0.0e+00;
	[tilespmem:v17+s20+$0x0] =	vst.idx.add.f32.msk vm4, v3  }
0x184: {  	v17 =	vmax.f32 v22, $0.0e+00;
	v16 =	vmax.f32 v16, $0.0e+00;
	v9 =	vmax.f32 v9, $0.0e+00;
	[tilespmem:v14+s20+$0x0] =	vst.idx.add.f32.msk vm3, v3  }
0x185: {  	v12 =	vmin.f32 v12, $1.023000000e+03;
	v14 =	vmax.f32 v18, $0.0e+00;
	v13 =	vmax.f32 v13, $0.0e+00;
	[tilespmem:v11+s20+$0x0] =	vst.idx.add.f32.msk vm2, v3  }
.Ltmp21:
0x186: {  	v19 =	vmin.f32 v15, $1.023000000e+03;
	v17 =	vmin.f32 v17, $1.023000000e+03;
	v13 =	vmin.f32 v13, $1.023000000e+03;
	(pc) =	sbr.rel @p0 .LBB2_41-.Ltmp21, $4  }
0x187: {  	v20 =	vmin.f32 v16, $1.023000000e+03;
	v21 =	vmin.f32 v9, $1.023000000e+03;
	v11 =	vmin.f32 v14, $1.023000000e+03;
	[tilespmem:v10+s20+$0x0] =	vst.idx.add.f32.msk vm6, v3  }
0x188: {  	v9 =	vor.u32 s19, v2;
	v15 =	vtrunc.f32 v12;
	v18 =	vtrunc.f32 v13  }
0x189: {  	v16 =	vtrunc.f32 v19;
	v10 =	vor.u32 s24, v2;
	v13 =	vtrunc.f32 v17  }
0x18a: {  	s11 =	sadd.s32 $0x80, s11;
	v12 =	vor.u32 s4, v2;
	v14 =	vtrunc.f32 v21;
	v17 =	vtrunc.f32 v20  }
.Ltmp22:
0x18b: {  	_ = 	snop;
	(pc) =	sbr.rel .LBB2_42-.Ltmp22, $1  }
0x18c: {  	_ =	sdelay $0x3  }
.LBB2_32:
.Ltmp23:
0x18d: {  	(pc) =	sbr.rel .LBB2_36-.Ltmp23, $2  }
0x18e: {  	_ =	sdelay $0x2  }
0x18f: {  	s12 =	simm.s32 $0x1F80  }
.LBB2_34:
.Ltmp24:
0x190: {  	(pc) =	sbr.rel .LBB2_36-.Ltmp24, $2  }
0x191: {  	_ =	sdelay $0x2  }
0x192: {  	s12 =	simm.s32 $0x1F80  }
.LBB2_18:
0x193: {  	s2 =	simm.s32 $0x3F;
	s0 =	simm.f32 $0.0e+00  }
.LBB2_19:
0x194: {  	s4 =	sshll.u32 s2, $0x6  }
0x195: {  	s4 =	sshra.s32 s4, $0x2  }
0x196: {  	v8 =	vld [tilespmem:s4+$0x9F80];
	_ =	sdelay $0x4  }
0x197: {  	(xrf2) =	vadd.scan.msk.f32 $0xffff, v8;
	_ =	sdelay $0x9  }
0x198: {  	v8, _, _ =	vpop (xrf2)  }
0x199: {  	(v2sf) =	vpush v8, $0xF;
	_ =	sdelay $0xe  }
0x19a: {  	s4 =	smov.u32 s0;
	s31 =	spop (v2sf)  }
0x19b: {  	s0 =	sadd.f32 s31, s4;
	_ =	sdelay $0x1  }
0x19c: {  	p0 =	sge.f32 s0, $1.000000000e+02;
	_ =	sdelay $0x1  }
0x19d: {  	s8 =	simm.s32 $0x1;
	p1 =	por !p0, !p0  }
0x19e: {  	s8 =	simm.s32 @!p1 $0x0  }
0x19f: {  	s2 =	ssub.s32 s2, s8  }
0x1a0: {  	p1 =	slt.s32 s2, $0x0  }
0x1a1: {  	p2 =	sge.f32 @!p1 s0, $1.000000000e+02;
	_ =	sdelay $0x1  }
0x1a2: {  	p1 =	por p1, p2  }
.Ltmp25:
0x1a3: {  	_ = 	snop;
	(pc) =	sbr.rel @!p1 .LBB2_19-.Ltmp25, $2  }
0x1a4: {  	_ =	sdelay $0x2  }
0x1a5: {  	s0 =	smov.u32 @p0 s4  }
0x1a6: {  	p0 =	sgt.s32 s2, $0x0  }
0x1a7: {  	s2 =	simm.s32 @!p0 $0x0  }
0x1a8: {  	s2 =	sshll.u32 s2, $0x4  }
0x1a9: {  	v9 =	vld [tilespmem:s2+$0x9F80];
	_ =	sdelay $0x4  }
0x1aa: {  	v8 =	vperm.xlane v9, v4;
	_ =	sdelay $0x1  }
0x1ab: {  	(xrf2) =	vadd.scan.msk.f32 $0xffff, v8;
	_ =	sdelay $0x3  }
0x1ac: {  	s9 =	simm.s32 $0x9FC0  }
0x1ad: {  	v8 =	vld [tilespmem:s29+$0xA900];
	[tilespmem:s9+$0xFFFFFFC0] =	vst v1  }
0x1ae: {  	[tilespmem:s9+$0x30] =	vst v1  }
0x1af: {  	[tilespmem:s9+$0x20] =	vst v1  }
0x1b0: {  	[tilespmem:s9+$0x10] =	vst v1  }
0x1b1: {  	[tilespmem:s9+$0x0] =	vst v1  }
0x1b2: {  	[tilespmem:s9+$0xFFFFFFF0] =	vst v1;
	v10, _, _ =	vpop (xrf2)  }
0x1b3: {  	s10 =	simm.s32 $0x0;
	[tilespmem:s9+$0xFFFFFFE0] =	vst v1;
	v10 =	vperm.xlane v10, v4  }
.LBB2_21:
0x1b4: {  	s10 =	sadd.s32 $0x8, s10;
	[tilespmem:s9+$0xFFFFFFD0] =	vst v1;
	s9 =	sadd.s32 $0x80, s9;
	s8 =	simm.s32 $0xA3C0  }
0x1b5: {  	[tilespmem:s9+$0xFFFFFFC0] =	vst v1;
	p0 =	slt.u32 s10, $0x38  }
0x1b6: {  	[tilespmem:s9+$0x30] =	vst v1  }
.Ltmp26:
0x1b7: {  	[tilespmem:s9+$0x20] =	vst v1;
	(pc) =	sbr.rel @p0 .LBB2_21-.Ltmp26, $4  }
0x1b8: {  	[tilespmem:s9+$0x10] =	vst v1  }
0x1b9: {  	[tilespmem:s9+$0x0] =	vst v1  }
0x1ba: {  	[tilespmem:s9+$0xFFFFFFF0] =	vst v1  }
0x1bb: {  	[tilespmem:s9+$0xFFFFFFE0] =	vst v1  }
0x1bc: {  	[tilespmem:s9+$0xFFFFFFD0] =	vst v1  }
0x1bd: {  	[tilespmem:s8+$0xFFFFFFC0] =	vst v1  }
0x1be: {  	[tilespmem:s8+$0x30] =	vst v1  }
0x1bf: {  	[tilespmem:s8+$0x20] =	vst v1  }
0x1c0: {  	[tilespmem:s8+$0x10] =	vst v1  }
0x1c1: {  	[tilespmem:s8+$0x0] =	vst v1  }
0x1c2: {  	[tilespmem:s8+$0xFFFFFFF0] =	vst v1  }
0x1c3: {  	s9 =	simm.s32 $0x0;
	[tilespmem:s8+$0xFFFFFFE0] =	vst v1  }
.LBB2_23:
0x1c4: {  	s9 =	sadd.s32 $0x8, s9;
	[tilespmem:s8+$0xFFFFFFD0] =	vst v1;
	s8 =	sadd.s32 $0x80, s8  }
0x1c5: {  	[tilespmem:s8+$0xFFFFFFC0] =	vst v1;
	p0 =	slt.u32 s9, $0x38  }
0x1c6: {  	[tilespmem:s8+$0x30] =	vst v1  }
.Ltmp27:
0x1c7: {  	[tilespmem:s8+$0x20] =	vst v1;
	(pc) =	sbr.rel @p0 .LBB2_23-.Ltmp27, $4  }
0x1c8: {  	[tilespmem:s8+$0x10] =	vst v1  }
0x1c9: {  	[tilespmem:s8+$0x0] =	vst v1  }
0x1ca: {  	[tilespmem:s8+$0xFFFFFFF0] =	vst v1  }
0x1cb: {  	[tilespmem:s8+$0xFFFFFFE0] =	vst v1  }
0x1cc: {  	v10 =	vadd.f32 s0, v10;
	_ =	sdelay $0x1  }
0x1cd: {  	vm1 =	vge.f32 v10, $1.000000000e+02  }
0x1ce: {  	v11 =	vsel vm1, $0x3F800000, v1  }
0x1cf: {  	(xrf2) =	vadd.scan.msk.f32 $0xffff, v11;
	_ =	sdelay $0x9  }
0x1d0: {  	v11, _, _ =	vpop (xrf2)  }
0x1d1: {  	(v2sf) =	vpush v11, $0xF;
	_ =	sdelay $0xe  }
0x1d2: {  	s25 =	spop (v2sf)  }
0x1d3: {  	v62 =	vld [tilespmem:$0x1FFF0];
	s4 =	sadd.f32 $-1.000000000e+00, s25;
	_ =	sdelay $0x1  }
0x1d4: {  	v60 =	vmov s4  }
0x1d5: {  	vm1 =	veq.f32 v60, v5  }
0x1d6: {  	v9 =	vnsel vm1, $0x0, v9  }
0x1d7: {  	v61 =	vnsel vm1, $0x0, v10;
	vm1 =	vnez.u8 v62;
	(xrf2) =	vadd.scan.msk.f32 $0xffff, v9  }
0x1d8: {  	v8 =	vnsel vm1, $0x0, v8;
	(xrf2) =	vadd.scan.msk.f32 $0xffff, v61  }
0x1d9: {  	(xrf2) =	vadd.scan.msk.f32 $0xffff, v8;
	_ =	sdelay $0x7  }
0x1da: {  	v8, _, _ =	vpop (xrf2)  }
0x1db: {  	v63, _, _ =	vpop (xrf2);
	(v2sf) =	vpush v8, $0xF  }
0x1dc: {  	(v2sf) =	vpush v63, $0xF;
	v8, _, _ =	vpop (xrf2)  }
0x1dd: {  	(v2sf) =	vpush v8, $0xF;
	_ =	sdelay $0xa  }
0x1de: {  	s9 =	scvt.s32.f32 s2;
	_ =	sdelay $0x1  }
0x1df: {  	p0 =	sne.s32 s15, $0x1;
	s4 =	sadd.f32 s9, s4;
	s0 =	spop (v2sf)  }
.Ltmp28:
0x1e0: {  	s2 =	spop (v2sf);
	(pc) =	sbr.rel @p0 .LBB2_44-.Ltmp28, $4  }
0x1e1: {  	s31 =	spop (v2sf)  }
0x1e2: {  	s9 =	smul.f32 s4, s31  }
0x1e3: {  	[tilespmem:s8+$0xFFFFFFD0] =	vst v1;
	s10 =	scvt.f32.s32 s4  }
0x1e4: {  	[tilespmem:$0xA780] =	vst v1;
	s30 =	sadd.f32 s9, s13;
	s9 =	smul.f32 $1.024000000e+03, s16  }
0x1e5: {  	s7 =	sshll.u32 s7, $0x7  }
0x1e6: {  	p0 =	slt.s32 s7, $0x1  }
.Ltmp29:
0x1e7: {  	_ = 	snop;
	(pc) =	sbr.rel @p0 .LBB2_60-.Ltmp29, $1  }
0x1e8: {  	_ =	sdelay $0x3  }
0x1e9: {  	s8 =	simm.s32 $0x1FC0  }
0x1ea: {  	v11 =	vld [tilespmem:s8+$0x30]  }
0x1eb: {  	v15 =	vmov s6;
	v9 =	vmov s10;
	v16 =	vmov s30;
	s4 =	simm.s32 $0x10;
	s15 =	simm.s32 $0x60;
	v8 =	vld [tilespmem:s8+$0xFFFFFFF0]  }
0x1ec: {  	v12 =	vmov s9;
	s16 =	simm.s32 $0x20;
	s17 =	simm.s32 $0x50;
	s18 =	simm.s32 $0x40;
	v18 =	vor.u32 s4, v2;
	v14 =	vld [tilespmem:s8+$0xFFFFFFC0];
	v19 =	vor.u32 s15, v2  }
0x1ed: {  	s19 =	simm.s32 $0x30;
	s24 =	simm.s32 $0x0;
	s25 =	simm.s32 $0x70;
	v17 =	vor.u32 s16, v2;
	v20 =	vld [tilespmem:s8+$0x10];
	v13 =	vor.u32 s17, v2;
	v21 =	vor.u32 s18, v2  }
0x1ee: {  	v23 =	vor.u32 s19, v2;
	v25 =	vor.u32 s24, v2;
	v31 =	vor.u32 s25, v2  }
0x1ef: {  	vm6 =	vlt.s32 v13, v15;
	v13 =	vld [tilespmem:s8+$0x20];
	vm8 =	vlt.s32 v17, v15;
	vm9 =	vlt.s32 v19, v15  }
0x1f0: {  	v17 =	vld [tilespmem:s8+$0xFFFFFFE0];
	vm11 =	vlt.s32 v31, v15;
	vm3 =	vlt.s32 v25, v15;
	v10 =	vsub.f32 v11, v6  }
0x1f1: {  	vm2 =	vlt.s32 v18, v15;
	v24 =	vsub.f32 v11, v16;
	v26 =	vsub.f32 v8, v16  }
0x1f2: {  	vm12 =	vlt.s32 v21, v15;
	v27 =	vsub.f32 v14, v6;
	v28 =	vsub.f32 v20, v16  }
0x1f3: {  	vm5 =	vlt.s32 v23, v15;
	v19 =	vsub.f32 v20, v6;
	v18 =	vsub.f32 v8, v6  }
0x1f4: {  	v29 =	vsub.f32 v13, v6;
	v22 =	vmul.f32 v10, v7;
	v24 =	vmul.f32 v24, v12  }
0x1f5: {  	v31 =	vsub.f32 v17, v6;
	v19 =	vmul.f32 v19, v7;
	v28 =	vmul.f32 v28, v12  }
0x1f6: {  	v63 =	vsub.f32 v14, v16;
	v26 =	vmul.f32 v26, v12;
	v18 =	vmul.f32 v18, v7  }
0x1f7: {  	v30 =	vsub.f32 v13, v16;
	v29 =	vmul.f32 v29, v7;
	v31 =	vmul.f32 v31, v7  }
0x1f8: {  	v10 =	vld [tilespmem:s8+$0x0];
	v22 =	vmax.f32 v22, $0.0e+00;
	v24 =	vmax.f32 v24, $0.0e+00;
	v19 =	vmax.f32 v19, $0.0e+00  }
0x1f9: {  	v26 =	vmax.f32 v26, $0.0e+00;
	v28 =	vmax.f32 v28, $0.0e+00;
	v18 =	vmax.f32 v18, $0.0e+00  }
0x1fa: {  	v22 =	vmin.f32 v22, $1.023000000e+03;
	v19 =	vmin.f32 v19, $1.023000000e+03;
	v29 =	vmax.f32 v29, $0.0e+00  }
0x1fb: {  	v24 =	vmin.f32 v24, $1.023000000e+03;
	v26 =	vmin.f32 v26, $1.023000000e+03;
	v28 =	vmin.f32 v28, $1.023000000e+03  }
0x1fc: {  	v18 =	vmin.f32 v18, $1.023000000e+03;
	v22 =	vtrunc.f32 v22;
	v29 =	vmin.f32 v29, $1.023000000e+03  }
0x1fd: {  	v24 =	vtrunc.f32 v24;
	v32 =	vsub.f32 v10, v6;
	v23 =	vtrunc.f32 v29  }
0x1fe: {  	v25 =	vsub.f32 v10, v16;
	v29 =	vtrunc.f32 v19;
	v19 =	vcvt.f32.s32 v24  }
0x1ff: {  	v24 =	vmax.f32 v31, $0.0e+00;
	v31 =	vsub.f32 v17, v16;
	v21 =	vmul.f32 v32, v7  }
0x200: {  	v22 =	vcvt.f32.s32 v22;
	v24 =	vmin.f32 v24, $1.023000000e+03;
	v25 =	vmul.f32 v25, v12  }
0x201: {  	v31 =	vmul.f32 v31, v12;
	v24 =	vtrunc.f32 v24;
	v21 =	vmax.f32 v21, $0.0e+00  }
0x202: {  	vm13 =	vlt.s32 v9, v22;
	vm7 =	veq.s32 v9, v22;
	v21 =	vmin.f32 v21, $1.023000000e+03  }
0x203: {  	v24 =	vcvt.f32.s32 v24;
	vm7 =	vmand vm11, vm7;
	v21 =	vtrunc.f32 v21  }
0x204: {  	v22 =	vmax.f32 v25, $0.0e+00;
	v33 =	vcvt.f32.s32 v21;
	v21 =	vcvt.f32.s32 v29  }
0x205: {  	v22 =	vmin.f32 v22, $1.023000000e+03;
	v29 =	vcvt.f32.s32 v23;
	v23 =	vtrunc.f32 v28  }
0x206: {  	v34 =	vcvt.f32.s32 v23;
	v23 =	vmax.f32 v31, $0.0e+00;
	vm1 =	veq.s32 v9, v33  }
0x207: {  	vm10 =	veq.s32 v9, v21;
	vm15 =	veq.s32 v9, v29;
	v23 =	vmin.f32 v23, $1.023000000e+03  }
0x208: {  	vm4 =	vmand vm12, vm1;
	vm1 =	vlt.s32 v9, v21;
	v21 =	vtrunc.f32 v26  }
0x209: {  	v26 =	vtrunc.f32 v18;
	v23 =	vtrunc.f32 v23;
	vm14 =	vmand vm6, vm1  }
0x20a: {  	vm1 =	vmand vm6, vm10;
	v25 =	vcvt.f32.s32 v23;
	v23 =	vtrunc.f32 v22  }
0x20b: {  	v18 =	vld [tilespmem:s8+$0xFFFFFFD0];
	vm6 =	veq.s32 v9, v24;
	v26 =	vcvt.f32.s32 v26;
	v22 =	vmul.f32 v30, v12  }
0x20c: {  	vm10 =	vmand vm8, vm6;
	v28 =	vnsel vm14, $0x0, v20;
	vm14 =	vlt.s32 v9, v24  }
0x20d: {  	p0 =	sgt.s32 s7, $0x8;
	vm6 =	vlt.s32 v9, v33;
	v24 =	vmul.f32 v27, v7;
	vm8 =	vmand vm8, vm14  }
.Ltmp30:
0x20e: {  	vm6 =	vmand vm12, vm6;
	[tilespmem:v2+s22+$0x0] =	vst.idx.add.f32.msk $0xffff, v28;
	vm14 =	vlt.s32 v9, v29;
	v31 =	vnsel vm8, $0x0, v17;
	(pc) =	sbr.rel @!p0 .LBB2_28-.Ltmp30, $4  }
0x20f: {  	v28 =	vmul.f32 v63, v12;
	vm12 =	vlt.s32 v9, v26;
	vm8 =	vmand vm9, vm15;
	[tilespmem:v2+s22+$0x0] =	vst.idx.add.f32.msk $0xffff, v31  }
0x210: {  	v29 =	vmax.f32 v24, $0.0e+00;
	vm15 =	veq.s32 v9, v26;
	v27 =	vsub.f32 v18, v6;
	[tilespmem:v34+s20+$0x0] =	vst.idx.add.f32.msk vm1, v3  }
0x211: {  	v24 =	vsub.f32 v18, v16;
	[tilespmem:v34+s23+$0x0] =	vst.idx.add.f32.msk vm1, v20;
	vm1 =	vmand vm9, vm14;
	vm9 =	vmand vm11, vm13  }
0x212: {  	s6 =	simm.s32 $0x8;
	s9 =	simm.s32 $0x2040;
	s8 =	simm.s32 $0xF0;
	v27 =	vmul.f32 v27, v7;
	[tilespmem:v25+s20+$0x0] =	vst.idx.add.f32.msk vm10, v3;
	v26 =	vnsel vm1, $0x0, v13;
	v20 =	vnsel vm9, $0x0, v11  }
.LBB2_27:
0x213: {  	s4 =	sadd.s32 $0xFFFFFF90, s8;
	s10 =	sadd.s32 $0xFFFFFFA0, s8;
	s11 =	sadd.s32 $0xFFFFFFF0, s8;
	v29 =	vmin.f32 v29, $1.023000000e+03;
	v28 =	vmax.f32 v28, $0.0e+00;
	vm11 =	vmand vm5, vm15;
	[tilespmem:v2+s22+$0x0] =	vst.idx.add.f32.msk $0xffff, v20  }
0x214: {  	s12 =	sadd.s32 $0xFFFFFFD0, s8;
	s6 =	sadd.s32 $0x8, s6;
	v30 =	vor.u32 s10, v2;
	s10 =	sadd.s32 $0xFFFFFFB0, s8;
	v31 =	vor.u32 s11, v2;
	v29 =	vtrunc.f32 v29  }
0x215: {  	vm5 =	vmand vm5, vm12;
	v33 =	vor.u32 s12, v2;
	p0 =	slt.s32 s6, s7;
	v32 =	vor.u32 s10, v2;
	v34 =	vld [tilespmem:s9+$0x30]  }
0x216: {  	v35 =	vcvt.f32.s32 v23;
	v28 =	vmin.f32 v28, $1.023000000e+03;
	v29 =	vcvt.f32.s32 v29;
	v20 =	vld [tilespmem:s9+$0x10]  }
0x217: {  	v24 =	vmul.f32 v24, v12;
	v27 =	vmax.f32 v27, $0.0e+00;
	s10 =	sadd.s32 $0xFFFFFFE0, s8;
	v28 =	vtrunc.f32 v28;
	v23 =	vld [tilespmem:s9+$0xFFFFFFF0]  }
0x218: {  	v27 =	vmin.f32 v27, $1.023000000e+03;
	v36 =	vor.u32 s10, v2;
	vm1 =	veq.s32 v9, v29;
	[tilespmem:v2+s22+$0x0] =	vst.idx.add.f32.msk $0xffff, v26  }
0x219: {  	s10 =	sadd.s32 $0xFFFFFFC0, s8;
	vm12 =	vlt.s32 v36, v15;
	vm9 =	vlt.s32 v9, v29;
	vm14 =	vmand vm3, vm1;
	v26 =	vld [tilespmem:s9+$0x0]  }
0x21a: {  	v29 =	vor.u32 s10, v2;
	vm1 =	vmand vm3, vm9;
	v36 =	vsub.f32 v34, v6;
	[tilespmem:v19+s20+$0x0] =	vst.idx.add.f32.msk vm7, v3  }
0x21b: {  	v28 =	vcvt.f32.s32 v28;
	v37 =	vnsel vm1, $0x0, v14;
	[tilespmem:v25+s23+$0x0] =	vst.idx.add.f32.msk vm10, v17;
	v17 =	vmax.f32 v22, $0.0e+00  }
0x21c: {  	v21 =	vcvt.f32.s32 v21;
	vm9 =	vlt.s32 v32, v15;
	v22 =	vtrunc.f32 v27;
	v25 =	vld [tilespmem:s9+$0xFFFFFFC0]  }
0x21d: {  	v27 =	vor.u32 s4, v2;
	v36 =	vmul.f32 v36, v7;
	v17 =	vmin.f32 v17, $1.023000000e+03;
	v32 =	vld [tilespmem:s9+$0xFFFFFFD0]  }
0x21e: {  	v39 =	vcvt.f32.s32 v22;
	v22 =	vmax.f32 v24, $0.0e+00;
	v24 =	vtrunc.f32 v17;
	v38 =	vld [tilespmem:s9+$0x20]  }
0x21f: {  	v40 =	vsub.f32 v23, v16;
	v41 =	vmin.f32 v22, $1.023000000e+03;
	v36 =	vmax.f32 v36, $0.0e+00;
	v17 =	vld [tilespmem:s9+$0xFFFFFFE0]  }
0x220: {  	v42 =	vsub.f32 v34, v16;
	v43 =	vcvt.f32.s32 v24;
	v36 =	vmin.f32 v36, $1.023000000e+03;
	[tilespmem:v19+s23+$0x0] =	vst.idx.add.f32.msk vm7, v11;
	v11 =	vmovc v34  }
0x221: {  	vm1 =	veq.s32 v9, v39;
	v19 =	vtrunc.f32 v41;
	v22 =	vsub.f32 v25, v6;
	[tilespmem:v2+s22+$0x0] =	vst.idx.add.f32.msk $0xffff, v37  }
0x222: {  	vm3 =	vlt.s32 v9, v39;
	v34 =	vmul.f32 v42, v12;
	v37 =	vcvt.f32.s32 v19;
	[tilespmem:v28+s20+$0x0] =	vst.idx.add.f32.msk vm14, v3  }
0x223: {  	vm13 =	vlt.s32 v31, v15;
	v19 =	vsub.f32 v20, v16;
	v31 =	vsub.f32 v38, v6  }
0x224: {  	v39 =	vsub.f32 v20, v6;
	v41 =	vor.u32 s8, v2;
	v24 =	vsub.f32 v38, v16;
	[tilespmem:v28+s23+$0x0] =	vst.idx.add.f32.msk vm14, v14  }
0x225: {  	vm3 =	vmand vm2, vm3;
	v28 =	vsub.f32 v26, v6;
	vm14 =	vlt.s32 v41, v15;
	v14 =	vmovc v25  }
0x226: {  	v39 =	vmul.f32 v39, v7;
	v25 =	vsub.f32 v17, v6;
	v41 =	vnsel vm3, $0x0, v18;
	[tilespmem:v43+s20+$0x0] =	vst.idx.add.f32.msk vm8, v3  }
0x227: {  	vm1 =	vmand vm2, vm1;
	vm3 =	vlt.s32 v27, v15;
	v27 =	vmax.f32 v34, $0.0e+00;
	[tilespmem:v2+s22+$0x0] =	vst.idx.add.f32.msk $0xffff, v41  }
0x228: {  	v39 =	vmax.f32 v39, $0.0e+00;
	v19 =	vmul.f32 v19, v12;
	v34 =	vsub.f32 v26, v16;
	[tilespmem:v43+s23+$0x0] =	vst.idx.add.f32.msk vm8, v13  }
0x229: {  	vm2 =	vlt.s32 v30, v15;
	v30 =	vsub.f32 v23, v6;
	v41 =	vnsel vm6, $0x0, v10;
	v13 =	vmovc v38  }
0x22a: {  	v31 =	vmul.f32 v31, v7;
	vm6 =	vlt.s32 v33, v15;
	v33 =	vnsel vm5, $0x0, v8;
	[tilespmem:v2+s22+$0x0] =	vst.idx.add.f32.msk $0xffff, v41  }
0x22b: {  	v36 =	vtrunc.f32 v36;
	v28 =	vmul.f32 v28, v7;
	v38 =	vmin.f32 v39, $1.023000000e+03;
	[tilespmem:v35+s20+$0x0] =	vst.idx.add.f32.msk vm4, v3  }
0x22c: {  	v25 =	vmul.f32 v25, v7;
	v31 =	vmax.f32 v31, $0.0e+00;
	v39 =	vmul.f32 v40, v12;
	[tilespmem:v2+s22+$0x0] =	vst.idx.add.f32.msk $0xffff, v33  }
0x22d: {  	v27 =	vmin.f32 v27, $1.023000000e+03;
	vm5 =	vlt.s32 v29, v15;
	v29 =	vmin.f32 v31, $1.023000000e+03;
	[tilespmem:v35+s23+$0x0] =	vst.idx.add.f32.msk vm4, v10;
	v10 =	vmovc v26  }
0x22e: {  	v27 =	vtrunc.f32 v27;
	v29 =	vtrunc.f32 v29;
	v26 =	vmax.f32 v39, $0.0e+00;
	[tilespmem:v21+s20+$0x0] =	vst.idx.add.f32.msk vm11, v3  }
0x22f: {  	v30 =	vmul.f32 v30, v7;
	v31 =	vtrunc.f32 v38;
	v33 =	vmax.f32 v19, $0.0e+00;
	[tilespmem:v37+s20+$0x0] =	vst.idx.add.f32.msk vm1, v3  }
0x230: {  	v28 =	vmax.f32 v28, $0.0e+00;
	v19 =	vcvt.f32.s32 v27;
	v35 =	vsub.f32 v14, v16;
	[tilespmem:v37+s23+$0x0] =	vst.idx.add.f32.msk vm1, v18;
	v18 =	vmovc v32  }
0x231: {  	v25 =	vmax.f32 v25, $0.0e+00;
	v27 =	vsub.f32 v17, v16;
	v32 =	vmul.f32 v34, v12;
	[tilespmem:v21+s23+$0x0] =	vst.idx.add.f32.msk vm11, v8  }
0x232: {  	v21 =	vmin.f32 v25, $1.023000000e+03;
	v25 =	vmin.f32 v26, $1.023000000e+03;
	v26 =	vmin.f32 v28, $1.023000000e+03;
	v8 =	vmovc v23  }
0x233: {  	v23 =	vmul.f32 v27, v12;
	v27 =	vcvt.f32.s32 v36  }
0x234: {  	v28 =	vmin.f32 v33, $1.023000000e+03;
	v21 =	vtrunc.f32 v21;
	v26 =	vtrunc.f32 v26  }
0x235: {  	v33 =	vcvt.f32.s32 v21;
	v26 =	vcvt.f32.s32 v26;
	vm11 =	vlt.s32 v9, v27  }
0x236: {  	v29 =	vcvt.f32.s32 v29;
	v21 =	vcvt.f32.s32 v31;
	vm7 =	veq.s32 v9, v27  }
0x237: {  	v28 =	vtrunc.f32 v28;
	v27 =	vmax.f32 v32, $0.0e+00;
	vm1 =	veq.s32 v9, v26  }
0x238: {  	vm8 =	veq.s32 v9, v21;
	vm4 =	vmand vm6, vm1;
	vm1 =	vlt.s32 v9, v21  }
0x239: {  	vm7 =	vmand vm14, vm7;
	vm15 =	vmand vm12, vm1;
	vm1 =	vmand vm12, vm8  }
0x23a: {  	v21 =	vmax.f32 v30, $0.0e+00;
	v30 =	vcvt.f32.s32 v28;
	vm8 =	veq.s32 v9, v33  }
0x23b: {  	v28 =	vmin.f32 v21, $1.023000000e+03;
	v21 =	vtrunc.f32 v25;
	vm12 =	veq.s32 v9, v29  }
0x23c: {  	v23 =	vmax.f32 v23, $0.0e+00;
	vm10 =	vmand vm9, vm8;
	v28 =	vtrunc.f32 v28  }
0x23d: {  	v23 =	vmin.f32 v23, $1.023000000e+03;
	vm8 =	vlt.s32 v9, v26;
	v25 =	vnsel vm15, $0x0, v20  }
0x23e: {  	v23 =	vtrunc.f32 v23;
	vm15 =	vlt.s32 v9, v33;
	vm6 =	vmand vm6, vm8;
	[tilespmem:v2+s22+$0x0] =	vst.idx.add.f32.msk $0xffff, v25  }
0x23f: {  	vm8 =	vmand vm9, vm15;
	v25 =	vcvt.f32.s32 v23;
	v23 =	vmin.f32 v27, $1.023000000e+03  }
0x240: {  	vm9 =	vlt.s32 v9, v29;
	v26 =	vnsel vm8, $0x0, v17;
	v23 =	vtrunc.f32 v23;
	[tilespmem:v30+s20+$0x0] =	vst.idx.add.f32.msk vm1, v3  }
.Ltmp31:
0x241: {  	v31 =	vcvt.f32.s32 v28;
	vm8 =	vmand vm13, vm12;
	v27 =	vmul.f32 v22, v7;
	(pc) =	sbr.rel @p0 .LBB2_27-.Ltmp31, $4  }
0x242: {  	v32 =	vsub.f32 v18, v6;
	v28 =	vmul.f32 v35, v12;
	v22 =	vmul.f32 v24, v12  }
0x243: {  	vm12 =	vlt.s32 v9, v31;
	v24 =	vsub.f32 v18, v16;
	v29 =	vmax.f32 v27, $0.0e+00;
	[tilespmem:v2+s22+$0x0] =	vst.idx.add.f32.msk $0xffff, v26  }
0x244: {  	vm15 =	veq.s32 v9, v31;
	[tilespmem:v30+s23+$0x0] =	vst.idx.add.f32.msk vm1, v20;
	vm1 =	vmand vm13, vm9;
	vm9 =	vmand vm14, vm11  }
0x245: {  	s9 =	sadd.s32 $0x80, s9;
	s8 =	sadd.s32 $0x80, s8;
	v27 =	vmul.f32 v32, v7;
	[tilespmem:v25+s20+$0x0] =	vst.idx.add.f32.msk vm10, v3;
	v26 =	vnsel vm1, $0x0, v13;
	v20 =	vnsel vm9, $0x0, v11  }
.LBB2_28:
0x246: {  	v6 =	vmin.f32 v29, $1.023000000e+03  }
0x247: {  	v7 =	vmax.f32 v28, $0.0e+00;
	v15 =	vmax.f32 v22, $0.0e+00;
	v6 =	vtrunc.f32 v6  }
0x248: {  	v7 =	vmin.f32 v7, $1.023000000e+03;
	v15 =	vmin.f32 v15, $1.023000000e+03;
	v6 =	vcvt.f32.s32 v6  }
0x249: {  	v7 =	vtrunc.f32 v7;
	v15 =	vtrunc.f32 v15  }
0x24a: {  	[tilespmem:v2+s22+$0x0] =	vst.idx.add.f32.msk $0xffff, v20;
	vm1 =	veq.s32 v9, v6;
	vm9 =	vlt.s32 v9, v6;
	v6 =	vcvt.f32.s32 v15  }
0x24b: {  	[tilespmem:v2+s22+$0x0] =	vst.idx.add.f32.msk $0xffff, v26;
	v7 =	vcvt.f32.s32 v7;
	vm1 =	vmand vm3, vm1  }
0x24c: {  	[tilespmem:v25+s23+$0x0] =	vst.idx.add.f32.msk vm10, v17  }
0x24d: {  	v16 =	vmax.f32 v27, $0.0e+00;
	[tilespmem:v19+s20+$0x0] =	vst.idx.add.f32.msk vm7, v3;
	vm3 =	vmand vm3, vm9  }
0x24e: {  	v16 =	vmin.f32 v16, $1.023000000e+03;
	[tilespmem:v19+s23+$0x0] =	vst.idx.add.f32.msk vm7, v11;
	v59 =	vnsel vm3, $0x0, v14  }
0x24f: {  	v61 =	vcvt.f32.s32 v23;
	v58 =	vtrunc.f32 v16;
	[tilespmem:v2+s22+$0x0] =	vst.idx.add.f32.msk $0xffff, v59  }
0x250: {  	v60 =	vmul.f32 v24, v12;
	v15 =	vcvt.f32.s32 v58;
	[tilespmem:v6+s20+$0x0] =	vst.idx.add.f32.msk vm8, v3  }
0x251: {  	v63 =	vcvt.f32.s32 v21;
	[tilespmem:v7+s20+$0x0] =	vst.idx.add.f32.msk vm1, v3  }
0x252: {  	v11 =	vmax.f32 v60, $0.0e+00;
	vm3 =	vlt.s32 v9, v15;
	[tilespmem:v6+s23+$0x0] =	vst.idx.add.f32.msk vm8, v13;
	v6 =	vnsel vm6, $0x0, v10  }
0x253: {  	[tilespmem:v7+s23+$0x0] =	vst.idx.add.f32.msk vm1, v14;
	vm1 =	vmand vm2, vm3;
	vm3 =	vmand vm5, vm15;
	v7 =	vmin.f32 v11, $1.023000000e+03  }
0x254: {  	[tilespmem:v2+s22+$0x0] =	vst.idx.add.f32.msk $0xffff, v6;
	v62 =	vnsel vm1, $0x0, v18;
	vm1 =	veq.s32 v9, v15;
	v7 =	vtrunc.f32 v7  }
0x255: {  	[tilespmem:v61+s20+$0x0] =	vst.idx.add.f32.msk vm4, v3;
	v7 =	vcvt.f32.s32 v7;
	vm1 =	vmand vm2, vm1  }
0x256: {  	[tilespmem:v2+s22+$0x0] =	vst.idx.add.f32.msk $0xffff, v62;
	vm2 =	vmand vm5, vm12  }
0x257: {  	[tilespmem:v61+s23+$0x0] =	vst.idx.add.f32.msk vm4, v10;
	v6 =	vnsel vm2, $0x0, v8  }
.Ltmp32:
0x258: {  	[tilespmem:v2+s22+$0x0] =	vst.idx.add.f32.msk $0xffff, v6;
	(pc) =	sbr.rel .LBB2_60-.Ltmp32, $4  }
0x259: {  	[tilespmem:v63+s20+$0x0] =	vst.idx.add.f32.msk vm3, v3  }
0x25a: {  	[tilespmem:v63+s23+$0x0] =	vst.idx.add.f32.msk vm3, v8  }
0x25b: {  	[tilespmem:v7+s20+$0x0] =	vst.idx.add.f32.msk vm1, v3  }
0x25c: {  	[tilespmem:v7+s23+$0x0] =	vst.idx.add.f32.msk vm1, v18  }
.LBB2_44:
0x25d: {  	p0 =	slt.s32 s15, $0x2  }
.Ltmp33:
0x25e: {  	_ = 	snop;
	(pc) =	sbr.rel @p0 .LBB2_60-.Ltmp33, $1  }
0x25f: {  	_ =	sdelay $0x3  }
.Ltmp34:
0x260: {  	(pc) =	sbr.rel .LBB2_46-.Ltmp34, $3  }
0x261: {  	_ =	sdelay $0x1  }
0x262: {  	v8 =	vmov s6;
	s16 =	simm.s32 $0x0  }
0x263: {  	v9 =	vmov s10;
	v10 =	vmov s30;
	v11 =	vmov s9;
	s17 =	simm.s32 $0x1C00;
	s6 =	simm.s32 $0x70;
	s13 =	smov.u32 s7  }
.LBB2_58:
0x264: {  	_ = 	snop  }
0x265: {  	v29 =	vmin.f32 v29, $1.023000000e+03  }
0x266: {  	v29 =	vtrunc.f32 v29  }
0x267: {  	v28 =	vmax.f32 v28, $0.0e+00;
	v29 =	vcvt.f32.s32 v29  }
0x268: {  	[tilespmem:v2+s22+$0x0] =	vst.idx.add.f32.msk $0xffff, v20;
	v59 =	vcvt.f32.s32 v23;
	v28 =	vmin.f32 v28, $1.023000000e+03  }
0x269: {  	[tilespmem:v2+s22+$0x0] =	vst.idx.add.f32.msk $0xffff, v26;
	v28 =	vtrunc.f32 v28;
	vm1 =	veq.s32 v9, v29  }
0x26a: {  	v22 =	vmax.f32 v22, $0.0e+00;
	[tilespmem:v25+s23+$0x0] =	vst.idx.add.f32.msk vm10, v17;
	v54 =	vcvt.f32.s32 v28;
	vm1 =	vmand vm3, vm1  }
0x26b: {  	v27 =	vmax.f32 v27, $0.0e+00;
	v62 =	vnsel vm6, $0x0, v13;
	v22 =	vmin.f32 v22, $1.023000000e+03;
	[tilespmem:v19+s20+$0x0] =	vst.idx.add.f32.msk vm7, v3  }
0x26c: {  	v55 =	vmin.f32 v27, $1.023000000e+03;
	[tilespmem:v2+s22+$0x0] =	vst.idx.add.f32.msk $0xffff, v62;
	v22 =	vtrunc.f32 v22;
	vm9 =	vlt.s32 v9, v29  }
0x26d: {  	v56 =	vtrunc.f32 v55;
	[tilespmem:v19+s23+$0x0] =	vst.idx.add.f32.msk vm7, v14;
	v22 =	vcvt.f32.s32 v22;
	vm3 =	vmand vm3, vm9  }
0x26e: {  	v58 =	vmul.f32 v24, v11;
	v17 =	vcvt.f32.s32 v56;
	v57 =	vnsel vm3, $0x0, v16;
	[tilespmem:v59+s20+$0x0] =	vst.idx.add.f32.msk vm4, v3  }
0x26f: {  	[tilespmem:v2+s22+$0x0] =	vst.idx.add.f32.msk $0xffff, v57  }
0x270: {  	v61 =	vcvt.f32.s32 v21;
	v14 =	vmax.f32 v58, $0.0e+00;
	vm3 =	vlt.s32 v9, v17;
	[tilespmem:v54+s20+$0x0] =	vst.idx.add.f32.msk vm1, v3  }
0x271: {  	v14 =	vmin.f32 v14, $1.023000000e+03;
	[tilespmem:v54+s23+$0x0] =	vst.idx.add.f32.msk vm1, v16;
	vm1 =	vmand vm2, vm3;
	vm3 =	vmand vm5, vm15  }
0x272: {  	v14 =	vtrunc.f32 v14;
	[tilespmem:v59+s23+$0x0] =	vst.idx.add.f32.msk vm4, v13;
	v60 =	vnsel vm1, $0x0, v18;
	vm1 =	veq.s32 v9, v17  }
0x273: {  	v14 =	vcvt.f32.s32 v14;
	[tilespmem:v22+s20+$0x0] =	vst.idx.add.f32.msk vm8, v3;
	vm1 =	vmand vm2, vm1  }
0x274: {  	[tilespmem:v22+s23+$0x0] =	vst.idx.add.f32.msk vm8, v15;
	vm2 =	vmand vm5, vm12  }
0x275: {  	[tilespmem:v2+s22+$0x0] =	vst.idx.add.f32.msk $0xffff, v60;
	v63 =	vnsel vm2, $0x0, v12  }
0x276: {  	[tilespmem:v2+s22+$0x0] =	vst.idx.add.f32.msk $0xffff, v63  }
0x277: {  	[tilespmem:v61+s20+$0x0] =	vst.idx.add.f32.msk vm3, v3  }
0x278: {  	[tilespmem:v61+s23+$0x0] =	vst.idx.add.f32.msk vm3, v12  }
0x279: {  	[tilespmem:v14+s20+$0x0] =	vst.idx.add.f32.msk vm1, v3  }
0x27a: {  	[tilespmem:v14+s23+$0x0] =	vst.idx.add.f32.msk vm1, v18  }
.LBB2_59:
0x27b: {  	s16 =	sadd.s32 $0x1, s16  }
0x27c: {  	p0 =	seq.s32 s16, s15  }
.Ltmp35:
0x27d: {  	_ = 	snop;
	(pc) =	sbr.rel @p0 .LBB2_60-.Ltmp35, $2  }
0x27e: {  	_ =	sdelay $0x2  }
0x27f: {  	s13 =	sadd.s32 $0xFFFFFFF0, s13;
	s17 =	sadd.s32 $0x100, s17;
	s6 =	sadd.s32 $0x8000, s6  }
.LBB2_46:
0x280: {  	s4 =	sshll.u32 s16, $0x4  }
0x281: {  	p0 =	sgt.s32 s13, $0x1;
	s9 =	smov.u32 s13;
	s8 =	ssub.s32 s7, s4  }
0x282: {  	s9 =	simm.s32 @!p0 $0x1;
	p0 =	slt.s32 s8, $0x1  }
.Ltmp36:
0x283: {  	_ = 	snop;
	(pc) =	sbr.rel @p0 .LBB2_55-.Ltmp36, $2  }
0x284: {  	_ =	sdelay $0x2  }
0x285: {  	s10 =	simm.s32 $0x1F80;
	s9 =	smin.u32 s9, $0x10  }
0x286: {  	p1 =	sne.s32 s9, $0x1  }
.Ltmp37:
0x287: {  	_ = 	snop;
	(pc) =	sbr.rel @!p1 .LBB2_48-.Ltmp37, $2  }
0x288: {  	_ =	sdelay $0x2  }
0x289: {  	v12 =	vld [tilespmem:s17+$0x0];
	s11 =	sadd.s32 $0xFFFFFFFF, s9;
	p0 =	por $0x0, $0x0  }
0x28a: {  	_ =	sdelay $0x3  }
0x28b: {  	p1 =	sne.s32 s11, $0x1  }
.Ltmp38:
0x28c: {  	_ = 	snop;
	(pc) =	sbr.rel @!p1 .LBB2_50-.Ltmp38, $4  }
0x28d: {  	_ = 	snop  }
0x28e: {  	s12 =	sadd.s32 $0x10, s17  }
0x28f: {  	[tilespmem:s10], [sflag:$0x1] =	stream.indirect_vreg.gather [hbm4b:s3+s1], $0x80, v12, vm0, $0xb8;
	[tilespmem:$0xAA80] =	vst v63  }
0x290: {  	s18 =	sadd.s32 $0xFFFFFFFF, s11;
	p0 =	por $0x1, $0x1;
	s11 =	simm.s32 $0x1F80;
	v12 =	vld [tilespmem:s12+$0x0]  }
.LBB2_51:
0x291: {  	p1 =	sne.s32 s18, $0x1;
	_ =	sdelay $0x3  }
.Ltmp39:
0x292: {  	(pc) =	sbr.rel @p1 .LBB2_51-.Ltmp39, $4  }
0x293: {  	_ = 	snop  }
0x294: {  	s12 =	sadd.s32 $0x10, s12;
	s11 =	sadd.s32 $0x800, s11  }
0x295: {  	[tilespmem:s11], [sflag:$0x1] =	stream.indirect_vreg.gather [hbm4b:s3+s1], $0x80, v12, vm0, $0xb8;
	[tilespmem:$0xAA80] =	vst v63  }
0x296: {  	s18 =	sadd.s32 $0xFFFFFFFF, s18;
	v12 =	vld [tilespmem:s12+$0x0]  }
.LBB2_52:
0x297: {  	_ =	sdelay $0x3  }
0x298: {  	s4 =	sadd.s32 @p0 $0x800, s11  }
0x299: {  	s10 =	smov.u32 @p0 s4;
	p0 =	sne.s32 s9, $0x1  }
.Ltmp40:
0x29a: {  	_ = 	snop;
	(pc) =	sbr.rel @!p0 .LBB2_54-.Ltmp40, $4  }
0x29b: {  	_ = 	snop  }
0x29c: {  	[tilespmem:s10], [sflag:$0x1] =	stream.indirect_vreg.gather [hbm4b:s3+s1], $0x80, v12, vm0, $0xb8;
	[tilespmem:$0xAA80] =	vst v63  }
0x29d: {  	_ =	swait.ge [sflag:s21], $0x800  }
0x29e: {  	s9 =	sadd.s32 $0xFFFFFFFF, s9;
	[sflag:s21] =	ssyncset.done $0x0  }
.LBB2_53:
0x29f: {  	p0 =	sne.s32 s9, $0x1;
	s9 =	sadd.s32 $0xFFFFFFFF, s9;
	[sflag:s21] =	ssyncadd.s32 $0xFFFFF800  }
.Ltmp41:
0x2a0: {  	(pc) =	sbr.rel @p0 .LBB2_53-.Ltmp41, $3  }
0x2a1: {  	_ =	sdelay $0x1  }
0x2a2: {  	_ =	swait.ge [sflag:s21], $0x800  }
0x2a3: {  	[sflag:s21] =	ssyncset.done $0x0  }
.LBB2_54:
0x2a4: {  	[sflag:s21] =	ssyncadd.s32 $0xFFFFF800  }
.LBB2_55:
0x2a5: {  	p0 =	slt.s32 s8, $0x10  }
0x2a6: {  	s8 =	simm.s32 @!p0 $0x10  }
0x2a7: {  	s8 =	sshll.u32 s8, $0x7  }
0x2a8: {  	p0 =	slt.s32 s8, $0x1  }
.Ltmp42:
0x2a9: {  	_ = 	snop;
	(pc) =	sbr.rel @p0 .LBB2_59-.Ltmp42, $1  }
0x2aa: {  	_ =	sdelay $0x3  }
0x2ab: {  	s9 =	simm.s32 $0x1FC0  }
0x2ac: {  	v14 =	vld [tilespmem:s9+$0x30]  }
0x2ad: {  	s4 =	sadd.s32 $0xFFFFFFA0, s6;
	v12 =	vld [tilespmem:s9+$0xFFFFFFF0]  }
0x2ae: {  	s10 =	sadd.s32 $0xFFFFFFF0, s6;
	s19 =	sadd.s32 $0xFFFFFFB0, s6;
	s11 =	sadd.s32 $0xFFFFFFE0, s6;
	v31 =	vor.u32 s6, v2;
	v18 =	vor.u32 s4, v2;
	v16 =	vld [tilespmem:s9+$0xFFFFFFC0]  }
0x2af: {  	s12 =	sadd.s32 $0xFFFFFFD0, s6;
	s24 =	sadd.s32 $0xFFFFFFC0, s6;
	s25 =	sadd.s32 $0xFFFFFF90, s6;
	v19 =	vor.u32 s10, v2;
	v17 =	vor.u32 s19, v2;
	v20 =	vld [tilespmem:s9+$0x10];
	v15 =	vor.u32 s11, v2  }
0x2b0: {  	v21 =	vor.u32 s12, v2;
	v23 =	vor.u32 s24, v2;
	v25 =	vor.u32 s25, v2  }
0x2b1: {  	vm11 =	vlt.s32 v31, v8;
	vm6 =	vlt.s32 v15, v8;
	v15 =	vld [tilespmem:s9+$0x20];
	vm8 =	vlt.s32 v17, v8  }
0x2b2: {  	v17 =	vld [tilespmem:s9+$0xFFFFFFE0];
	vm9 =	vlt.s32 v19, v8;
	vm3 =	vlt.s32 v25, v8;
	v13 =	vsub.f32 v14, v6  }
0x2b3: {  	vm2 =	vlt.s32 v18, v8;
	v24 =	vsub.f32 v14, v10;
	v26 =	vsub.f32 v12, v10  }
0x2b4: {  	vm12 =	vlt.s32 v21, v8;
	v27 =	vsub.f32 v16, v6;
	v28 =	vsub.f32 v20, v10  }
0x2b5: {  	vm5 =	vlt.s32 v23, v8;
	v19 =	vsub.f32 v20, v6;
	v18 =	vsub.f32 v12, v6  }
0x2b6: {  	v29 =	vsub.f32 v15, v6;
	v22 =	vmul.f32 v13, v7;
	v24 =	vmul.f32 v24, v11  }
0x2b7: {  	v31 =	vsub.f32 v17, v6;
	v19 =	vmul.f32 v19, v7;
	v28 =	vmul.f32 v28, v11  }
0x2b8: {  	v63 =	vsub.f32 v16, v10;
	v26 =	vmul.f32 v26, v11;
	v18 =	vmul.f32 v18, v7  }
0x2b9: {  	v30 =	vsub.f32 v15, v10;
	v29 =	vmul.f32 v29, v7;
	v31 =	vmul.f32 v31, v7  }
0x2ba: {  	v13 =	vld [tilespmem:s9+$0x0];
	v22 =	vmax.f32 v22, $0.0e+00;
	v24 =	vmax.f32 v24, $0.0e+00;
	v19 =	vmax.f32 v19, $0.0e+00  }
0x2bb: {  	v26 =	vmax.f32 v26, $0.0e+00;
	v28 =	vmax.f32 v28, $0.0e+00;
	v18 =	vmax.f32 v18, $0.0e+00  }
0x2bc: {  	v22 =	vmin.f32 v22, $1.023000000e+03;
	v19 =	vmin.f32 v19, $1.023000000e+03;
	v29 =	vmax.f32 v29, $0.0e+00  }
0x2bd: {  	v24 =	vmin.f32 v24, $1.023000000e+03;
	v26 =	vmin.f32 v26, $1.023000000e+03;
	v28 =	vmin.f32 v28, $1.023000000e+03  }
0x2be: {  	v18 =	vmin.f32 v18, $1.023000000e+03;
	v22 =	vtrunc.f32 v22;
	v29 =	vmin.f32 v29, $1.023000000e+03  }
0x2bf: {  	v24 =	vtrunc.f32 v24;
	v32 =	vsub.f32 v13, v6;
	v23 =	vtrunc.f32 v29  }
0x2c0: {  	v25 =	vsub.f32 v13, v10;
	v29 =	vtrunc.f32 v19;
	v19 =	vcvt.f32.s32 v24  }
0x2c1: {  	v24 =	vmax.f32 v31, $0.0e+00;
	v31 =	vsub.f32 v17, v10;
	v21 =	vmul.f32 v32, v7  }
0x2c2: {  	v22 =	vcvt.f32.s32 v22;
	v24 =	vmin.f32 v24, $1.023000000e+03;
	v25 =	vmul.f32 v25, v11  }
0x2c3: {  	v31 =	vmul.f32 v31, v11;
	v24 =	vtrunc.f32 v24;
	v21 =	vmax.f32 v21, $0.0e+00  }
0x2c4: {  	vm13 =	vlt.s32 v9, v22;
	vm7 =	veq.s32 v9, v22;
	v21 =	vmin.f32 v21, $1.023000000e+03  }
0x2c5: {  	v24 =	vcvt.f32.s32 v24;
	vm7 =	vmand vm11, vm7;
	v21 =	vtrunc.f32 v21  }
0x2c6: {  	v22 =	vmax.f32 v25, $0.0e+00;
	v33 =	vcvt.f32.s32 v21;
	v21 =	vcvt.f32.s32 v29  }
0x2c7: {  	v22 =	vmin.f32 v22, $1.023000000e+03;
	v29 =	vcvt.f32.s32 v23;
	v23 =	vtrunc.f32 v28  }
0x2c8: {  	v34 =	vcvt.f32.s32 v23;
	v23 =	vmax.f32 v31, $0.0e+00;
	vm1 =	veq.s32 v9, v33  }
0x2c9: {  	vm10 =	veq.s32 v9, v21;
	vm15 =	veq.s32 v9, v29;
	v23 =	vmin.f32 v23, $1.023000000e+03  }
0x2ca: {  	vm4 =	vmand vm12, vm1;
	vm1 =	vlt.s32 v9, v21;
	v21 =	vtrunc.f32 v26  }
0x2cb: {  	v26 =	vtrunc.f32 v18;
	v23 =	vtrunc.f32 v23;
	vm14 =	vmand vm6, vm1  }
0x2cc: {  	vm1 =	vmand vm6, vm10;
	v25 =	vcvt.f32.s32 v23;
	v23 =	vtrunc.f32 v22  }
0x2cd: {  	v18 =	vld [tilespmem:s9+$0xFFFFFFD0];
	vm6 =	veq.s32 v9, v24;
	v26 =	vcvt.f32.s32 v26;
	v22 =	vmul.f32 v30, v11  }
0x2ce: {  	vm10 =	vmand vm8, vm6;
	v28 =	vnsel vm14, $0x0, v20;
	vm14 =	vlt.s32 v9, v24  }
0x2cf: {  	p0 =	sgt.s32 s8, $0x8;
	vm6 =	vlt.s32 v9, v33;
	v24 =	vmul.f32 v27, v7;
	vm8 =	vmand vm8, vm14  }
.Ltmp43:
0x2d0: {  	vm6 =	vmand vm12, vm6;
	[tilespmem:v2+s22+$0x0] =	vst.idx.add.f32.msk $0xffff, v28;
	vm14 =	vlt.s32 v9, v29;
	v31 =	vnsel vm8, $0x0, v17;
	(pc) =	sbr.rel @!p0 .LBB2_58-.Ltmp43, $4  }
0x2d1: {  	v28 =	vmul.f32 v63, v11;
	vm12 =	vlt.s32 v9, v26;
	vm8 =	vmand vm9, vm15;
	[tilespmem:v2+s22+$0x0] =	vst.idx.add.f32.msk $0xffff, v31  }
0x2d2: {  	v29 =	vmax.f32 v24, $0.0e+00;
	vm15 =	veq.s32 v9, v26;
	v27 =	vsub.f32 v18, v6;
	[tilespmem:v34+s20+$0x0] =	vst.idx.add.f32.msk vm1, v3  }
0x2d3: {  	v24 =	vsub.f32 v18, v10;
	[tilespmem:v34+s23+$0x0] =	vst.idx.add.f32.msk vm1, v20;
	vm1 =	vmand vm9, vm14;
	vm9 =	vmand vm11, vm13  }
0x2d4: {  	s10 =	sadd.s32 $0x80, s6;
	s11 =	simm.s32 $0x2040;
	s9 =	simm.s32 $0x8;
	v27 =	vmul.f32 v27, v7;
	[tilespmem:v25+s20+$0x0] =	vst.idx.add.f32.msk vm10, v3;
	v26 =	vnsel vm1, $0x0, v15;
	v20 =	vnsel vm9, $0x0, v14  }
.LBB2_57:
0x2d5: {  	s4 =	sadd.s32 $0xFFFFFF90, s10;
	s12 =	sadd.s32 $0xFFFFFFA0, s10;
	s18 =	sadd.s32 $0xFFFFFFF0, s10;
	v29 =	vmin.f32 v29, $1.023000000e+03;
	v28 =	vmax.f32 v28, $0.0e+00;
	vm11 =	vmand vm5, vm15;
	[tilespmem:v2+s22+$0x0] =	vst.idx.add.f32.msk $0xffff, v20  }
0x2d6: {  	s19 =	sadd.s32 $0xFFFFFFD0, s10;
	s9 =	sadd.s32 $0x8, s9;
	v30 =	vor.u32 s12, v2;
	s12 =	sadd.s32 $0xFFFFFFB0, s10;
	v31 =	vor.u32 s18, v2;
	v29 =	vtrunc.f32 v29  }
0x2d7: {  	vm5 =	vmand vm5, vm12;
	v33 =	vor.u32 s19, v2;
	p0 =	slt.s32 s9, s8;
	v32 =	vor.u32 s12, v2;
	v34 =	vld [tilespmem:s11+$0x30]  }
0x2d8: {  	v35 =	vcvt.f32.s32 v23;
	v28 =	vmin.f32 v28, $1.023000000e+03;
	v29 =	vcvt.f32.s32 v29;
	v20 =	vld [tilespmem:s11+$0x10]  }
0x2d9: {  	v27 =	vmax.f32 v27, $0.0e+00;
	v24 =	vmul.f32 v24, v11;
	s12 =	sadd.s32 $0xFFFFFFE0, s10;
	v28 =	vtrunc.f32 v28;
	v23 =	vld [tilespmem:s11+$0xFFFFFFF0]  }
0x2da: {  	v27 =	vmin.f32 v27, $1.023000000e+03;
	v36 =	vor.u32 s12, v2;
	vm1 =	veq.s32 v9, v29;
	[tilespmem:v2+s22+$0x0] =	vst.idx.add.f32.msk $0xffff, v26  }
0x2db: {  	s12 =	sadd.s32 $0xFFFFFFC0, s10;
	vm12 =	vlt.s32 v36, v8;
	vm9 =	vlt.s32 v9, v29;
	vm14 =	vmand vm3, vm1;
	v26 =	vld [tilespmem:s11+$0x0]  }
0x2dc: {  	v29 =	vor.u32 s12, v2;
	vm1 =	vmand vm3, vm9;
	v36 =	vsub.f32 v34, v6;
	[tilespmem:v19+s20+$0x0] =	vst.idx.add.f32.msk vm7, v3  }
0x2dd: {  	v28 =	vcvt.f32.s32 v28;
	v37 =	vnsel vm1, $0x0, v16;
	[tilespmem:v25+s23+$0x0] =	vst.idx.add.f32.msk vm10, v17;
	v17 =	vmax.f32 v22, $0.0e+00  }
0x2de: {  	v21 =	vcvt.f32.s32 v21;
	vm9 =	vlt.s32 v32, v8;
	v22 =	vtrunc.f32 v27;
	v25 =	vld [tilespmem:s11+$0xFFFFFFC0]  }
0x2df: {  	v27 =	vor.u32 s4, v2;
	v36 =	vmul.f32 v36, v7;
	v17 =	vmin.f32 v17, $1.023000000e+03;
	v32 =	vld [tilespmem:s11+$0xFFFFFFD0]  }
0x2e0: {  	v39 =	vcvt.f32.s32 v22;
	v22 =	vmax.f32 v24, $0.0e+00;
	v24 =	vtrunc.f32 v17;
	v38 =	vld [tilespmem:s11+$0x20]  }
0x2e1: {  	v40 =	vsub.f32 v23, v10;
	v41 =	vmin.f32 v22, $1.023000000e+03;
	v36 =	vmax.f32 v36, $0.0e+00;
	v17 =	vld [tilespmem:s11+$0xFFFFFFE0]  }
0x2e2: {  	v42 =	vsub.f32 v34, v10;
	v43 =	vcvt.f32.s32 v24;
	v36 =	vmin.f32 v36, $1.023000000e+03;
	[tilespmem:v19+s23+$0x0] =	vst.idx.add.f32.msk vm7, v14;
	v14 =	vmovc v34  }
0x2e3: {  	vm1 =	veq.s32 v9, v39;
	v19 =	vtrunc.f32 v41;
	v22 =	vsub.f32 v25, v6;
	[tilespmem:v2+s22+$0x0] =	vst.idx.add.f32.msk $0xffff, v37  }
0x2e4: {  	vm3 =	vlt.s32 v9, v39;
	v34 =	vmul.f32 v42, v11;
	v37 =	vcvt.f32.s32 v19;
	[tilespmem:v28+s20+$0x0] =	vst.idx.add.f32.msk vm14, v3  }
0x2e5: {  	vm13 =	vlt.s32 v31, v8;
	v19 =	vsub.f32 v20, v10;
	v31 =	vsub.f32 v38, v6  }
0x2e6: {  	v39 =	vsub.f32 v20, v6;
	v41 =	vor.u32 s10, v2;
	v24 =	vsub.f32 v38, v10;
	[tilespmem:v28+s23+$0x0] =	vst.idx.add.f32.msk vm14, v16  }
0x2e7: {  	vm3 =	vmand vm2, vm3;
	v28 =	vsub.f32 v26, v6;
	vm14 =	vlt.s32 v41, v8;
	v16 =	vmovc v25  }
0x2e8: {  	v39 =	vmul.f32 v39, v7;
	v25 =	vsub.f32 v17, v6;
	v41 =	vnsel vm3, $0x0, v18;
	[tilespmem:v43+s20+$0x0] =	vst.idx.add.f32.msk vm8, v3  }
0x2e9: {  	vm1 =	vmand vm2, vm1;
	vm3 =	vlt.s32 v27, v8;
	v27 =	vmax.f32 v34, $0.0e+00;
	[tilespmem:v2+s22+$0x0] =	vst.idx.add.f32.msk $0xffff, v41  }
0x2ea: {  	v39 =	vmax.f32 v39, $0.0e+00;
	v19 =	vmul.f32 v19, v11;
	v34 =	vsub.f32 v26, v10;
	[tilespmem:v43+s23+$0x0] =	vst.idx.add.f32.msk vm8, v15  }
0x2eb: {  	vm2 =	vlt.s32 v30, v8;
	v30 =	vsub.f32 v23, v6;
	v41 =	vnsel vm6, $0x0, v13;
	v15 =	vmovc v38  }
0x2ec: {  	v31 =	vmul.f32 v31, v7;
	vm6 =	vlt.s32 v33, v8;
	v33 =	vnsel vm5, $0x0, v12;
	[tilespmem:v2+s22+$0x0] =	vst.idx.add.f32.msk $0xffff, v41  }
0x2ed: {  	v36 =	vtrunc.f32 v36;
	v28 =	vmul.f32 v28, v7;
	v38 =	vmin.f32 v39, $1.023000000e+03;
	[tilespmem:v35+s20+$0x0] =	vst.idx.add.f32.msk vm4, v3  }
0x2ee: {  	v25 =	vmul.f32 v25, v7;
	v31 =	vmax.f32 v31, $0.0e+00;
	v39 =	vmul.f32 v40, v11;
	[tilespmem:v2+s22+$0x0] =	vst.idx.add.f32.msk $0xffff, v33  }
0x2ef: {  	v27 =	vmin.f32 v27, $1.023000000e+03;
	vm5 =	vlt.s32 v29, v8;
	v29 =	vmin.f32 v31, $1.023000000e+03;
	[tilespmem:v35+s23+$0x0] =	vst.idx.add.f32.msk vm4, v13;
	v13 =	vmovc v26  }
0x2f0: {  	v27 =	vtrunc.f32 v27;
	v29 =	vtrunc.f32 v29;
	v26 =	vmax.f32 v39, $0.0e+00;
	[tilespmem:v21+s20+$0x0] =	vst.idx.add.f32.msk vm11, v3  }
0x2f1: {  	v30 =	vmul.f32 v30, v7;
	v31 =	vtrunc.f32 v38;
	v33 =	vmax.f32 v19, $0.0e+00;
	[tilespmem:v37+s20+$0x0] =	vst.idx.add.f32.msk vm1, v3  }
0x2f2: {  	v28 =	vmax.f32 v28, $0.0e+00;
	v19 =	vcvt.f32.s32 v27;
	v35 =	vsub.f32 v16, v10;
	[tilespmem:v37+s23+$0x0] =	vst.idx.add.f32.msk vm1, v18;
	v18 =	vmovc v32  }
0x2f3: {  	v25 =	vmax.f32 v25, $0.0e+00;
	v27 =	vsub.f32 v17, v10;
	v32 =	vmul.f32 v34, v11;
	[tilespmem:v21+s23+$0x0] =	vst.idx.add.f32.msk vm11, v12  }
0x2f4: {  	v21 =	vmin.f32 v25, $1.023000000e+03;
	v25 =	vmin.f32 v26, $1.023000000e+03;
	v26 =	vmin.f32 v28, $1.023000000e+03;
	v12 =	vmovc v23  }
0x2f5: {  	v23 =	vmul.f32 v27, v11;
	v27 =	vcvt.f32.s32 v36  }
0x2f6: {  	v28 =	vmin.f32 v33, $1.023000000e+03;
	v21 =	vtrunc.f32 v21;
	v26 =	vtrunc.f32 v26  }
0x2f7: {  	v33 =	vcvt.f32.s32 v21;
	v26 =	vcvt.f32.s32 v26;
	vm11 =	vlt.s32 v9, v27  }
0x2f8: {  	v29 =	vcvt.f32.s32 v29;
	v21 =	vcvt.f32.s32 v31;
	vm7 =	veq.s32 v9, v27  }
0x2f9: {  	v28 =	vtrunc.f32 v28;
	v27 =	vmax.f32 v32, $0.0e+00;
	vm1 =	veq.s32 v9, v26  }
0x2fa: {  	vm8 =	veq.s32 v9, v21;
	vm4 =	vmand vm6, vm1;
	vm1 =	vlt.s32 v9, v21  }
0x2fb: {  	vm7 =	vmand vm14, vm7;
	vm15 =	vmand vm12, vm1;
	vm1 =	vmand vm12, vm8  }
0x2fc: {  	v21 =	vmax.f32 v30, $0.0e+00;
	v30 =	vcvt.f32.s32 v28;
	vm8 =	veq.s32 v9, v33  }
0x2fd: {  	v28 =	vmin.f32 v21, $1.023000000e+03;
	v21 =	vtrunc.f32 v25;
	vm12 =	veq.s32 v9, v29  }
0x2fe: {  	v23 =	vmax.f32 v23, $0.0e+00;
	vm10 =	vmand vm9, vm8;
	v28 =	vtrunc.f32 v28  }
0x2ff: {  	v23 =	vmin.f32 v23, $1.023000000e+03;
	vm8 =	vlt.s32 v9, v26;
	v25 =	vnsel vm15, $0x0, v20  }
0x300: {  	v23 =	vtrunc.f32 v23;
	vm15 =	vlt.s32 v9, v33;
	vm6 =	vmand vm6, vm8;
	[tilespmem:v2+s22+$0x0] =	vst.idx.add.f32.msk $0xffff, v25  }
0x301: {  	vm8 =	vmand vm9, vm15;
	v25 =	vcvt.f32.s32 v23;
	v23 =	vmin.f32 v27, $1.023000000e+03  }
0x302: {  	vm9 =	vlt.s32 v9, v29;
	v26 =	vnsel vm8, $0x0, v17;
	v23 =	vtrunc.f32 v23;
	[tilespmem:v30+s20+$0x0] =	vst.idx.add.f32.msk vm1, v3  }
.Ltmp44:
0x303: {  	v31 =	vcvt.f32.s32 v28;
	vm8 =	vmand vm13, vm12;
	v27 =	vmul.f32 v22, v7;
	(pc) =	sbr.rel @p0 .LBB2_57-.Ltmp44, $4  }
0x304: {  	v32 =	vsub.f32 v18, v6;
	v28 =	vmul.f32 v35, v11;
	v22 =	vmul.f32 v24, v11  }
0x305: {  	vm12 =	vlt.s32 v9, v31;
	v24 =	vsub.f32 v18, v10;
	v29 =	vmax.f32 v27, $0.0e+00;
	[tilespmem:v2+s22+$0x0] =	vst.idx.add.f32.msk $0xffff, v26  }
0x306: {  	vm15 =	veq.s32 v9, v31;
	[tilespmem:v30+s23+$0x0] =	vst.idx.add.f32.msk vm1, v20;
	vm1 =	vmand vm13, vm9;
	vm9 =	vmand vm14, vm11  }
0x307: {  	s11 =	sadd.s32 $0x80, s11;
	s10 =	sadd.s32 $0x80, s10;
	v27 =	vmul.f32 v32, v7;
	[tilespmem:v25+s20+$0x0] =	vst.idx.add.f32.msk vm10, v3;
	v26 =	vnsel vm1, $0x0, v15;
	v20 =	vnsel vm9, $0x0, v14  }
.Ltmp45:
0x308: {  	_ = 	snop;
	(pc) =	sbr.rel .LBB2_58-.Ltmp45, $1  }
0x309: {  	_ =	sdelay $0x3  }
.LBB2_48:
.Ltmp46:
0x30a: {  	(pc) =	sbr.rel .LBB2_52-.Ltmp46, $2  }
0x30b: {  	_ =	sdelay $0x2  }
0x30c: {  	s11 =	simm.s32 $0x1F80  }
.LBB2_50:
.Ltmp47:
0x30d: {  	(pc) =	sbr.rel .LBB2_52-.Ltmp47, $2  }
0x30e: {  	_ =	sdelay $0x2  }
0x30f: {  	s11 =	simm.s32 $0x1F80  }
.LBB2_60:
0x310: {  	s0 =	ssub.f32 s0, s2  }
0x311: {  	s7 =	simm.s32 $0x3F  }
0x312: {  	s2 =	simm.f32 $0.0e+00;
	v6 =	vld [tilespmem:$0xA780];
	s6 =	simm.f32 $0.0e+00;
	s0 =	sadd.f32 $1.000000000e+02, s0  }
.LBB2_61:
0x313: {  	s4 =	sshll.u32 s7, $0x4  }
0x314: {  	v7 =	vld [tilespmem:s4+$0x9F80];
	_ =	sdelay $0x4  }
0x315: {  	(xrf2) =	vadd.scan.msk.f32 $0xffff, v7;
	_ =	sdelay $0x4  }
0x316: {  	v7 =	vld [tilespmem:s4+$0xA380];
	_ =	sdelay $0x4  }
0x317: {  	(xrf2) =	vadd.scan.msk.f32 $0xffff, v7;
	v7, _, _ =	vpop (xrf2)  }
0x318: {  	(v2sf) =	vpush v7, $0xF;
	_ =	sdelay $0xb  }
0x319: {  	v7, _, _ =	vpop (xrf2)  }
0x31a: {  	(v2sf) =	vpush v7, $0xF;
	_ =	sdelay $0x1  }
0x31b: {  	s24 =	spop (v2sf)  }
0x31c: {  	s8 =	smov.u32 s6;
	s6 =	sadd.f32 s24, s6;
	_ =	sdelay $0x1  }
0x31d: {  	p0 =	sge.f32 s6, s0;
	_ =	sdelay $0x1  }
0x31e: {  	s4 =	simm.s32 $0x1;
	p1 =	por !p0, !p0  }
0x31f: {  	s4 =	simm.s32 @!p1 $0x0  }
0x320: {  	s7 =	ssub.s32 s7, s4  }
0x321: {  	p1 =	slt.s32 s7, $0x0  }
0x322: {  	p2 =	sge.f32 @!p1 s6, s0;
	_ =	sdelay $0x1  }
0x323: {  	p1 =	por p1, p2  }
.Ltmp48:
0x324: {  	_ = 	snop;
	(pc) =	sbr.rel @!p1 .LBB2_61-.Ltmp48, $3  }
0x325: {  	s25 =	spop (v2sf);
	s4 =	smov.u32 s2  }
0x326: {  	s2 =	sadd.f32 s25, s4;
	_ =	sdelay $0x1  }
0x327: {  	s6 =	smov.u32 @p0 s8;
	s2 =	smov.u32 @p0 s4  }
0x328: {  	p0 =	sgt.s32 s7, $0x0  }
0x329: {  	s7 =	simm.s32 @!p0 $0x0  }
0x32a: {  	s4 =	sshll.u32 s7, $0x4  }
0x32b: {  	v7 =	vld [tilespmem:s4+$0x9F80];
	_ =	sdelay $0x4  }
0x32c: {  	v8 =	vperm.xlane v7, v4  }
0x32d: {  	(xrf2) =	vadd.scan.msk.f32 $0xffff, v6  }
0x32e: {  	(xrf2) =	vadd.scan.msk.f32 $0xffff, v8;
	_ =	sdelay $0x8  }
0x32f: {  	v6, _, _ =	vpop (xrf2)  }
0x330: {  	v8, _, _ =	vpop (xrf2)  }
0x331: {  	v8 =	vperm.xlane v8, v4;
	_ =	sdelay $0x1  }
0x332: {  	v8 =	vadd.f32 s6, v8;
	_ =	sdelay $0x1  }
0x333: {  	vm1 =	vge.f32 v8, s0  }
0x334: {  	v9 =	vsel vm1, $0x3F800000, v1  }
0x335: {  	(xrf2) =	vadd.scan.msk.f32 $0xffff, v9;
	_ =	sdelay $0x9  }
0x336: {  	(v2sf) =	vpush v6, $0xF;
	v6, _, _ =	vpop (xrf2)  }
0x337: {  	(v2sf) =	vpush v6, $0xF;
	_ =	sdelay $0xd  }
0x338: {  	s16 =	spop (v2sf)  }
0x339: {  	s17 =	spop (v2sf)  }
0x33a: {  	v6 =	vld [tilespmem:s4+$0xA380];
	s7 =	sadd.f32 $-1.000000000e+00, s17;
	_ =	sdelay $0x1  }
0x33b: {  	v59 =	vmov s7  }
0x33c: {  	vm1 =	veq.f32 v59, v5  }
0x33d: {  	v7 =	vnsel vm1, $0x0, v7  }
0x33e: {  	v60 =	vperm.xlane v6, v4;
	(xrf2) =	vadd.scan.msk.f32 $0xffff, v7;
	v7 =	vnsel vm1, $0x0, v8  }
0x33f: {  	(xrf2) =	vadd.scan.msk.f32 $0xffff, v7  }
0x340: {  	(xrf2) =	vadd.scan.msk.f32 $0xffff, v60;
	_ =	sdelay $0x7  }
0x341: {  	v7, _, _ =	vpop (xrf2)  }
0x342: {  	v61, _, _ =	vpop (xrf2)  }
0x343: {  	v62, _, _ =	vpop (xrf2)  }
0x344: {  	v6 =	vnsel vm1, $0x0, v6;
	v9 =	vperm.xlane v62, v4  }
0x345: {  	(xrf2) =	vadd.scan.msk.f32 $0xffff, v6  }
0x346: {  	v9 =	vadd.f32 s2, v9;
	_ =	sdelay $0x1  }
0x347: {  	v63 =	vld [tilespmem:$0x1FFF0];
	v6 =	vnsel vm1, $0x0, v9  }
0x348: {  	(xrf2) =	vadd.scan.msk.f32 $0xffff, v6;
	v6 =	vld [tilespmem:s29+$0xA980];
	_ =	sdelay $0x3  }
0x349: {  	vm1 =	vnez.u8 v63  }
0x34a: {  	v6 =	vnsel vm1, $0x0, v6  }
0x34b: {  	(v2sf) =	vpush v7, $0xF;
	v7, _, _ =	vpop (xrf2);
	(xrf2) =	vadd.scan.msk.f32 $0xffff, v6;
	_ =	sdelay $0x1  }
0x34c: {  	(v2sf) =	vpush v61, $0xF;
	_ =	sdelay $0x1  }
0x34d: {  	(v2sf) =	vpush v7, $0xF;
	v6, _, _ =	vpop (xrf2)  }
0x34e: {  	(v2sf) =	vpush v6, $0xF;
	_ =	sdelay $0x4  }
0x34f: {  	v6, _, _ =	vpop (xrf2)  }
0x350: {  	(v2sf) =	vpush v6, $0xF;
	_ =	sdelay $0x1  }
0x351: {  	s4 =	scvt.s32.f32 s4;
	_ =	sdelay $0x1  }
0x352: {  	s19 =	smul.f32 $9.765625000e-04, s31;
	s4 =	sadd.f32 s4, s7  }
0x353: {  	s18 =	spop (v2sf)  }
0x354: {  	s4 =	smul.f32 s4, s19;
	s8 =	spop (v2sf)  }
0x355: {  	s2 =	ssub.f32 s18, s8  }
0x356: {  	s4 =	sadd.f32 s4, s30;
	s9 =	spop (v2sf)  }
0x357: {  	s24 =	sadd.f32 s2, s0;
	s10 =	spop (v2sf)  }
0x358: {  	s9 =	ssub.f32 s10, s9;
	_ =	sdelay $0x1  }
0x359: {  	s0 =	smul.f32 s24, s4;
	s25 =	sadd.f32 s9, s16  }
0x35a: {  	_ = 	snop  }
0x35b: {  	s0 =	sadd.f32 s0, s25  }
0x35c: {  	s26 =	sadd.s32 $0x1, s26;
	s30 =	spop (v2sf)  }
0x35d: {  	p0 =	sne.s32 s26, $0x20;
	v6 =	vor.u32 s29, v2;
	s0 =	smul.f32 s0, s30  }
.Ltmp49:
0x35e: {  	_ = 	snop;
	(pc) =	sbr.rel @p0 .LBB2_4-.Ltmp49, $4  }
.Ltmp50:
0x35f: {  	_ = 	snop;
	(pc) =	sbr.rel @!p0 .LBB2_63-.Ltmp50, $4  }
0x360: {  	_ = 	snop  }
0x361: {  	s31 =	simm.s32 $0xAA00;
	v7 =	vmov s0  }
0x362: {  	s28 =	sadd.s32 $0x310, s28;
	[tilespmem:v6+s31+$0x0] =	vst.idx.msk vm1, v7  }
0x363: {  	_ = 	snop  }
.LBB2_11:
.Ltmp51:
0x364: {  	(pc) =	sbr.rel .LBB2_15-.Ltmp51, $2  }
0x365: {  	_ =	sdelay $0x2  }
0x366: {  	s2 =	smov.u32 s28;
	s6 =	simm.s32 $0x0  }
.LBB2_13:
.Ltmp52:
0x367: {  	(pc) =	sbr.rel .LBB2_15-.Ltmp52, $2  }
0x368: {  	_ =	sdelay $0x2  }
0x369: {  	s2 =	smov.u32 s28;
	s6 =	simm.s32 $0x0  }
.LBB2_64:
0x36a: {  	_ =	sfence.sel $0x180000  }
0x36b: {  	[bflag:$0x0] =	sbarrier.arrive $0xFFFF  }
0x36c: {  	_ =	strace $0x90000047  }
0x36d: {  	s0 =	stileid.u32;
	[bflag:$0x2] =	sbarrier.arrive $0xFFFF  }
0x36e: {  	p0 =	sne.s32 s0, $0x0;
	s0 =	rddreg [dreg:$0x2]  }
0x36f: {  	s0 =	sadd.s32 @!p0 $0x100000, s0  }
0x370: {  	[sflag:s0] =	ssyncadd.tile.s32 @!p0 $0x1;
	_ =	shalt  }
.Lfunc_end2:
_tile_overlayer_lowered:
.L_overlay_start_2:
0x371: {  	(tag) =	ssettag $0x2  }
0x372: {  	s0 =	rddreg [dreg:$0x0];
	s2 =	stileid.u32  }
0x373: {  	s1 =	rddreg [dreg:$0x1];
	p0 =	sne.s32 s2, $0x0  }
0x374: {  	s3 =	rddreg [dreg:$0x2];
	[bflag:$0x3] =	sbarrier.arrive $0xFFFF;
	s2 =	simm.s32 @!p0 $0x1C02  }
0x375: {  	[timem:s3], [sflag:s2] =	dma.local @!p0 [hbm:s0], s1  }
0x376: {  	s0 =	simm.s32 @!p0 $0x2  }
0x377: {  	_ =	swait.ge @!p0 [sflag:s0], s1  }
0x378: {  	s1 =	ssub.s32 @!p0 $0x0, s1;
	[sflag:s0] =	ssyncset.done @!p0 $0x0  }
0x379: {  	[sflag:s0] =	ssyncadd.s32 @!p0 s1  }
0x37a: {  	[bflag:$0x3] =	sbarrier.arrive $0xFFFF  }
0x37b: {  	_ =	shalt  }

</sc_bundles>
